<compile_context>
chip_gen: v7x
topology: tpu7x:2x2x1
jax: 0.10.2.dev20260603
libtpu: 0.0.44.dev20260713+nightly
codegen_flags: <defaults>
</compile_context>

<pallas_src>
import functools

import jax
import jax.numpy as jnp
from jax import lax
from jax.experimental import pallas as pl
from jax.experimental.pallas import tpu as pltpu
from jax.experimental.pallas import tpu_sc as plsc

_C = 19
_BINS = _C * _C
_BINS_PAD = 368
_L = 16
_PX_PER_TILE = 65536
_CH = 16384
_NCH = _PX_PER_TILE // _CH


def _body(pred_hbm, label_hbm, out_hbm,
          pb0, pb1, lb0, lb1, hist, merged, sh4, bhist, svec, sc4,
          shared_hist, shared_scores, shared_pad,
          sp0, sp1, sl0, sl1):
    c = lax.axis_index("c")
    s = lax.axis_index("s")
    batch = c * 4 + s // 4
    row0 = (s % 4) * (_PX_PER_TILE // 512)

    lane = lax.iota(jnp.int32, _L)
    lane16 = lane * 16
    ones = jnp.ones((_L,), jnp.float32)
    zeros = jnp.zeros((_L,), jnp.float32)

    @plsc.parallel_loop(0, _BINS_PAD * _L // 256, 1)
    def _(k):
        for u in range(16):
            hist[pl.ds(k * 256 + u * 16, _L)] = zeros

    pbufs = (pb0, pb1)
    lbufs = (lb0, lb1)
    psems = (sp0, sp1)
    lsems = (sl0, sl1)

    rows_per_ch = _CH // 512

    def start(ch):
        slot = ch % 2
        r = row0 + ch * rows_per_ch
        cp = pltpu.async_copy(pred_hbm.at[batch, 0, pl.ds(r, rows_per_ch), :],
                              pbufs[slot], psems[slot])
        cl = pltpu.async_copy(label_hbm.at[batch, 0, pl.ds(r, rows_per_ch), :],
                              lbufs[slot], lsems[slot])
        return cp, cl

    pending = {0: start(0)}
    for ch in range(_NCH):
        if ch + 1 < _NCH:
            pending[ch + 1] = start(ch + 1)
        cp, cl = pending.pop(ch)
        cp.wait()
        cl.wait()
        pb = pbufs[ch % 2]
        lb = lbufs[ch % 2]

        def make_chunk_body(pb, lb):
            def chunk_body(v):
                r = v >> 5
                col = (v & 31) * 16
                p = pb[r, pl.ds(col, _L)]
                l = lb[r, pl.ds(col, _L)]
                addr = (p * _C + l) * 16 + lane
                plsc.addupdate_scatter(hist, [addr], ones)
            return chunk_body
        plsc.parallel_loop(0, _CH // 16, 1, unroll=16)(make_chunk_body(pb, lb))

    @plsc.parallel_loop(0, _BINS_PAD // 16, 1)
    def _(k):
        acc = zeros
        for u in range(16):
            acc = acc + plsc.load_gather(hist, [k * 256 + lane16 + u])
        merged[pl.ds(k * 16, _L)] = acc

    pltpu.sync_copy(merged, shared_hist.at[s])
    plsc.subcore_barrier()

    @pl.when(s < 4)
    def _():
        pltpu.sync_copy(shared_hist.at[pl.ds(s * 4, 4)], sh4)

        def sum4_body(k, _):
            d = pl.ds(k * 16, _L)
            bhist[d] = (sh4[0, d] + sh4[1, d]) + (sh4[2, d] + sh4[3, d])
            return 0
        lax.fori_loop(0, _BINS_PAD // 16, sum4_body, 0)

        for half in range(2):
            cvec = jnp.minimum(half * 16 + lane, _C - 1)
            hi = plsc.load_gather(bhist, [cvec * (_C + 1)])
            hp = jnp.zeros((_L,), jnp.float32)
            hl = jnp.zeros((_L,), jnp.float32)
            for v in range(_C):
                hp = hp + plsc.load_gather(bhist, [cvec * _C + v])
                hl = hl + plsc.load_gather(bhist, [v * _C + cvec])
            merged[pl.ds(half * 16, _L)] = (2.0 * hi) / (hp + hl + 1e-10)

    pltpu.sync_copy(merged, shared_scores.at[s])
    plsc.subcore_barrier()

    @pl.when(s == 0)
    def _():
        pltpu.sync_copy(shared_scores.at[pl.ds(0, 4)], sh4)
        for half in range(2):
            d = pl.ds(half * 16, _L)
            svec[d] = ((sh4[0, d] + sh4[1, d]) + (sh4[2, d] + sh4[3, d])) * 0.125
        pltpu.sync_copy(svec, out_hbm.at[c])


@functools.partial(
    pl.kernel,
    out_type=jax.ShapeDtypeStruct((2, 32), jnp.float32),
    mesh=plsc.VectorSubcoreMesh(core_axis_name="c", subcore_axis_name="s"),
    compiler_params=pltpu.CompilerParams(needs_layout_passes=False),
    scratch_types=[
        pltpu.VMEM((_CH // 512, 512), jnp.int32),
        pltpu.VMEM((_CH // 512, 512), jnp.int32),
        pltpu.VMEM((_CH // 512, 512), jnp.int32),
        pltpu.VMEM((_CH // 512, 512), jnp.int32),
        pltpu.VMEM((_BINS_PAD * _L,), jnp.float32),
        pltpu.VMEM((_BINS_PAD,), jnp.float32),
        pltpu.VMEM((4, _BINS_PAD), jnp.float32),
        pltpu.VMEM((_BINS_PAD,), jnp.float32),
        pltpu.VMEM((32,), jnp.float32),
        pltpu.VMEM((4, 32), jnp.float32),
        pltpu.VMEM_SHARED((24, _BINS_PAD), jnp.float32),
        pltpu.VMEM_SHARED((24, _BINS_PAD), jnp.float32),
        pltpu.VMEM_SHARED((4096,), jnp.float32),
        pltpu.SemaphoreType.DMA,
        pltpu.SemaphoreType.DMA,
        pltpu.SemaphoreType.DMA,
        pltpu.SemaphoreType.DMA,
    ],
)
def _dice_partials(pred_hbm, label_hbm, out_hbm, *rest):
    _body(pred_hbm, label_hbm, out_hbm, *rest)


def kernel(pred, label):
    part = _dice_partials(pred, label)
    return (part[0] + part[1])[:_C]

# --- scband reference (transcript-rebuilt; emitter-appended) ---
"""Pipeline reference for scband-dice-18202071400798 (READ-ONLY COPY).

The authoritative reference and input builder live on the scoring server;
editing this copy changes nothing except your own understanding.
"""

import jax, jax.numpy as jnp
import numpy as np

NUM_CLASSES = 19


def setup_inputs(seed: int = 0) -> dict:
    key = jax.random.key(seed)
    k1, k2 = jax.random.split(key)
    pred = jax.random.randint(k1, (8, 1, 512, 512), 0, NUM_CLASSES)
    label = jax.random.randint(k2, (8, 1, 512, 512), 0, NUM_CLASSES)
    return {"pred": pred, "label": label}


def reference(pred, label):
    # Faithful translation of torch scatter_(1, idx, 1) one-hot construction.
    # pred/label: int[B, 1, H, W] class-index maps.
    _pred = jax.nn.one_hot(pred[:, 0], NUM_CLASSES, axis=1, dtype=jnp.float32)   # [B, C, H, W]
    _label = jax.nn.one_hot(label[:, 0], NUM_CLASSES, axis=1, dtype=jnp.float32)  # [B, C, H, W]
    reduce_dim = (2, 3)
    intersection = 2.0 * jnp.sum(_pred * _label, axis=reduce_dim)  # [B, C]
    union = jnp.sum(_pred, axis=reduce_dim) + jnp.sum(_label, axis=reduce_dim)  # [B, C]
    epsilon = 1e-10
    score = intersection / (union + epsilon)
    return jnp.mean(score, axis=0)  # [C]

if __name__ == "__main__":
    import jax
    _d = setup_inputs()
    print(jax.jit(kernel)(*tuple(_d.values())))

</pallas_src>

<mosaic_0001>
#map = affine_map<(d0, d1) -> (0, 0, 0, 0)>
#map1 = affine_map<(d0, d1) -> (0, 0)>
module attributes {stable_mosaic.version = 14 : i64} {
  func.func @_dice_partials(%arg0: i32, %arg1: i32, %arg2: memref<8x1x512x512xi32, #tpu.memory_space<hbm>>, %arg3: memref<8x1x512x512xi32, #tpu.memory_space<hbm>>, %arg4: memref<2x32xf32, #tpu.memory_space<hbm>>, %arg5: memref<32x512xi32, #tpu.memory_space<vmem>>, %arg6: memref<32x512xi32, #tpu.memory_space<vmem>>, %arg7: memref<32x512xi32, #tpu.memory_space<vmem>>, %arg8: memref<32x512xi32, #tpu.memory_space<vmem>>, %arg9: memref<5888xf32, #tpu.memory_space<vmem>>, %arg10: memref<368xf32, #tpu.memory_space<vmem>>, %arg11: memref<4x368xf32, #tpu.memory_space<vmem>>, %arg12: memref<368xf32, #tpu.memory_space<vmem>>, %arg13: memref<32xf32, #tpu.memory_space<vmem>>, %arg14: memref<4x32xf32, #tpu.memory_space<vmem>>, %arg15: memref<24x368xf32, #tpu.memory_space<vmem_shared>>, %arg16: memref<24x368xf32, #tpu.memory_space<vmem_shared>>, %arg17: memref<4096xf32, #tpu.memory_space<vmem_shared>>, %arg18: memref<!tpu.dma_semaphore, #tpu.memory_space<semaphore_mem>>, %arg19: memref<!tpu.dma_semaphore, #tpu.memory_space<semaphore_mem>>, %arg20: memref<!tpu.dma_semaphore, #tpu.memory_space<semaphore_mem>>, %arg21: memref<!tpu.dma_semaphore, #tpu.memory_space<semaphore_mem>>) attributes {dimension_semantics = [#tpu.dimension_semantics<core_parallel>, #tpu.dimension_semantics<subcore_parallel>], iteration_bounds = array<i64: 2, 16>, scalar_prefetch = 0 : i64, scratch_operands = 17 : i64, tpu.core_type = #tpu.core_type<sc_vector_subcore>, window_params = [{transform_indices = #map}, {transform_indices = #map}, {transform_indices = #map1}]} {
    %mul3A = arith.constant 4 : i32
    %mul3A_0 = arith.muli %arg0, %mul3A : i32
    %jit3A = arith.constant 4 : i32
    %div3A = arith.divsi %arg1, %jit3A : i32
    %sign3A = arith.constant 0 : i32
    %sign3A_1 = arith.cmpi sgt, %arg1, %sign3A : i32
    %sign3A_2 = arith.extui %sign3A_1 : i1 to i32
    %sign3A_3 = arith.constant 0 : i32
    %sign3A_4 = arith.cmpi slt, %arg1, %sign3A_3 : i32
    %sign3A_5 = arith.extui %sign3A_4 : i1 to i32
    %sign3A_6 = arith.subi %sign3A_2, %sign3A_5 : i32
    %sign3A_7 = arith.constant 0 : i32
    %sign3A_8 = arith.cmpi sgt, %jit3A, %sign3A_7 : i32
    %sign3A_9 = arith.extui %sign3A_8 : i1 to i32
    %sign3A_10 = arith.constant 0 : i32
    %sign3A_11 = arith.cmpi slt, %jit3A, %sign3A_10 : i32
    %sign3A_12 = arith.extui %sign3A_11 : i1 to i32
    %sign3A_13 = arith.subi %sign3A_9, %sign3A_12 : i32
    %ne3A = arith.cmpi ne, %sign3A_6, %sign3A_13 : i32
    %rem3A = arith.remsi %arg1, %jit3A : i32
    %ne3A_14 = arith.constant 0 : i32
    %ne3A_15 = arith.cmpi ne, %rem3A, %ne3A_14 : i32
    %and3A = arith.andi %ne3A, %ne3A_15 : i1
    %sub3A = arith.constant 1 : i32
    %sub3A_16 = arith.subi %div3A, %sub3A : i32
    %select_n3A = arith.select %and3A, %sub3A_16, %div3A : i32
    %add3A = arith.addi %mul3A_0, %select_n3A : i32
    %jit3A_17 = arith.constant 4 : i32
    %eq3A = arith.constant 0 : i32
    %eq3A_18 = arith.cmpi eq, %jit3A_17, %eq3A : i32
    %jit3A_19 = arith.constant 1 : i32
    %select_n3A_20 = arith.select %eq3A_18, %jit3A_19, %jit3A_17 : i32
    %rem3A_21 = arith.remsi %arg1, %select_n3A_20 : i32
    %ne3A_22 = arith.constant 0 : i32
    %ne3A_23 = arith.cmpi ne, %rem3A_21, %ne3A_22 : i32
    %lt3A = arith.constant 0 : i32
    %lt3A_24 = arith.cmpi slt, %rem3A_21, %lt3A : i32
    %lt3A_25 = arith.constant 0 : i32
    %lt3A_26 = arith.cmpi slt, %select_n3A_20, %lt3A_25 : i32
    %ne3A_27 = arith.xori %lt3A_24, %lt3A_26 : i1
    %and3A_28 = arith.andi %ne3A_27, %ne3A_23 : i1
    %add3A_29 = arith.addi %rem3A_21, %select_n3A_20 : i32
    %select_n3A_30 = arith.select %and3A_28, %add3A_29, %rem3A_21 : i32
    %mul3A_31 = arith.constant 128 : i32
    %mul3A_32 = arith.muli %select_n3A_30, %mul3A_31 : i32
    %iota3A = tpu.iota {dimensions = array<i32: 0>} : vector<16xi32>
    %mul3A_33 = arith.constant 16 : i32
    %mul3A_34 = vector.broadcast %mul3A_33 : i32 to vector<16xi32>
    %mul3A_35 = arith.muli %iota3A, %mul3A_34 : vector<16xi32>
    %broadcast_in_dim3A = arith.constant 1.000000e+00 : f32
    %broadcast_in_dim3A_36 = vector.broadcast %broadcast_in_dim3A : f32 to vector<16xf32>
    %broadcast_in_dim3A_37 = arith.constant 0.000000e+00 : f32
    %broadcast_in_dim3A_38 = vector.broadcast %broadcast_in_dim3A_37 : f32 to vector<16xf32>
    %parallel_loop3A = arith.constant 0 : i32
    %parallel_loop3A_39 = arith.constant 23 : i32
    %parallel_loop3A_40 = arith.constant 1 : i32
    scf.for %parallel_loop3A_183 = %parallel_loop3A to %parallel_loop3A_39 step %parallel_loop3A_40  : i32 {
      %parallel_loop3A_184 = arith.constant 256 : i32
      %parallel_loop3A_185 = arith.muli %parallel_loop3A_183, %parallel_loop3A_184 : i32
      %parallel_loop3A_186 = arith.constant 0 : i32
      %parallel_loop3A_187 = arith.addi %parallel_loop3A_185, %parallel_loop3A_186 : i32
      %parallel_loop3A_188 = arith.index_cast %parallel_loop3A_187 : i32 to index
      %parallel_loop3A_189 = tpu.vector_load %arg9[%parallel_loop3A_188] {strides = array<i32>} : memref<5888xf32, #tpu.memory_space<vmem>>, vector<16xf32>,
      tpu.vector_store %arg9[%parallel_loop3A_188], %broadcast_in_dim3A_38 {strides = array<i32>} : memref<5888xf32, #tpu.memory_space<vmem>>, vector<16xf32>,
      %parallel_loop3A_190 = arith.constant 256 : i32
      %parallel_loop3A_191 = arith.muli %parallel_loop3A_183, %parallel_loop3A_190 : i32
      %parallel_loop3A_192 = arith.constant 16 : i32
      %parallel_loop3A_193 = arith.addi %parallel_loop3A_191, %parallel_loop3A_192 : i32
      %parallel_loop3A_194 = arith.index_cast %parallel_loop3A_193 : i32 to index
      %parallel_loop3A_195 = tpu.vector_load %arg9[%parallel_loop3A_194] {strides = array<i32>} : memref<5888xf32, #tpu.memory_space<vmem>>, vector<16xf32>,
      tpu.vector_store %arg9[%parallel_loop3A_194], %broadcast_in_dim3A_38 {strides = array<i32>} : memref<5888xf32, #tpu.memory_space<vmem>>, vector<16xf32>,
      %parallel_loop3A_196 = arith.constant 256 : i32
      %parallel_loop3A_197 = arith.muli %parallel_loop3A_183, %parallel_loop3A_196 : i32
      %parallel_loop3A_198 = arith.constant 32 : i32
      %parallel_loop3A_199 = arith.addi %parallel_loop3A_197, %parallel_loop3A_198 : i32
      %parallel_loop3A_200 = arith.index_cast %parallel_loop3A_199 : i32 to index
      %parallel_loop3A_201 = tpu.vector_load %arg9[%parallel_loop3A_200] {strides = array<i32>} : memref<5888xf32, #tpu.memory_space<vmem>>, vector<16xf32>,
      tpu.vector_store %arg9[%parallel_loop3A_200], %broadcast_in_dim3A_38 {strides = array<i32>} : memref<5888xf32, #tpu.memory_space<vmem>>, vector<16xf32>,
      %parallel_loop3A_202 = arith.constant 256 : i32
      %parallel_loop3A_203 = arith.muli %parallel_loop3A_183, %parallel_loop3A_202 : i32
      %parallel_loop3A_204 = arith.constant 48 : i32
      %parallel_loop3A_205 = arith.addi %parallel_loop3A_203, %parallel_loop3A_204 : i32
      %parallel_loop3A_206 = arith.index_cast %parallel_loop3A_205 : i32 to index
      %parallel_loop3A_207 = tpu.vector_load %arg9[%parallel_loop3A_206] {strides = array<i32>} : memref<5888xf32, #tpu.memory_space<vmem>>, vector<16xf32>,
      tpu.vector_store %arg9[%parallel_loop3A_206], %broadcast_in_dim3A_38 {strides = array<i32>} : memref<5888xf32, #tpu.memory_space<vmem>>, vector<16xf32>,
      %parallel_loop3A_208 = arith.constant 256 : i32
      %parallel_loop3A_209 = arith.muli %parallel_loop3A_183, %parallel_loop3A_208 : i32
      %parallel_loop3A_210 = arith.constant 64 : i32
      %parallel_loop3A_211 = arith.addi %parallel_loop3A_209, %parallel_loop3A_210 : i32
      %parallel_loop3A_212 = arith.index_cast %parallel_loop3A_211 : i32 to index
      %parallel_loop3A_213 = tpu.vector_load %arg9[%parallel_loop3A_212] {strides = array<i32>} : memref<5888xf32, #tpu.memory_space<vmem>>, vector<16xf32>,
      tpu.vector_store %arg9[%parallel_loop3A_212], %broadcast_in_dim3A_38 {strides = array<i32>} : memref<5888xf32, #tpu.memory_space<vmem>>, vector<16xf32>,
      %parallel_loop3A_214 = arith.constant 256 : i32
      %parallel_loop3A_215 = arith.muli %parallel_loop3A_183, %parallel_loop3A_214 : i32
      %parallel_loop3A_216 = arith.constant 80 : i32
      %parallel_loop3A_217 = arith.addi %parallel_loop3A_215, %parallel_loop3A_216 : i32
      %parallel_loop3A_218 = arith.index_cast %parallel_loop3A_217 : i32 to index
      %parallel_loop3A_219 = tpu.vector_load %arg9[%parallel_loop3A_218] {strides = array<i32>} : memref<5888xf32, #tpu.memory_space<vmem>>, vector<16xf32>,
      tpu.vector_store %arg9[%parallel_loop3A_218], %broadcast_in_dim3A_38 {strides = array<i32>} : memref<5888xf32, #tpu.memory_space<vmem>>, vector<16xf32>,
      %parallel_loop3A_220 = arith.constant 256 : i32
      %parallel_loop3A_221 = arith.muli %parallel_loop3A_183, %parallel_loop3A_220 : i32
      %parallel_loop3A_222 = arith.constant 96 : i32
      %parallel_loop3A_223 = arith.addi %parallel_loop3A_221, %parallel_loop3A_222 : i32
      %parallel_loop3A_224 = arith.index_cast %parallel_loop3A_223 : i32 to index
      %parallel_loop3A_225 = tpu.vector_load %arg9[%parallel_loop3A_224] {strides = array<i32>} : memref<5888xf32, #tpu.memory_space<vmem>>, vector<16xf32>,
      tpu.vector_store %arg9[%parallel_loop3A_224], %broadcast_in_dim3A_38 {strides = array<i32>} : memref<5888xf32, #tpu.memory_space<vmem>>, vector<16xf32>,
      %parallel_loop3A_226 = arith.constant 256 : i32
      %parallel_loop3A_227 = arith.muli %parallel_loop3A_183, %parallel_loop3A_226 : i32
      %parallel_loop3A_228 = arith.constant 112 : i32
      %parallel_loop3A_229 = arith.addi %parallel_loop3A_227, %parallel_loop3A_228 : i32
      %parallel_loop3A_230 = arith.index_cast %parallel_loop3A_229 : i32 to index
      %parallel_loop3A_231 = tpu.vector_load %arg9[%parallel_loop3A_230] {strides = array<i32>} : memref<5888xf32, #tpu.memory_space<vmem>>, vector<16xf32>,
      tpu.vector_store %arg9[%parallel_loop3A_230], %broadcast_in_dim3A_38 {strides = array<i32>} : memref<5888xf32, #tpu.memory_space<vmem>>, vector<16xf32>,
      %parallel_loop3A_232 = arith.constant 256 : i32
      %parallel_loop3A_233 = arith.muli %parallel_loop3A_183, %parallel_loop3A_232 : i32
      %parallel_loop3A_234 = arith.constant 128 : i32
      %parallel_loop3A_235 = arith.addi %parallel_loop3A_233, %parallel_loop3A_234 : i32
      %parallel_loop3A_236 = arith.index_cast %parallel_loop3A_235 : i32 to index
      %parallel_loop3A_237 = tpu.vector_load %arg9[%parallel_loop3A_236] {strides = array<i32>} : memref<5888xf32, #tpu.memory_space<vmem>>, vector<16xf32>,
      tpu.vector_store %arg9[%parallel_loop3A_236], %broadcast_in_dim3A_38 {strides = array<i32>} : memref<5888xf32, #tpu.memory_space<vmem>>, vector<16xf32>,
      %parallel_loop3A_238 = arith.constant 256 : i32
      %parallel_loop3A_239 = arith.muli %parallel_loop3A_183, %parallel_loop3A_238 : i32
      %parallel_loop3A_240 = arith.constant 144 : i32
      %parallel_loop3A_241 = arith.addi %parallel_loop3A_239, %parallel_loop3A_240 : i32
      %parallel_loop3A_242 = arith.index_cast %parallel_loop3A_241 : i32 to index
      %parallel_loop3A_243 = tpu.vector_load %arg9[%parallel_loop3A_242] {strides = array<i32>} : memref<5888xf32, #tpu.memory_space<vmem>>, vector<16xf32>,
      tpu.vector_store %arg9[%parallel_loop3A_242], %broadcast_in_dim3A_38 {strides = array<i32>} : memref<5888xf32, #tpu.memory_space<vmem>>, vector<16xf32>,
      %parallel_loop3A_244 = arith.constant 256 : i32
      %parallel_loop3A_245 = arith.muli %parallel_loop3A_183, %parallel_loop3A_244 : i32
      %parallel_loop3A_246 = arith.constant 160 : i32
      %parallel_loop3A_247 = arith.addi %parallel_loop3A_245, %parallel_loop3A_246 : i32
      %parallel_loop3A_248 = arith.index_cast %parallel_loop3A_247 : i32 to index
      %parallel_loop3A_249 = tpu.vector_load %arg9[%parallel_loop3A_248] {strides = array<i32>} : memref<5888xf32, #tpu.memory_space<vmem>>, vector<16xf32>,
      tpu.vector_store %arg9[%parallel_loop3A_248], %broadcast_in_dim3A_38 {strides = array<i32>} : memref<5888xf32, #tpu.memory_space<vmem>>, vector<16xf32>,
      %parallel_loop3A_250 = arith.constant 256 : i32
      %parallel_loop3A_251 = arith.muli %parallel_loop3A_183, %parallel_loop3A_250 : i32
      %parallel_loop3A_252 = arith.constant 176 : i32
      %parallel_loop3A_253 = arith.addi %parallel_loop3A_251, %parallel_loop3A_252 : i32
      %parallel_loop3A_254 = arith.index_cast %parallel_loop3A_253 : i32 to index
      %parallel_loop3A_255 = tpu.vector_load %arg9[%parallel_loop3A_254] {strides = array<i32>} : memref<5888xf32, #tpu.memory_space<vmem>>, vector<16xf32>,
      tpu.vector_store %arg9[%parallel_loop3A_254], %broadcast_in_dim3A_38 {strides = array<i32>} : memref<5888xf32, #tpu.memory_space<vmem>>, vector<16xf32>,
      %parallel_loop3A_256 = arith.constant 256 : i32
      %parallel_loop3A_257 = arith.muli %parallel_loop3A_183, %parallel_loop3A_256 : i32
      %parallel_loop3A_258 = arith.constant 192 : i32
      %parallel_loop3A_259 = arith.addi %parallel_loop3A_257, %parallel_loop3A_258 : i32
      %parallel_loop3A_260 = arith.index_cast %parallel_loop3A_259 : i32 to index
      %parallel_loop3A_261 = tpu.vector_load %arg9[%parallel_loop3A_260] {strides = array<i32>} : memref<5888xf32, #tpu.memory_space<vmem>>, vector<16xf32>,
      tpu.vector_store %arg9[%parallel_loop3A_260], %broadcast_in_dim3A_38 {strides = array<i32>} : memref<5888xf32, #tpu.memory_space<vmem>>, vector<16xf32>,
      %parallel_loop3A_262 = arith.constant 256 : i32
      %parallel_loop3A_263 = arith.muli %parallel_loop3A_183, %parallel_loop3A_262 : i32
      %parallel_loop3A_264 = arith.constant 208 : i32
      %parallel_loop3A_265 = arith.addi %parallel_loop3A_263, %parallel_loop3A_264 : i32
      %parallel_loop3A_266 = arith.index_cast %parallel_loop3A_265 : i32 to index
      %parallel_loop3A_267 = tpu.vector_load %arg9[%parallel_loop3A_266] {strides = array<i32>} : memref<5888xf32, #tpu.memory_space<vmem>>, vector<16xf32>,
      tpu.vector_store %arg9[%parallel_loop3A_266], %broadcast_in_dim3A_38 {strides = array<i32>} : memref<5888xf32, #tpu.memory_space<vmem>>, vector<16xf32>,
      %parallel_loop3A_268 = arith.constant 256 : i32
      %parallel_loop3A_269 = arith.muli %parallel_loop3A_183, %parallel_loop3A_268 : i32
      %parallel_loop3A_270 = arith.constant 224 : i32
      %parallel_loop3A_271 = arith.addi %parallel_loop3A_269, %parallel_loop3A_270 : i32
      %parallel_loop3A_272 = arith.index_cast %parallel_loop3A_271 : i32 to index
      %parallel_loop3A_273 = tpu.vector_load %arg9[%parallel_loop3A_272] {strides = array<i32>} : memref<5888xf32, #tpu.memory_space<vmem>>, vector<16xf32>,
      tpu.vector_store %arg9[%parallel_loop3A_272], %broadcast_in_dim3A_38 {strides = array<i32>} : memref<5888xf32, #tpu.memory_space<vmem>>, vector<16xf32>,
      %parallel_loop3A_274 = arith.constant 256 : i32
      %parallel_loop3A_275 = arith.muli %parallel_loop3A_183, %parallel_loop3A_274 : i32
      %parallel_loop3A_276 = arith.constant 240 : i32
      %parallel_loop3A_277 = arith.addi %parallel_loop3A_275, %parallel_loop3A_276 : i32
      %parallel_loop3A_278 = arith.index_cast %parallel_loop3A_277 : i32 to index
      %parallel_loop3A_279 = tpu.vector_load %arg9[%parallel_loop3A_278] {strides = array<i32>} : memref<5888xf32, #tpu.memory_space<vmem>>, vector<16xf32>,
      tpu.vector_store %arg9[%parallel_loop3A_278], %broadcast_in_dim3A_38 {strides = array<i32>} : memref<5888xf32, #tpu.memory_space<vmem>>, vector<16xf32>,
    } {sc.loop_unroll_factor = 1 : i64, sc.parallel_access}
    %add3A_41 = arith.constant 0 : i32
    %add3A_42 = arith.addi %mul3A_32, %add3A_41 : i32
    %dma_start3A = arith.constant 0 : i32
    %dma_start3A_43 = arith.constant 0 : i32
    %dma_start3A_44 = tpu.memref_slice %arg2[%add3A, %dma_start3A, %add3A_42, %dma_start3A_43] : memref<8x1x512x512xi32, #tpu.memory_space<hbm>> -> memref<1x1x32x512xi32, #tpu.memory_space<hbm>>
    %dma_start3A_45 = tpu.memref_squeeze %dma_start3A_44 : memref<1x1x32x512xi32, #tpu.memory_space<hbm>> -> memref<32x512xi32, #tpu.memory_space<hbm>>
    %dma_start3A_46 = arith.constant 0 : i32
    %dma_start3A_47 = tpu.memref_slice %arg2[%add3A, %dma_start3A, %add3A_42, %dma_start3A_46] : memref<8x1x512x512xi32, #tpu.memory_space<hbm>> -> memref<1x1x32x512xi32, #tpu.memory_space<hbm>>
    %dma_start3A_48 = tpu.memref_squeeze %dma_start3A_47 : memref<1x1x32x512xi32, #tpu.memory_space<hbm>> -> memref<32x512xi32, #tpu.memory_space<hbm>>
    tpu.enqueue_dma source(%dma_start3A_48 : memref<32x512xi32, #tpu.memory_space<hbm>>) target(%arg5 : memref<32x512xi32, #tpu.memory_space<vmem>>) target_semaphore(%arg18 : memref<!tpu.dma_semaphore, #tpu.memory_space<semaphore_mem>>)
    %dma_start3A_49 = arith.constant 0 : i32
    %dma_start3A_50 = arith.constant 0 : i32
    %dma_start3A_51 = tpu.memref_slice %arg3[%add3A, %dma_start3A_49, %add3A_42, %dma_start3A_50] : memref<8x1x512x512xi32, #tpu.memory_space<hbm>> -> memref<1x1x32x512xi32, #tpu.memory_space<hbm>>
    %dma_start3A_52 = tpu.memref_squeeze %dma_start3A_51 : memref<1x1x32x512xi32, #tpu.memory_space<hbm>> -> memref<32x512xi32, #tpu.memory_space<hbm>>
    %dma_start3A_53 = arith.constant 0 : i32
    %dma_start3A_54 = tpu.memref_slice %arg3[%add3A, %dma_start3A_49, %add3A_42, %dma_start3A_53] : memref<8x1x512x512xi32, #tpu.memory_space<hbm>> -> memref<1x1x32x512xi32, #tpu.memory_space<hbm>>
    %dma_start3A_55 = tpu.memref_squeeze %dma_start3A_54 : memref<1x1x32x512xi32, #tpu.memory_space<hbm>> -> memref<32x512xi32, #tpu.memory_space<hbm>>
    tpu.enqueue_dma source(%dma_start3A_55 : memref<32x512xi32, #tpu.memory_space<hbm>>) target(%arg7 : memref<32x512xi32, #tpu.memory_space<vmem>>) target_semaphore(%arg20 : memref<!tpu.dma_semaphore, #tpu.memory_space<semaphore_mem>>)
    %add3A_56 = arith.constant 32 : i32
    %add3A_57 = arith.addi %mul3A_32, %add3A_56 : i32
    %dma_start3A_58 = arith.constant 0 : i32
    %dma_start3A_59 = arith.constant 0 : i32
    %dma_start3A_60 = tpu.memref_slice %arg2[%add3A, %dma_start3A_58, %add3A_57, %dma_start3A_59] : memref<8x1x512x512xi32, #tpu.memory_space<hbm>> -> memref<1x1x32x512xi32, #tpu.memory_space<hbm>>
    %dma_start3A_61 = tpu.memref_squeeze %dma_start3A_60 : memref<1x1x32x512xi32, #tpu.memory_space<hbm>> -> memref<32x512xi32, #tpu.memory_space<hbm>>
    %dma_start3A_62 = arith.constant 0 : i32
    %dma_start3A_63 = tpu.memref_slice %arg2[%add3A, %dma_start3A_58, %add3A_57, %dma_start3A_62] : memref<8x1x512x512xi32, #tpu.memory_space<hbm>> -> memref<1x1x32x512xi32, #tpu.memory_space<hbm>>
    %dma_start3A_64 = tpu.memref_squeeze %dma_start3A_63 : memref<1x1x32x512xi32, #tpu.memory_space<hbm>> -> memref<32x512xi32, #tpu.memory_space<hbm>>
    tpu.enqueue_dma source(%dma_start3A_64 : memref<32x512xi32, #tpu.memory_space<hbm>>) target(%arg6 : memref<32x512xi32, #tpu.memory_space<vmem>>) target_semaphore(%arg19 : memref<!tpu.dma_semaphore, #tpu.memory_space<semaphore_mem>>)
    %dma_start3A_65 = arith.constant 0 : i32
    %dma_start3A_66 = arith.constant 0 : i32
    %dma_start3A_67 = tpu.memref_slice %arg3[%add3A, %dma_start3A_65, %add3A_57, %dma_start3A_66] : memref<8x1x512x512xi32, #tpu.memory_space<hbm>> -> memref<1x1x32x512xi32, #tpu.memory_space<hbm>>
    %dma_start3A_68 = tpu.memref_squeeze %dma_start3A_67 : memref<1x1x32x512xi32, #tpu.memory_space<hbm>> -> memref<32x512xi32, #tpu.memory_space<hbm>>
    %dma_start3A_69 = arith.constant 0 : i32
    %dma_start3A_70 = tpu.memref_slice %arg3[%add3A, %dma_start3A_65, %add3A_57, %dma_start3A_69] : memref<8x1x512x512xi32, #tpu.memory_space<hbm>> -> memref<1x1x32x512xi32, #tpu.memory_space<hbm>>
    %dma_start3A_71 = tpu.memref_squeeze %dma_start3A_70 : memref<1x1x32x512xi32, #tpu.memory_space<hbm>> -> memref<32x512xi32, #tpu.memory_space<hbm>>
    tpu.enqueue_dma source(%dma_start3A_71 : memref<32x512xi32, #tpu.memory_space<hbm>>) target(%arg8 : memref<32x512xi32, #tpu.memory_space<vmem>>) target_semaphore(%arg21 : memref<!tpu.dma_semaphore, #tpu.memory_space<semaphore_mem>>)
    %dma_wait3A = arith.constant 0 : i32
    %dma_wait3A_72 = arith.constant 0 : i32
    %dma_wait3A_73 = tpu.memref_slice %arg2[%add3A, %dma_wait3A, %add3A_42, %dma_wait3A_72] : memref<8x1x512x512xi32, #tpu.memory_space<hbm>> -> memref<1x1x32x512xi32, #tpu.memory_space<hbm>>
    %dma_wait3A_74 = tpu.memref_squeeze %dma_wait3A_73 : memref<1x1x32x512xi32, #tpu.memory_space<hbm>> -> memref<32x512xi32, #tpu.memory_space<hbm>>
    %dma_wait3A_75 = arith.constant 0 : i32
    %dma_wait3A_76 = tpu.memref_slice %arg2[%add3A, %dma_wait3A, %add3A_42, %dma_wait3A_75] : memref<8x1x512x512xi32, #tpu.memory_space<hbm>> -> memref<1x1x32x512xi32, #tpu.memory_space<hbm>>
    %dma_wait3A_77 = tpu.memref_squeeze %dma_wait3A_76 : memref<1x1x32x512xi32, #tpu.memory_space<hbm>> -> memref<32x512xi32, #tpu.memory_space<hbm>>
    tpu.wait_dma2 semaphore(%arg18 : memref<!tpu.dma_semaphore, #tpu.memory_space<semaphore_mem>>) src(%dma_wait3A_77 : memref<32x512xi32, #tpu.memory_space<hbm>>) dst(%arg5 : memref<32x512xi32, #tpu.memory_space<vmem>>)
    %dma_wait3A_78 = arith.constant 0 : i32
    %dma_wait3A_79 = arith.constant 0 : i32
    %dma_wait3A_80 = tpu.memref_slice %arg3[%add3A, %dma_wait3A_78, %add3A_42, %dma_wait3A_79] : memref<8x1x512x512xi32, #tpu.memory_space<hbm>> -> memref<1x1x32x512xi32, #tpu.memory_space<hbm>>
    %dma_wait3A_81 = tpu.memref_squeeze %dma_wait3A_80 : memref<1x1x32x512xi32, #tpu.memory_space<hbm>> -> memref<32x512xi32, #tpu.memory_space<hbm>>
    %dma_wait3A_82 = arith.constant 0 : i32
    %dma_wait3A_83 = tpu.memref_slice %arg3[%add3A, %dma_wait3A_78, %add3A_42, %dma_wait3A_82] : memref<8x1x512x512xi32, #tpu.memory_space<hbm>> -> memref<1x1x32x512xi32, #tpu.memory_space<hbm>>
    %dma_wait3A_84 = tpu.memref_squeeze %dma_wait3A_83 : memref<1x1x32x512xi32, #tpu.memory_space<hbm>> -> memref<32x512xi32, #tpu.memory_space<hbm>>
    tpu.wait_dma2 semaphore(%arg20 : memref<!tpu.dma_semaphore, #tpu.memory_space<semaphore_mem>>) src(%dma_wait3A_84 : memref<32x512xi32, #tpu.memory_space<hbm>>) dst(%arg7 : memref<32x512xi32, #tpu.memory_space<vmem>>)
    %parallel_loop3A_85 = arith.constant 0 : i32
    %parallel_loop3A_86 = arith.constant 1024 : i32
    %parallel_loop3A_87 = arith.constant 1 : i32
    scf.for %parallel_loop3A_183 = %parallel_loop3A_85 to %parallel_loop3A_86 step %parallel_loop3A_87  : i32 {
      %parallel_loop3A_184 = arith.constant 5 : i32
      %parallel_loop3A_185 = arith.shrsi %parallel_loop3A_183, %parallel_loop3A_184 : i32
      %parallel_loop3A_186 = arith.constant 31 : i32
      %parallel_loop3A_187 = arith.andi %parallel_loop3A_183, %parallel_loop3A_186 : i32
      %parallel_loop3A_188 = arith.constant 16 : i32
      %parallel_loop3A_189 = arith.muli %parallel_loop3A_187, %parallel_loop3A_188 : i32
      %parallel_loop3A_190 = arith.index_cast %parallel_loop3A_185 : i32 to index
      %parallel_loop3A_191 = arith.index_cast %parallel_loop3A_189 : i32 to index
      %parallel_loop3A_192 = tpu.vector_load %arg5[%parallel_loop3A_190, %parallel_loop3A_191] {strides = array<i32>} : memref<32x512xi32, #tpu.memory_space<vmem>>, vector<16xi32>,
      %parallel_loop3A_193 = arith.index_cast %parallel_loop3A_185 : i32 to index
      %parallel_loop3A_194 = arith.index_cast %parallel_loop3A_189 : i32 to index
      %parallel_loop3A_195 = tpu.vector_load %arg7[%parallel_loop3A_193, %parallel_loop3A_194] {strides = array<i32>} : memref<32x512xi32, #tpu.memory_space<vmem>>, vector<16xi32>,
      %parallel_loop3A_196 = arith.constant 19 : i32
      %parallel_loop3A_197 = vector.broadcast %parallel_loop3A_196 : i32 to vector<16xi32>
      %parallel_loop3A_198 = arith.muli %parallel_loop3A_192, %parallel_loop3A_197 : vector<16xi32>
      %parallel_loop3A_199 = arith.addi %parallel_loop3A_198, %parallel_loop3A_195 : vector<16xi32>
      %parallel_loop3A_200 = arith.constant 16 : i32
      %parallel_loop3A_201 = vector.broadcast %parallel_loop3A_200 : i32 to vector<16xi32>
      %parallel_loop3A_202 = arith.muli %parallel_loop3A_199, %parallel_loop3A_201 : vector<16xi32>
      %parallel_loop3A_203 = arith.addi %parallel_loop3A_202, %iota3A : vector<16xi32>
      tpu.vector_store_idx %arg9[%parallel_loop3A_203], %broadcast_in_dim3A_36 {add = true} : memref<5888xf32, #tpu.memory_space<vmem>>[vector<16xi32>], vector<16xf32>,
    } {sc.loop_unroll_factor = 16 : i64, sc.parallel_access}
    %add3A_88 = arith.constant 64 : i32
    %add3A_89 = arith.addi %mul3A_32, %add3A_88 : i32
    %dma_start3A_90 = arith.constant 0 : i32
    %dma_start3A_91 = arith.constant 0 : i32
    %dma_start3A_92 = tpu.memref_slice %arg2[%add3A, %dma_start3A_90, %add3A_89, %dma_start3A_91] : memref<8x1x512x512xi32, #tpu.memory_space<hbm>> -> memref<1x1x32x512xi32, #tpu.memory_space<hbm>>
    %dma_start3A_93 = tpu.memref_squeeze %dma_start3A_92 : memref<1x1x32x512xi32, #tpu.memory_space<hbm>> -> memref<32x512xi32, #tpu.memory_space<hbm>>
    %dma_start3A_94 = arith.constant 0 : i32
    %dma_start3A_95 = tpu.memref_slice %arg2[%add3A, %dma_start3A_90, %add3A_89, %dma_start3A_94] : memref<8x1x512x512xi32, #tpu.memory_space<hbm>> -> memref<1x1x32x512xi32, #tpu.memory_space<hbm>>
    %dma_start3A_96 = tpu.memref_squeeze %dma_start3A_95 : memref<1x1x32x512xi32, #tpu.memory_space<hbm>> -> memref<32x512xi32, #tpu.memory_space<hbm>>
    tpu.enqueue_dma source(%dma_start3A_96 : memref<32x512xi32, #tpu.memory_space<hbm>>) target(%arg5 : memref<32x512xi32, #tpu.memory_space<vmem>>) target_semaphore(%arg18 : memref<!tpu.dma_semaphore, #tpu.memory_space<semaphore_mem>>)
    %dma_start3A_97 = arith.constant 0 : i32
    %dma_start3A_98 = arith.constant 0 : i32
    %dma_start3A_99 = tpu.memref_slice %arg3[%add3A, %dma_start3A_97, %add3A_89, %dma_start3A_98] : memref<8x1x512x512xi32, #tpu.memory_space<hbm>> -> memref<1x1x32x512xi32, #tpu.memory_space<hbm>>
    %dma_start3A_100 = tpu.memref_squeeze %dma_start3A_99 : memref<1x1x32x512xi32, #tpu.memory_space<hbm>> -> memref<32x512xi32, #tpu.memory_space<hbm>>
    %dma_start3A_101 = arith.constant 0 : i32
    %dma_start3A_102 = tpu.memref_slice %arg3[%add3A, %dma_start3A_97, %add3A_89, %dma_start3A_101] : memref<8x1x512x512xi32, #tpu.memory_space<hbm>> -> memref<1x1x32x512xi32, #tpu.memory_space<hbm>>
    %dma_start3A_103 = tpu.memref_squeeze %dma_start3A_102 : memref<1x1x32x512xi32, #tpu.memory_space<hbm>> -> memref<32x512xi32, #tpu.memory_space<hbm>>
    tpu.enqueue_dma source(%dma_start3A_103 : memref<32x512xi32, #tpu.memory_space<hbm>>) target(%arg7 : memref<32x512xi32, #tpu.memory_space<vmem>>) target_semaphore(%arg20 : memref<!tpu.dma_semaphore, #tpu.memory_space<semaphore_mem>>)
    %dma_wait3A_104 = arith.constant 0 : i32
    %dma_wait3A_105 = arith.constant 0 : i32
    %dma_wait3A_106 = tpu.memref_slice %arg2[%add3A, %dma_wait3A_104, %add3A_57, %dma_wait3A_105] : memref<8x1x512x512xi32, #tpu.memory_space<hbm>> -> memref<1x1x32x512xi32, #tpu.memory_space<hbm>>
    %dma_wait3A_107 = tpu.memref_squeeze %dma_wait3A_106 : memref<1x1x32x512xi32, #tpu.memory_space<hbm>> -> memref<32x512xi32, #tpu.memory_space<hbm>>
    %dma_wait3A_108 = arith.constant 0 : i32
    %dma_wait3A_109 = tpu.memref_slice %arg2[%add3A, %dma_wait3A_104, %add3A_57, %dma_wait3A_108] : memref<8x1x512x512xi32, #tpu.memory_space<hbm>> -> memref<1x1x32x512xi32, #tpu.memory_space<hbm>>
    %dma_wait3A_110 = tpu.memref_squeeze %dma_wait3A_109 : memref<1x1x32x512xi32, #tpu.memory_space<hbm>> -> memref<32x512xi32, #tpu.memory_space<hbm>>
    tpu.wait_dma2 semaphore(%arg19 : memref<!tpu.dma_semaphore, #tpu.memory_space<semaphore_mem>>) src(%dma_wait3A_110 : memref<32x512xi32, #tpu.memory_space<hbm>>) dst(%arg6 : memref<32x512xi32, #tpu.memory_space<vmem>>)
    %dma_wait3A_111 = arith.constant 0 : i32
    %dma_wait3A_112 = arith.constant 0 : i32
    %dma_wait3A_113 = tpu.memref_slice %arg3[%add3A, %dma_wait3A_111, %add3A_57, %dma_wait3A_112] : memref<8x1x512x512xi32, #tpu.memory_space<hbm>> -> memref<1x1x32x512xi32, #tpu.memory_space<hbm>>
    %dma_wait3A_114 = tpu.memref_squeeze %dma_wait3A_113 : memref<1x1x32x512xi32, #tpu.memory_space<hbm>> -> memref<32x512xi32, #tpu.memory_space<hbm>>
    %dma_wait3A_115 = arith.constant 0 : i32
    %dma_wait3A_116 = tpu.memref_slice %arg3[%add3A, %dma_wait3A_111, %add3A_57, %dma_wait3A_115] : memref<8x1x512x512xi32, #tpu.memory_space<hbm>> -> memref<1x1x32x512xi32, #tpu.memory_space<hbm>>
    %dma_wait3A_117 = tpu.memref_squeeze %dma_wait3A_116 : memref<1x1x32x512xi32, #tpu.memory_space<hbm>> -> memref<32x512xi32, #tpu.memory_space<hbm>>
    tpu.wait_dma2 semaphore(%arg21 : memref<!tpu.dma_semaphore, #tpu.memory_space<semaphore_mem>>) src(%dma_wait3A_117 : memref<32x512xi32, #tpu.memory_space<hbm>>) dst(%arg8 : memref<32x512xi32, #tpu.memory_space<vmem>>)
    %parallel_loop3A_118 = arith.constant 0 : i32
    %parallel_loop3A_119 = arith.constant 1024 : i32
    %parallel_loop3A_120 = arith.constant 1 : i32
    scf.for %parallel_loop3A_183 = %parallel_loop3A_118 to %parallel_loop3A_119 step %parallel_loop3A_120  : i32 {
      %parallel_loop3A_184 = arith.constant 5 : i32
      %parallel_loop3A_185 = arith.shrsi %parallel_loop3A_183, %parallel_loop3A_184 : i32
      %parallel_loop3A_186 = arith.constant 31 : i32
      %parallel_loop3A_187 = arith.andi %parallel_loop3A_183, %parallel_loop3A_186 : i32
      %parallel_loop3A_188 = arith.constant 16 : i32
      %parallel_loop3A_189 = arith.muli %parallel_loop3A_187, %parallel_loop3A_188 : i32
      %parallel_loop3A_190 = arith.index_cast %parallel_loop3A_185 : i32 to index
      %parallel_loop3A_191 = arith.index_cast %parallel_loop3A_189 : i32 to index
      %parallel_loop3A_192 = tpu.vector_load %arg6[%parallel_loop3A_190, %parallel_loop3A_191] {strides = array<i32>} : memref<32x512xi32, #tpu.memory_space<vmem>>, vector<16xi32>,
      %parallel_loop3A_193 = arith.index_cast %parallel_loop3A_185 : i32 to index
      %parallel_loop3A_194 = arith.index_cast %parallel_loop3A_189 : i32 to index
      %parallel_loop3A_195 = tpu.vector_load %arg8[%parallel_loop3A_193, %parallel_loop3A_194] {strides = array<i32>} : memref<32x512xi32, #tpu.memory_space<vmem>>, vector<16xi32>,
      %parallel_loop3A_196 = arith.constant 19 : i32
      %parallel_loop3A_197 = vector.broadcast %parallel_loop3A_196 : i32 to vector<16xi32>
      %parallel_loop3A_198 = arith.muli %parallel_loop3A_192, %parallel_loop3A_197 : vector<16xi32>
      %parallel_loop3A_199 = arith.addi %parallel_loop3A_198, %parallel_loop3A_195 : vector<16xi32>
      %parallel_loop3A_200 = arith.constant 16 : i32
      %parallel_loop3A_201 = vector.broadcast %parallel_loop3A_200 : i32 to vector<16xi32>
      %parallel_loop3A_202 = arith.muli %parallel_loop3A_199, %parallel_loop3A_201 : vector<16xi32>
      %parallel_loop3A_203 = arith.addi %parallel_loop3A_202, %iota3A : vector<16xi32>
      tpu.vector_store_idx %arg9[%parallel_loop3A_203], %broadcast_in_dim3A_36 {add = true} : memref<5888xf32, #tpu.memory_space<vmem>>[vector<16xi32>], vector<16xf32>,
    } {sc.loop_unroll_factor = 16 : i64, sc.parallel_access}
    %add3A_121 = arith.constant 96 : i32
    %add3A_122 = arith.addi %mul3A_32, %add3A_121 : i32
    %dma_start3A_123 = arith.constant 0 : i32
    %dma_start3A_124 = arith.constant 0 : i32
    %dma_start3A_125 = tpu.memref_slice %arg2[%add3A, %dma_start3A_123, %add3A_122, %dma_start3A_124] : memref<8x1x512x512xi32, #tpu.memory_space<hbm>> -> memref<1x1x32x512xi32, #tpu.memory_space<hbm>>
    %dma_start3A_126 = tpu.memref_squeeze %dma_start3A_125 : memref<1x1x32x512xi32, #tpu.memory_space<hbm>> -> memref<32x512xi32, #tpu.memory_space<hbm>>
    %dma_start3A_127 = arith.constant 0 : i32
    %dma_start3A_128 = tpu.memref_slice %arg2[%add3A, %dma_start3A_123, %add3A_122, %dma_start3A_127] : memref<8x1x512x512xi32, #tpu.memory_space<hbm>> -> memref<1x1x32x512xi32, #tpu.memory_space<hbm>>
    %dma_start3A_129 = tpu.memref_squeeze %dma_start3A_128 : memref<1x1x32x512xi32, #tpu.memory_space<hbm>> -> memref<32x512xi32, #tpu.memory_space<hbm>>
    tpu.enqueue_dma source(%dma_start3A_129 : memref<32x512xi32, #tpu.memory_space<hbm>>) target(%arg6 : memref<32x512xi32, #tpu.memory_space<vmem>>) target_semaphore(%arg19 : memref<!tpu.dma_semaphore, #tpu.memory_space<semaphore_mem>>)
    %dma_start3A_130 = arith.constant 0 : i32
    %dma_start3A_131 = arith.constant 0 : i32
    %dma_start3A_132 = tpu.memref_slice %arg3[%add3A, %dma_start3A_130, %add3A_122, %dma_start3A_131] : memref<8x1x512x512xi32, #tpu.memory_space<hbm>> -> memref<1x1x32x512xi32, #tpu.memory_space<hbm>>
    %dma_start3A_133 = tpu.memref_squeeze %dma_start3A_132 : memref<1x1x32x512xi32, #tpu.memory_space<hbm>> -> memref<32x512xi32, #tpu.memory_space<hbm>>
    %dma_start3A_134 = arith.constant 0 : i32
    %dma_start3A_135 = tpu.memref_slice %arg3[%add3A, %dma_start3A_130, %add3A_122, %dma_start3A_134] : memref<8x1x512x512xi32, #tpu.memory_space<hbm>> -> memref<1x1x32x512xi32, #tpu.memory_space<hbm>>
    %dma_start3A_136 = tpu.memref_squeeze %dma_start3A_135 : memref<1x1x32x512xi32, #tpu.memory_space<hbm>> -> memref<32x512xi32, #tpu.memory_space<hbm>>
    tpu.enqueue_dma source(%dma_start3A_136 : memref<32x512xi32, #tpu.memory_space<hbm>>) target(%arg8 : memref<32x512xi32, #tpu.memory_space<vmem>>) target_semaphore(%arg21 : memref<!tpu.dma_semaphore, #tpu.memory_space<semaphore_mem>>)
    %dma_wait3A_137 = arith.constant 0 : i32
    %dma_wait3A_138 = arith.constant 0 : i32
    %dma_wait3A_139 = tpu.memref_slice %arg2[%add3A, %dma_wait3A_137, %add3A_89, %dma_wait3A_138] : memref<8x1x512x512xi32, #tpu.memory_space<hbm>> -> memref<1x1x32x512xi32, #tpu.memory_space<hbm>>
    %dma_wait3A_140 = tpu.memref_squeeze %dma_wait3A_139 : memref<1x1x32x512xi32, #tpu.memory_space<hbm>> -> memref<32x512xi32, #tpu.memory_space<hbm>>
    %dma_wait3A_141 = arith.constant 0 : i32
    %dma_wait3A_142 = tpu.memref_slice %arg2[%add3A, %dma_wait3A_137, %add3A_89, %dma_wait3A_141] : memref<8x1x512x512xi32, #tpu.memory_space<hbm>> -> memref<1x1x32x512xi32, #tpu.memory_space<hbm>>
    %dma_wait3A_143 = tpu.memref_squeeze %dma_wait3A_142 : memref<1x1x32x512xi32, #tpu.memory_space<hbm>> -> memref<32x512xi32, #tpu.memory_space<hbm>>
    tpu.wait_dma2 semaphore(%arg18 : memref<!tpu.dma_semaphore, #tpu.memory_space<semaphore_mem>>) src(%dma_wait3A_143 : memref<32x512xi32, #tpu.memory_space<hbm>>) dst(%arg5 : memref<32x512xi32, #tpu.memory_space<vmem>>)
    %dma_wait3A_144 = arith.constant 0 : i32
    %dma_wait3A_145 = arith.constant 0 : i32
    %dma_wait3A_146 = tpu.memref_slice %arg3[%add3A, %dma_wait3A_144, %add3A_89, %dma_wait3A_145] : memref<8x1x512x512xi32, #tpu.memory_space<hbm>> -> memref<1x1x32x512xi32, #tpu.memory_space<hbm>>
    %dma_wait3A_147 = tpu.memref_squeeze %dma_wait3A_146 : memref<1x1x32x512xi32, #tpu.memory_space<hbm>> -> memref<32x512xi32, #tpu.memory_space<hbm>>
    %dma_wait3A_148 = arith.constant 0 : i32
    %dma_wait3A_149 = tpu.memref_slice %arg3[%add3A, %dma_wait3A_144, %add3A_89, %dma_wait3A_148] : memref<8x1x512x512xi32, #tpu.memory_space<hbm>> -> memref<1x1x32x512xi32, #tpu.memory_space<hbm>>
    %dma_wait3A_150 = tpu.memref_squeeze %dma_wait3A_149 : memref<1x1x32x512xi32, #tpu.memory_space<hbm>> -> memref<32x512xi32, #tpu.memory_space<hbm>>
    tpu.wait_dma2 semaphore(%arg20 : memref<!tpu.dma_semaphore, #tpu.memory_space<semaphore_mem>>) src(%dma_wait3A_150 : memref<32x512xi32, #tpu.memory_space<hbm>>) dst(%arg7 : memref<32x512xi32, #tpu.memory_space<vmem>>)
    %parallel_loop3A_151 = arith.constant 0 : i32
    %parallel_loop3A_152 = arith.constant 1024 : i32
    %parallel_loop3A_153 = arith.constant 1 : i32
    scf.for %parallel_loop3A_183 = %parallel_loop3A_151 to %parallel_loop3A_152 step %parallel_loop3A_153  : i32 {
      %parallel_loop3A_184 = arith.constant 5 : i32
      %parallel_loop3A_185 = arith.shrsi %parallel_loop3A_183, %parallel_loop3A_184 : i32
      %parallel_loop3A_186 = arith.constant 31 : i32
      %parallel_loop3A_187 = arith.andi %parallel_loop3A_183, %parallel_loop3A_186 : i32
      %parallel_loop3A_188 = arith.constant 16 : i32
      %parallel_loop3A_189 = arith.muli %parallel_loop3A_187, %parallel_loop3A_188 : i32
      %parallel_loop3A_190 = arith.index_cast %parallel_loop3A_185 : i32 to index
      %parallel_loop3A_191 = arith.index_cast %parallel_loop3A_189 : i32 to index
      %parallel_loop3A_192 = tpu.vector_load %arg5[%parallel_loop3A_190, %parallel_loop3A_191] {strides = array<i32>} : memref<32x512xi32, #tpu.memory_space<vmem>>, vector<16xi32>,
      %parallel_loop3A_193 = arith.index_cast %parallel_loop3A_185 : i32 to index
      %parallel_loop3A_194 = arith.index_cast %parallel_loop3A_189 : i32 to index
      %parallel_loop3A_195 = tpu.vector_load %arg7[%parallel_loop3A_193, %parallel_loop3A_194] {strides = array<i32>} : memref<32x512xi32, #tpu.memory_space<vmem>>, vector<16xi32>,
      %parallel_loop3A_196 = arith.constant 19 : i32
      %parallel_loop3A_197 = vector.broadcast %parallel_loop3A_196 : i32 to vector<16xi32>
      %parallel_loop3A_198 = arith.muli %parallel_loop3A_192, %parallel_loop3A_197 : vector<16xi32>
      %parallel_loop3A_199 = arith.addi %parallel_loop3A_198, %parallel_loop3A_195 : vector<16xi32>
      %parallel_loop3A_200 = arith.constant 16 : i32
      %parallel_loop3A_201 = vector.broadcast %parallel_loop3A_200 : i32 to vector<16xi32>
      %parallel_loop3A_202 = arith.muli %parallel_loop3A_199, %parallel_loop3A_201 : vector<16xi32>
      %parallel_loop3A_203 = arith.addi %parallel_loop3A_202, %iota3A : vector<16xi32>
      tpu.vector_store_idx %arg9[%parallel_loop3A_203], %broadcast_in_dim3A_36 {add = true} : memref<5888xf32, #tpu.memory_space<vmem>>[vector<16xi32>], vector<16xf32>,
    } {sc.loop_unroll_factor = 16 : i64, sc.parallel_access}
    %dma_wait3A_154 = arith.constant 0 : i32
    %dma_wait3A_155 = arith.constant 0 : i32
    %dma_wait3A_156 = tpu.memref_slice %arg2[%add3A, %dma_wait3A_154, %add3A_122, %dma_wait3A_155] : memref<8x1x512x512xi32, #tpu.memory_space<hbm>> -> memref<1x1x32x512xi32, #tpu.memory_space<hbm>>
    %dma_wait3A_157 = tpu.memref_squeeze %dma_wait3A_156 : memref<1x1x32x512xi32, #tpu.memory_space<hbm>> -> memref<32x512xi32, #tpu.memory_space<hbm>>
    %dma_wait3A_158 = arith.constant 0 : i32
    %dma_wait3A_159 = tpu.memref_slice %arg2[%add3A, %dma_wait3A_154, %add3A_122, %dma_wait3A_158] : memref<8x1x512x512xi32, #tpu.memory_space<hbm>> -> memref<1x1x32x512xi32, #tpu.memory_space<hbm>>
    %dma_wait3A_160 = tpu.memref_squeeze %dma_wait3A_159 : memref<1x1x32x512xi32, #tpu.memory_space<hbm>> -> memref<32x512xi32, #tpu.memory_space<hbm>>
    tpu.wait_dma2 semaphore(%arg19 : memref<!tpu.dma_semaphore, #tpu.memory_space<semaphore_mem>>) src(%dma_wait3A_160 : memref<32x512xi32, #tpu.memory_space<hbm>>) dst(%arg6 : memref<32x512xi32, #tpu.memory_space<vmem>>)
    %dma_wait3A_161 = arith.constant 0 : i32
    %dma_wait3A_162 = arith.constant 0 : i32
    %dma_wait3A_163 = tpu.memref_slice %arg3[%add3A, %dma_wait3A_161, %add3A_122, %dma_wait3A_162] : memref<8x1x512x512xi32, #tpu.memory_space<hbm>> -> memref<1x1x32x512xi32, #tpu.memory_space<hbm>>
    %dma_wait3A_164 = tpu.memref_squeeze %dma_wait3A_163 : memref<1x1x32x512xi32, #tpu.memory_space<hbm>> -> memref<32x512xi32, #tpu.memory_space<hbm>>
    %dma_wait3A_165 = arith.constant 0 : i32
    %dma_wait3A_166 = tpu.memref_slice %arg3[%add3A, %dma_wait3A_161, %add3A_122, %dma_wait3A_165] : memref<8x1x512x512xi32, #tpu.memory_space<hbm>> -> memref<1x1x32x512xi32, #tpu.memory_space<hbm>>
    %dma_wait3A_167 = tpu.memref_squeeze %dma_wait3A_166 : memref<1x1x32x512xi32, #tpu.memory_space<hbm>> -> memref<32x512xi32, #tpu.memory_space<hbm>>
    tpu.wait_dma2 semaphore(%arg21 : memref<!tpu.dma_semaphore, #tpu.memory_space<semaphore_mem>>) src(%dma_wait3A_167 : memref<32x512xi32, #tpu.memory_space<hbm>>) dst(%arg8 : memref<32x512xi32, #tpu.memory_space<vmem>>)
    %parallel_loop3A_168 = arith.constant 0 : i32
    %parallel_loop3A_169 = arith.constant 1024 : i32
    %parallel_loop3A_170 = arith.constant 1 : i32
    scf.for %parallel_loop3A_183 = %parallel_loop3A_168 to %parallel_loop3A_169 step %parallel_loop3A_170  : i32 {
      %parallel_loop3A_184 = arith.constant 5 : i32
      %parallel_loop3A_185 = arith.shrsi %parallel_loop3A_183, %parallel_loop3A_184 : i32
      %parallel_loop3A_186 = arith.constant 31 : i32
      %parallel_loop3A_187 = arith.andi %parallel_loop3A_183, %parallel_loop3A_186 : i32
      %parallel_loop3A_188 = arith.constant 16 : i32
      %parallel_loop3A_189 = arith.muli %parallel_loop3A_187, %parallel_loop3A_188 : i32
      %parallel_loop3A_190 = arith.index_cast %parallel_loop3A_185 : i32 to index
      %parallel_loop3A_191 = arith.index_cast %parallel_loop3A_189 : i32 to index
      %parallel_loop3A_192 = tpu.vector_load %arg6[%parallel_loop3A_190, %parallel_loop3A_191] {strides = array<i32>} : memref<32x512xi32, #tpu.memory_space<vmem>>, vector<16xi32>,
      %parallel_loop3A_193 = arith.index_cast %parallel_loop3A_185 : i32 to index
      %parallel_loop3A_194 = arith.index_cast %parallel_loop3A_189 : i32 to index
      %parallel_loop3A_195 = tpu.vector_load %arg8[%parallel_loop3A_193, %parallel_loop3A_194] {strides = array<i32>} : memref<32x512xi32, #tpu.memory_space<vmem>>, vector<16xi32>,
      %parallel_loop3A_196 = arith.constant 19 : i32
      %parallel_loop3A_197 = vector.broadcast %parallel_loop3A_196 : i32 to vector<16xi32>
      %parallel_loop3A_198 = arith.muli %parallel_loop3A_192, %parallel_loop3A_197 : vector<16xi32>
      %parallel_loop3A_199 = arith.addi %parallel_loop3A_198, %parallel_loop3A_195 : vector<16xi32>
      %parallel_loop3A_200 = arith.constant 16 : i32
      %parallel_loop3A_201 = vector.broadcast %parallel_loop3A_200 : i32 to vector<16xi32>
      %parallel_loop3A_202 = arith.muli %parallel_loop3A_199, %parallel_loop3A_201 : vector<16xi32>
      %parallel_loop3A_203 = arith.addi %parallel_loop3A_202, %iota3A : vector<16xi32>
      tpu.vector_store_idx %arg9[%parallel_loop3A_203], %broadcast_in_dim3A_36 {add = true} : memref<5888xf32, #tpu.memory_space<vmem>>[vector<16xi32>], vector<16xf32>,
    } {sc.loop_unroll_factor = 16 : i64, sc.parallel_access}
    %parallel_loop3A_171 = arith.constant 0 : i32
    %parallel_loop3A_172 = arith.constant 23 : i32
    %parallel_loop3A_173 = arith.constant 1 : i32
    scf.for %parallel_loop3A_183 = %parallel_loop3A_171 to %parallel_loop3A_172 step %parallel_loop3A_173  : i32 {
      %parallel_loop3A_184 = arith.constant 256 : i32
      %parallel_loop3A_185 = arith.muli %parallel_loop3A_183, %parallel_loop3A_184 : i32
      %parallel_loop3A_186 = vector.broadcast %parallel_loop3A_185 : i32 to vector<16xi32>
      %parallel_loop3A_187 = arith.addi %parallel_loop3A_186, %mul3A_35 : vector<16xi32>
      %parallel_loop3A_188 = arith.constant 0 : i32
      %parallel_loop3A_189 = vector.broadcast %parallel_loop3A_188 : i32 to vector<16xi32>
      %parallel_loop3A_190 = arith.addi %parallel_loop3A_187, %parallel_loop3A_189 : vector<16xi32>
      %parallel_loop3A_191 = tpu.vector_load_idx %arg9[%parallel_loop3A_190] : memref<5888xf32, #tpu.memory_space<vmem>>[vector<16xi32>], vector<16xf32>,
      %parallel_loop3A_192 = arith.addf %broadcast_in_dim3A_38, %parallel_loop3A_191 : vector<16xf32>
      %parallel_loop3A_193 = arith.constant 256 : i32
      %parallel_loop3A_194 = arith.muli %parallel_loop3A_183, %parallel_loop3A_193 : i32
      %parallel_loop3A_195 = vector.broadcast %parallel_loop3A_194 : i32 to vector<16xi32>
      %parallel_loop3A_196 = arith.addi %parallel_loop3A_195, %mul3A_35 : vector<16xi32>
      %parallel_loop3A_197 = arith.constant 1 : i32
      %parallel_loop3A_198 = vector.broadcast %parallel_loop3A_197 : i32 to vector<16xi32>
      %parallel_loop3A_199 = arith.addi %parallel_loop3A_196, %parallel_loop3A_198 : vector<16xi32>
      %parallel_loop3A_200 = tpu.vector_load_idx %arg9[%parallel_loop3A_199] : memref<5888xf32, #tpu.memory_space<vmem>>[vector<16xi32>], vector<16xf32>,
      %parallel_loop3A_201 = arith.addf %parallel_loop3A_192, %parallel_loop3A_200 : vector<16xf32>
      %parallel_loop3A_202 = arith.constant 256 : i32
      %parallel_loop3A_203 = arith.muli %parallel_loop3A_183, %parallel_loop3A_202 : i32
      %parallel_loop3A_204 = vector.broadcast %parallel_loop3A_203 : i32 to vector<16xi32>
      %parallel_loop3A_205 = arith.addi %parallel_loop3A_204, %mul3A_35 : vector<16xi32>
      %parallel_loop3A_206 = arith.constant 2 : i32
      %parallel_loop3A_207 = vector.broadcast %parallel_loop3A_206 : i32 to vector<16xi32>
      %parallel_loop3A_208 = arith.addi %parallel_loop3A_205, %parallel_loop3A_207 : vector<16xi32>
      %parallel_loop3A_209 = tpu.vector_load_idx %arg9[%parallel_loop3A_208] : memref<5888xf32, #tpu.memory_space<vmem>>[vector<16xi32>], vector<16xf32>,
      %parallel_loop3A_210 = arith.addf %parallel_loop3A_201, %parallel_loop3A_209 : vector<16xf32>
      %parallel_loop3A_211 = arith.constant 256 : i32
      %parallel_loop3A_212 = arith.muli %parallel_loop3A_183, %parallel_loop3A_211 : i32
      %parallel_loop3A_213 = vector.broadcast %parallel_loop3A_212 : i32 to vector<16xi32>
      %parallel_loop3A_214 = arith.addi %parallel_loop3A_213, %mul3A_35 : vector<16xi32>
      %parallel_loop3A_215 = arith.constant 3 : i32
      %parallel_loop3A_216 = vector.broadcast %parallel_loop3A_215 : i32 to vector<16xi32>
      %parallel_loop3A_217 = arith.addi %parallel_loop3A_214, %parallel_loop3A_216 : vector<16xi32>
      %parallel_loop3A_218 = tpu.vector_load_idx %arg9[%parallel_loop3A_217] : memref<5888xf32, #tpu.memory_space<vmem>>[vector<16xi32>], vector<16xf32>,
      %parallel_loop3A_219 = arith.addf %parallel_loop3A_210, %parallel_loop3A_218 : vector<16xf32>
      %parallel_loop3A_220 = arith.constant 256 : i32
      %parallel_loop3A_221 = arith.muli %parallel_loop3A_183, %parallel_loop3A_220 : i32
      %parallel_loop3A_222 = vector.broadcast %parallel_loop3A_221 : i32 to vector<16xi32>
      %parallel_loop3A_223 = arith.addi %parallel_loop3A_222, %mul3A_35 : vector<16xi32>
      %parallel_loop3A_224 = arith.constant 4 : i32
      %parallel_loop3A_225 = vector.broadcast %parallel_loop3A_224 : i32 to vector<16xi32>
      %parallel_loop3A_226 = arith.addi %parallel_loop3A_223, %parallel_loop3A_225 : vector<16xi32>
      %parallel_loop3A_227 = tpu.vector_load_idx %arg9[%parallel_loop3A_226] : memref<5888xf32, #tpu.memory_space<vmem>>[vector<16xi32>], vector<16xf32>,
      %parallel_loop3A_228 = arith.addf %parallel_loop3A_219, %parallel_loop3A_227 : vector<16xf32>
      %parallel_loop3A_229 = arith.constant 256 : i32
      %parallel_loop3A_230 = arith.muli %parallel_loop3A_183, %parallel_loop3A_229 : i32
      %parallel_loop3A_231 = vector.broadcast %parallel_loop3A_230 : i32 to vector<16xi32>
      %parallel_loop3A_232 = arith.addi %parallel_loop3A_231, %mul3A_35 : vector<16xi32>
      %parallel_loop3A_233 = arith.constant 5 : i32
      %parallel_loop3A_234 = vector.broadcast %parallel_loop3A_233 : i32 to vector<16xi32>
      %parallel_loop3A_235 = arith.addi %parallel_loop3A_232, %parallel_loop3A_234 : vector<16xi32>
      %parallel_loop3A_236 = tpu.vector_load_idx %arg9[%parallel_loop3A_235] : memref<5888xf32, #tpu.memory_space<vmem>>[vector<16xi32>], vector<16xf32>,
      %parallel_loop3A_237 = arith.addf %parallel_loop3A_228, %parallel_loop3A_236 : vector<16xf32>
      %parallel_loop3A_238 = arith.constant 256 : i32
      %parallel_loop3A_239 = arith.muli %parallel_loop3A_183, %parallel_loop3A_238 : i32
      %parallel_loop3A_240 = vector.broadcast %parallel_loop3A_239 : i32 to vector<16xi32>
      %parallel_loop3A_241 = arith.addi %parallel_loop3A_240, %mul3A_35 : vector<16xi32>
      %parallel_loop3A_242 = arith.constant 6 : i32
      %parallel_loop3A_243 = vector.broadcast %parallel_loop3A_242 : i32 to vector<16xi32>
      %parallel_loop3A_244 = arith.addi %parallel_loop3A_241, %parallel_loop3A_243 : vector<16xi32>
      %parallel_loop3A_245 = tpu.vector_load_idx %arg9[%parallel_loop3A_244] : memref<5888xf32, #tpu.memory_space<vmem>>[vector<16xi32>], vector<16xf32>,
      %parallel_loop3A_246 = arith.addf %parallel_loop3A_237, %parallel_loop3A_245 : vector<16xf32>
      %parallel_loop3A_247 = arith.constant 256 : i32
      %parallel_loop3A_248 = arith.muli %parallel_loop3A_183, %parallel_loop3A_247 : i32
      %parallel_loop3A_249 = vector.broadcast %parallel_loop3A_248 : i32 to vector<16xi32>
      %parallel_loop3A_250 = arith.addi %parallel_loop3A_249, %mul3A_35 : vector<16xi32>
      %parallel_loop3A_251 = arith.constant 7 : i32
      %parallel_loop3A_252 = vector.broadcast %parallel_loop3A_251 : i32 to vector<16xi32>
      %parallel_loop3A_253 = arith.addi %parallel_loop3A_250, %parallel_loop3A_252 : vector<16xi32>
      %parallel_loop3A_254 = tpu.vector_load_idx %arg9[%parallel_loop3A_253] : memref<5888xf32, #tpu.memory_space<vmem>>[vector<16xi32>], vector<16xf32>,
      %parallel_loop3A_255 = arith.addf %parallel_loop3A_246, %parallel_loop3A_254 : vector<16xf32>
      %parallel_loop3A_256 = arith.constant 256 : i32
      %parallel_loop3A_257 = arith.muli %parallel_loop3A_183, %parallel_loop3A_256 : i32
      %parallel_loop3A_258 = vector.broadcast %parallel_loop3A_257 : i32 to vector<16xi32>
      %parallel_loop3A_259 = arith.addi %parallel_loop3A_258, %mul3A_35 : vector<16xi32>
      %parallel_loop3A_260 = arith.constant 8 : i32
      %parallel_loop3A_261 = vector.broadcast %parallel_loop3A_260 : i32 to vector<16xi32>
      %parallel_loop3A_262 = arith.addi %parallel_loop3A_259, %parallel_loop3A_261 : vector<16xi32>
      %parallel_loop3A_263 = tpu.vector_load_idx %arg9[%parallel_loop3A_262] : memref<5888xf32, #tpu.memory_space<vmem>>[vector<16xi32>], vector<16xf32>,
      %parallel_loop3A_264 = arith.addf %parallel_loop3A_255, %parallel_loop3A_263 : vector<16xf32>
      %parallel_loop3A_265 = arith.constant 256 : i32
      %parallel_loop3A_266 = arith.muli %parallel_loop3A_183, %parallel_loop3A_265 : i32
      %parallel_loop3A_267 = vector.broadcast %parallel_loop3A_266 : i32 to vector<16xi32>
      %parallel_loop3A_268 = arith.addi %parallel_loop3A_267, %mul3A_35 : vector<16xi32>
      %parallel_loop3A_269 = arith.constant 9 : i32
      %parallel_loop3A_270 = vector.broadcast %parallel_loop3A_269 : i32 to vector<16xi32>
      %parallel_loop3A_271 = arith.addi %parallel_loop3A_268, %parallel_loop3A_270 : vector<16xi32>
      %parallel_loop3A_272 = tpu.vector_load_idx %arg9[%parallel_loop3A_271] : memref<5888xf32, #tpu.memory_space<vmem>>[vector<16xi32>], vector<16xf32>,
      %parallel_loop3A_273 = arith.addf %parallel_loop3A_264, %parallel_loop3A_272 : vector<16xf32>
      %parallel_loop3A_274 = arith.constant 256 : i32
      %parallel_loop3A_275 = arith.muli %parallel_loop3A_183, %parallel_loop3A_274 : i32
      %parallel_loop3A_276 = vector.broadcast %parallel_loop3A_275 : i32 to vector<16xi32>
      %parallel_loop3A_277 = arith.addi %parallel_loop3A_276, %mul3A_35 : vector<16xi32>
      %parallel_loop3A_278 = arith.constant 10 : i32
      %parallel_loop3A_279 = vector.broadcast %parallel_loop3A_278 : i32 to vector<16xi32>
      %parallel_loop3A_280 = arith.addi %parallel_loop3A_277, %parallel_loop3A_279 : vector<16xi32>
      %parallel_loop3A_281 = tpu.vector_load_idx %arg9[%parallel_loop3A_280] : memref<5888xf32, #tpu.memory_space<vmem>>[vector<16xi32>], vector<16xf32>,
      %parallel_loop3A_282 = arith.addf %parallel_loop3A_273, %parallel_loop3A_281 : vector<16xf32>
      %parallel_loop3A_283 = arith.constant 256 : i32
      %parallel_loop3A_284 = arith.muli %parallel_loop3A_183, %parallel_loop3A_283 : i32
      %parallel_loop3A_285 = vector.broadcast %parallel_loop3A_284 : i32 to vector<16xi32>
      %parallel_loop3A_286 = arith.addi %parallel_loop3A_285, %mul3A_35 : vector<16xi32>
      %parallel_loop3A_287 = arith.constant 11 : i32
      %parallel_loop3A_288 = vector.broadcast %parallel_loop3A_287 : i32 to vector<16xi32>
      %parallel_loop3A_289 = arith.addi %parallel_loop3A_286, %parallel_loop3A_288 : vector<16xi32>
      %parallel_loop3A_290 = tpu.vector_load_idx %arg9[%parallel_loop3A_289] : memref<5888xf32, #tpu.memory_space<vmem>>[vector<16xi32>], vector<16xf32>,
      %parallel_loop3A_291 = arith.addf %parallel_loop3A_282, %parallel_loop3A_290 : vector<16xf32>
      %parallel_loop3A_292 = arith.constant 256 : i32
      %parallel_loop3A_293 = arith.muli %parallel_loop3A_183, %parallel_loop3A_292 : i32
      %parallel_loop3A_294 = vector.broadcast %parallel_loop3A_293 : i32 to vector<16xi32>
      %parallel_loop3A_295 = arith.addi %parallel_loop3A_294, %mul3A_35 : vector<16xi32>
      %parallel_loop3A_296 = arith.constant 12 : i32
      %parallel_loop3A_297 = vector.broadcast %parallel_loop3A_296 : i32 to vector<16xi32>
      %parallel_loop3A_298 = arith.addi %parallel_loop3A_295, %parallel_loop3A_297 : vector<16xi32>
      %parallel_loop3A_299 = tpu.vector_load_idx %arg9[%parallel_loop3A_298] : memref<5888xf32, #tpu.memory_space<vmem>>[vector<16xi32>], vector<16xf32>,
      %parallel_loop3A_300 = arith.addf %parallel_loop3A_291, %parallel_loop3A_299 : vector<16xf32>
      %parallel_loop3A_301 = arith.constant 256 : i32
      %parallel_loop3A_302 = arith.muli %parallel_loop3A_183, %parallel_loop3A_301 : i32
      %parallel_loop3A_303 = vector.broadcast %parallel_loop3A_302 : i32 to vector<16xi32>
      %parallel_loop3A_304 = arith.addi %parallel_loop3A_303, %mul3A_35 : vector<16xi32>
      %parallel_loop3A_305 = arith.constant 13 : i32
      %parallel_loop3A_306 = vector.broadcast %parallel_loop3A_305 : i32 to vector<16xi32>
      %parallel_loop3A_307 = arith.addi %parallel_loop3A_304, %parallel_loop3A_306 : vector<16xi32>
      %parallel_loop3A_308 = tpu.vector_load_idx %arg9[%parallel_loop3A_307] : memref<5888xf32, #tpu.memory_space<vmem>>[vector<16xi32>], vector<16xf32>,
      %parallel_loop3A_309 = arith.addf %parallel_loop3A_300, %parallel_loop3A_308 : vector<16xf32>
      %parallel_loop3A_310 = arith.constant 256 : i32
      %parallel_loop3A_311 = arith.muli %parallel_loop3A_183, %parallel_loop3A_310 : i32
      %parallel_loop3A_312 = vector.broadcast %parallel_loop3A_311 : i32 to vector<16xi32>
      %parallel_loop3A_313 = arith.addi %parallel_loop3A_312, %mul3A_35 : vector<16xi32>
      %parallel_loop3A_314 = arith.constant 14 : i32
      %parallel_loop3A_315 = vector.broadcast %parallel_loop3A_314 : i32 to vector<16xi32>
      %parallel_loop3A_316 = arith.addi %parallel_loop3A_313, %parallel_loop3A_315 : vector<16xi32>
      %parallel_loop3A_317 = tpu.vector_load_idx %arg9[%parallel_loop3A_316] : memref<5888xf32, #tpu.memory_space<vmem>>[vector<16xi32>], vector<16xf32>,
      %parallel_loop3A_318 = arith.addf %parallel_loop3A_309, %parallel_loop3A_317 : vector<16xf32>
      %parallel_loop3A_319 = arith.constant 256 : i32
      %parallel_loop3A_320 = arith.muli %parallel_loop3A_183, %parallel_loop3A_319 : i32
      %parallel_loop3A_321 = vector.broadcast %parallel_loop3A_320 : i32 to vector<16xi32>
      %parallel_loop3A_322 = arith.addi %parallel_loop3A_321, %mul3A_35 : vector<16xi32>
      %parallel_loop3A_323 = arith.constant 15 : i32
      %parallel_loop3A_324 = vector.broadcast %parallel_loop3A_323 : i32 to vector<16xi32>
      %parallel_loop3A_325 = arith.addi %parallel_loop3A_322, %parallel_loop3A_324 : vector<16xi32>
      %parallel_loop3A_326 = tpu.vector_load_idx %arg9[%parallel_loop3A_325] : memref<5888xf32, #tpu.memory_space<vmem>>[vector<16xi32>], vector<16xf32>,
      %parallel_loop3A_327 = arith.addf %parallel_loop3A_318, %parallel_loop3A_326 : vector<16xf32>
      %parallel_loop3A_328 = arith.constant 16 : i32
      %parallel_loop3A_329 = arith.muli %parallel_loop3A_183, %parallel_loop3A_328 : i32
      %parallel_loop3A_330 = arith.index_cast %parallel_loop3A_329 : i32 to index
      %parallel_loop3A_331 = tpu.vector_load %arg10[%parallel_loop3A_330] {strides = array<i32>} : memref<368xf32, #tpu.memory_space<vmem>>, vector<16xf32>,
      tpu.vector_store %arg10[%parallel_loop3A_330], %parallel_loop3A_327 {strides = array<i32>} : memref<368xf32, #tpu.memory_space<vmem>>, vector<16xf32>,
    } {sc.loop_unroll_factor = 1 : i64, sc.parallel_access}
    "tpu.region"() ({
      %run_scoped3A = tpu.sem_alloc : memref<!tpu.dma_semaphore, #tpu.memory_space<semaphore_mem>>
      %dma_start3A_183 = arith.constant 0 : i32
      %dma_start3A_184 = tpu.memref_slice %arg15[%arg1, %dma_start3A_183] : memref<24x368xf32, #tpu.memory_space<vmem_shared>> -> memref<1x368xf32, #tpu.memory_space<vmem_shared>>
      %dma_start3A_185 = tpu.memref_squeeze %dma_start3A_184 : memref<1x368xf32, #tpu.memory_space<vmem_shared>> -> memref<368xf32, #tpu.memory_space<vmem_shared>>
      %dma_start3A_186 = arith.constant 0 : i32
      %dma_start3A_187 = tpu.memref_slice %arg15[%arg1, %dma_start3A_186] : memref<24x368xf32, #tpu.memory_space<vmem_shared>> -> memref<1x368xf32, #tpu.memory_space<vmem_shared>>
      %dma_start3A_188 = tpu.memref_squeeze %dma_start3A_187 : memref<1x368xf32, #tpu.memory_space<vmem_shared>> -> memref<368xf32, #tpu.memory_space<vmem_shared>>
      tpu.enqueue_dma source(%arg10 : memref<368xf32, #tpu.memory_space<vmem>>) target(%dma_start3A_188 : memref<368xf32, #tpu.memory_space<vmem_shared>>) target_semaphore(%run_scoped3A : memref<!tpu.dma_semaphore, #tpu.memory_space<semaphore_mem>>)
      %dma_wait3A_189 = arith.constant 0 : i32
      %dma_wait3A_190 = tpu.memref_slice %arg15[%arg1, %dma_wait3A_189] : memref<24x368xf32, #tpu.memory_space<vmem_shared>> -> memref<1x368xf32, #tpu.memory_space<vmem_shared>>
      %dma_wait3A_191 = tpu.memref_squeeze %dma_wait3A_190 : memref<1x368xf32, #tpu.memory_space<vmem_shared>> -> memref<368xf32, #tpu.memory_space<vmem_shared>>
      %dma_wait3A_192 = arith.constant 0 : i32
      %dma_wait3A_193 = tpu.memref_slice %arg15[%arg1, %dma_wait3A_192] : memref<24x368xf32, #tpu.memory_space<vmem_shared>> -> memref<1x368xf32, #tpu.memory_space<vmem_shared>>
      %dma_wait3A_194 = tpu.memref_squeeze %dma_wait3A_193 : memref<1x368xf32, #tpu.memory_space<vmem_shared>> -> memref<368xf32, #tpu.memory_space<vmem_shared>>
      tpu.wait_dma2 semaphore(%run_scoped3A : memref<!tpu.dma_semaphore, #tpu.memory_space<semaphore_mem>>) src(%arg10 : memref<368xf32, #tpu.memory_space<vmem>>) dst(%dma_wait3A_194 : memref<368xf32, #tpu.memory_space<vmem_shared>>)
      tpu.yield
    }) : () -> ()
    %barrier3A = arith.constant 0 : index
    tpu.barrier barrier_id(%barrier3A)
    %lt3A_174 = arith.constant 4 : i32
    %lt3A_175 = arith.cmpi slt, %arg1, %lt3A_174 : i32
    %convert_element_type3A = arith.extui %lt3A_175 : i1 to i32
    %cond3A = arith.constant 0 : i32
    %cond3A_176 = arith.cmpi ne, %convert_element_type3A, %cond3A : i32
    scf.if %cond3A_176 {
      %mul3A_183 = arith.constant 4 : i32
      %mul3A_184 = arith.muli %arg1, %mul3A_183 : i32
      "tpu.region"() ({
        %run_scoped3A = tpu.sem_alloc : memref<!tpu.dma_semaphore, #tpu.memory_space<semaphore_mem>>
        %dma_start3A_730 = arith.constant 0 : i32
        %dma_start3A_731 = tpu.memref_slice %arg15[%mul3A_184, %dma_start3A_730] : memref<24x368xf32, #tpu.memory_space<vmem_shared>> -> memref<4x368xf32, #tpu.memory_space<vmem_shared>>
        %dma_start3A_732 = arith.constant 0 : i32
        %dma_start3A_733 = tpu.memref_slice %arg15[%mul3A_184, %dma_start3A_732] : memref<24x368xf32, #tpu.memory_space<vmem_shared>> -> memref<4x368xf32, #tpu.memory_space<vmem_shared>>
        tpu.enqueue_dma source(%dma_start3A_733 : memref<4x368xf32, #tpu.memory_space<vmem_shared>>) target(%arg11 : memref<4x368xf32, #tpu.memory_space<vmem>>) target_semaphore(%run_scoped3A : memref<!tpu.dma_semaphore, #tpu.memory_space<semaphore_mem>>)
        %dma_wait3A_734 = arith.constant 0 : i32
        %dma_wait3A_735 = tpu.memref_slice %arg15[%mul3A_184, %dma_wait3A_734] : memref<24x368xf32, #tpu.memory_space<vmem_shared>> -> memref<4x368xf32, #tpu.memory_space<vmem_shared>>
        %dma_wait3A_736 = arith.constant 0 : i32
        %dma_wait3A_737 = tpu.memref_slice %arg15[%mul3A_184, %dma_wait3A_736] : memref<24x368xf32, #tpu.memory_space<vmem_shared>> -> memref<4x368xf32, #tpu.memory_space<vmem_shared>>
        tpu.wait_dma2 semaphore(%run_scoped3A : memref<!tpu.dma_semaphore, #tpu.memory_space<semaphore_mem>>) src(%dma_wait3A_737 : memref<4x368xf32, #tpu.memory_space<vmem_shared>>) dst(%arg11 : memref<4x368xf32, #tpu.memory_space<vmem>>)
        tpu.yield
      }) : () -> ()
      %scan3A = arith.constant 0 : i32
      %scan3A_185 = arith.constant 0 : i32
      %scan3A_186 = arith.constant 23 : i32
      %scan3A_187 = arith.addi %scan3A_185, %scan3A_186 : i32
      %scan3A_188 = arith.constant 1 : i32
      %scan3A_189 = scf.for %scan3A_730 = %scan3A_185 to %scan3A_187 step %scan3A_188 iter_args(%scan3A_731 = %scan3A) -> (i32)  : i32 {
        %mul3A_732 = arith.constant 16 : i32
        %mul3A_733 = arith.muli %scan3A_730, %mul3A_732 : i32
        %get3A = arith.constant 0 : i32
        %get3A_734 = arith.index_cast %get3A : i32 to index
        %get3A_735 = arith.index_cast %mul3A_733 : i32 to index
        %get3A_736 = tpu.vector_load %arg11[%get3A_734, %get3A_735] {strides = array<i32>} : memref<4x368xf32, #tpu.memory_space<vmem>>, vector<16xf32>,
        %get3A_737 = arith.constant 1 : i32
        %get3A_738 = arith.index_cast %get3A_737 : i32 to index
        %get3A_739 = arith.index_cast %mul3A_733 : i32 to index
        %get3A_740 = tpu.vector_load %arg11[%get3A_738, %get3A_739] {strides = array<i32>} : memref<4x368xf32, #tpu.memory_space<vmem>>, vector<16xf32>,
        %add3A_741 = arith.addf %get3A_736, %get3A_740 : vector<16xf32>
        %get3A_742 = arith.constant 2 : i32
        %get3A_743 = arith.index_cast %get3A_742 : i32 to index
        %get3A_744 = arith.index_cast %mul3A_733 : i32 to index
        %get3A_745 = tpu.vector_load %arg11[%get3A_743, %get3A_744] {strides = array<i32>} : memref<4x368xf32, #tpu.memory_space<vmem>>, vector<16xf32>,
        %get3A_746 = arith.constant 3 : i32
        %get3A_747 = arith.index_cast %get3A_746 : i32 to index
        %get3A_748 = arith.index_cast %mul3A_733 : i32 to index
        %get3A_749 = tpu.vector_load %arg11[%get3A_747, %get3A_748] {strides = array<i32>} : memref<4x368xf32, #tpu.memory_space<vmem>>, vector<16xf32>,
        %add3A_750 = arith.addf %get3A_745, %get3A_749 : vector<16xf32>
        %add3A_751 = arith.addf %add3A_741, %add3A_750 : vector<16xf32>
        %swap3A_752 = arith.index_cast %mul3A_733 : i32 to index
        %swap3A_753 = tpu.vector_load %arg12[%swap3A_752] {strides = array<i32>} : memref<368xf32, #tpu.memory_space<vmem>>, vector<16xf32>,
        tpu.vector_store %arg12[%swap3A_752], %add3A_751 {strides = array<i32>} : memref<368xf32, #tpu.memory_space<vmem>>, vector<16xf32>,
        %scan3A_754 = arith.constant 0 : i32
        scf.yield %scan3A_754 : i32
      }
      %scan3A_190 = arith.constant 23 : i32
      %add3A_191 = arith.constant 0 : i32
      %add3A_192 = vector.broadcast %add3A_191 : i32 to vector<16xi32>
      %add3A_193 = arith.addi %add3A_192, %iota3A : vector<16xi32>
      %min3A = arith.constant 18 : i32
      %min3A_194 = vector.broadcast %min3A : i32 to vector<16xi32>
      %min3A_195 = arith.minsi %add3A_193, %min3A_194 : vector<16xi32>
      %mul3A_196 = arith.constant 20 : i32
      %mul3A_197 = vector.broadcast %mul3A_196 : i32 to vector<16xi32>
      %mul3A_198 = arith.muli %min3A_195, %mul3A_197 : vector<16xi32>
      %gather3A = tpu.vector_load_idx %arg12[%mul3A_198] : memref<368xf32, #tpu.memory_space<vmem>>[vector<16xi32>], vector<16xf32>,
      %broadcast_in_dim3A_199 = arith.constant 0.000000e+00 : f32
      %broadcast_in_dim3A_200 = vector.broadcast %broadcast_in_dim3A_199 : f32 to vector<16xf32>
      %broadcast_in_dim3A_201 = arith.constant 0.000000e+00 : f32
      %broadcast_in_dim3A_202 = vector.broadcast %broadcast_in_dim3A_201 : f32 to vector<16xf32>
      %mul3A_203 = arith.constant 19 : i32
      %mul3A_204 = vector.broadcast %mul3A_203 : i32 to vector<16xi32>
      %mul3A_205 = arith.muli %min3A_195, %mul3A_204 : vector<16xi32>
      %add3A_206 = arith.constant 0 : i32
      %add3A_207 = vector.broadcast %add3A_206 : i32 to vector<16xi32>
      %add3A_208 = arith.addi %mul3A_205, %add3A_207 : vector<16xi32>
      %gather3A_209 = tpu.vector_load_idx %arg12[%add3A_208] : memref<368xf32, #tpu.memory_space<vmem>>[vector<16xi32>], vector<16xf32>,
      %add3A_210 = arith.addf %broadcast_in_dim3A_200, %gather3A_209 : vector<16xf32>
      %add3A_211 = arith.constant 0 : i32
      %add3A_212 = vector.broadcast %add3A_211 : i32 to vector<16xi32>
      %add3A_213 = arith.addi %add3A_212, %min3A_195 : vector<16xi32>
      %gather3A_214 = tpu.vector_load_idx %arg12[%add3A_213] : memref<368xf32, #tpu.memory_space<vmem>>[vector<16xi32>], vector<16xf32>,
      %add3A_215 = arith.addf %broadcast_in_dim3A_202, %gather3A_214 : vector<16xf32>
      %mul3A_216 = arith.constant 19 : i32
      %mul3A_217 = vector.broadcast %mul3A_216 : i32 to vector<16xi32>
      %mul3A_218 = arith.muli %min3A_195, %mul3A_217 : vector<16xi32>
      %add3A_219 = arith.constant 1 : i32
      %add3A_220 = vector.broadcast %add3A_219 : i32 to vector<16xi32>
      %add3A_221 = arith.addi %mul3A_218, %add3A_220 : vector<16xi32>
      %gather3A_222 = tpu.vector_load_idx %arg12[%add3A_221] : memref<368xf32, #tpu.memory_space<vmem>>[vector<16xi32>], vector<16xf32>,
      %add3A_223 = arith.addf %add3A_210, %gather3A_222 : vector<16xf32>
      %add3A_224 = arith.constant 19 : i32
      %add3A_225 = vector.broadcast %add3A_224 : i32 to vector<16xi32>
      %add3A_226 = arith.addi %add3A_225, %min3A_195 : vector<16xi32>
      %gather3A_227 = tpu.vector_load_idx %arg12[%add3A_226] : memref<368xf32, #tpu.memory_space<vmem>>[vector<16xi32>], vector<16xf32>,
      %add3A_228 = arith.addf %add3A_215, %gather3A_227 : vector<16xf32>
      %mul3A_229 = arith.constant 19 : i32
      %mul3A_230 = vector.broadcast %mul3A_229 : i32 to vector<16xi32>
      %mul3A_231 = arith.muli %min3A_195, %mul3A_230 : vector<16xi32>
      %add3A_232 = arith.constant 2 : i32
      %add3A_233 = vector.broadcast %add3A_232 : i32 to vector<16xi32>
      %add3A_234 = arith.addi %mul3A_231, %add3A_233 : vector<16xi32>
      %gather3A_235 = tpu.vector_load_idx %arg12[%add3A_234] : memref<368xf32, #tpu.memory_space<vmem>>[vector<16xi32>], vector<16xf32>,
      %add3A_236 = arith.addf %add3A_223, %gather3A_235 : vector<16xf32>
      %add3A_237 = arith.constant 38 : i32
      %add3A_238 = vector.broadcast %add3A_237 : i32 to vector<16xi32>
      %add3A_239 = arith.addi %add3A_238, %min3A_195 : vector<16xi32>
      %gather3A_240 = tpu.vector_load_idx %arg12[%add3A_239] : memref<368xf32, #tpu.memory_space<vmem>>[vector<16xi32>], vector<16xf32>,
      %add3A_241 = arith.addf %add3A_228, %gather3A_240 : vector<16xf32>
      %mul3A_242 = arith.constant 19 : i32
      %mul3A_243 = vector.broadcast %mul3A_242 : i32 to vector<16xi32>
      %mul3A_244 = arith.muli %min3A_195, %mul3A_243 : vector<16xi32>
      %add3A_245 = arith.constant 3 : i32
      %add3A_246 = vector.broadcast %add3A_245 : i32 to vector<16xi32>
      %add3A_247 = arith.addi %mul3A_244, %add3A_246 : vector<16xi32>
      %gather3A_248 = tpu.vector_load_idx %arg12[%add3A_247] : memref<368xf32, #tpu.memory_space<vmem>>[vector<16xi32>], vector<16xf32>,
      %add3A_249 = arith.addf %add3A_236, %gather3A_248 : vector<16xf32>
      %add3A_250 = arith.constant 57 : i32
      %add3A_251 = vector.broadcast %add3A_250 : i32 to vector<16xi32>
      %add3A_252 = arith.addi %add3A_251, %min3A_195 : vector<16xi32>
      %gather3A_253 = tpu.vector_load_idx %arg12[%add3A_252] : memref<368xf32, #tpu.memory_space<vmem>>[vector<16xi32>], vector<16xf32>,
      %add3A_254 = arith.addf %add3A_241, %gather3A_253 : vector<16xf32>
      %mul3A_255 = arith.constant 19 : i32
      %mul3A_256 = vector.broadcast %mul3A_255 : i32 to vector<16xi32>
      %mul3A_257 = arith.muli %min3A_195, %mul3A_256 : vector<16xi32>
      %add3A_258 = arith.constant 4 : i32
      %add3A_259 = vector.broadcast %add3A_258 : i32 to vector<16xi32>
      %add3A_260 = arith.addi %mul3A_257, %add3A_259 : vector<16xi32>
      %gather3A_261 = tpu.vector_load_idx %arg12[%add3A_260] : memref<368xf32, #tpu.memory_space<vmem>>[vector<16xi32>], vector<16xf32>,
      %add3A_262 = arith.addf %add3A_249, %gather3A_261 : vector<16xf32>
      %add3A_263 = arith.constant 76 : i32
      %add3A_264 = vector.broadcast %add3A_263 : i32 to vector<16xi32>
      %add3A_265 = arith.addi %add3A_264, %min3A_195 : vector<16xi32>
      %gather3A_266 = tpu.vector_load_idx %arg12[%add3A_265] : memref<368xf32, #tpu.memory_space<vmem>>[vector<16xi32>], vector<16xf32>,
      %add3A_267 = arith.addf %add3A_254, %gather3A_266 : vector<16xf32>
      %mul3A_268 = arith.constant 19 : i32
      %mul3A_269 = vector.broadcast %mul3A_268 : i32 to vector<16xi32>
      %mul3A_270 = arith.muli %min3A_195, %mul3A_269 : vector<16xi32>
      %add3A_271 = arith.constant 5 : i32
      %add3A_272 = vector.broadcast %add3A_271 : i32 to vector<16xi32>
      %add3A_273 = arith.addi %mul3A_270, %add3A_272 : vector<16xi32>
      %gather3A_274 = tpu.vector_load_idx %arg12[%add3A_273] : memref<368xf32, #tpu.memory_space<vmem>>[vector<16xi32>], vector<16xf32>,
      %add3A_275 = arith.addf %add3A_262, %gather3A_274 : vector<16xf32>
      %add3A_276 = arith.constant 95 : i32
      %add3A_277 = vector.broadcast %add3A_276 : i32 to vector<16xi32>
      %add3A_278 = arith.addi %add3A_277, %min3A_195 : vector<16xi32>
      %gather3A_279 = tpu.vector_load_idx %arg12[%add3A_278] : memref<368xf32, #tpu.memory_space<vmem>>[vector<16xi32>], vector<16xf32>,
      %add3A_280 = arith.addf %add3A_267, %gather3A_279 : vector<16xf32>
      %mul3A_281 = arith.constant 19 : i32
      %mul3A_282 = vector.broadcast %mul3A_281 : i32 to vector<16xi32>
      %mul3A_283 = arith.muli %min3A_195, %mul3A_282 : vector<16xi32>
      %add3A_284 = arith.constant 6 : i32
      %add3A_285 = vector.broadcast %add3A_284 : i32 to vector<16xi32>
      %add3A_286 = arith.addi %mul3A_283, %add3A_285 : vector<16xi32>
      %gather3A_287 = tpu.vector_load_idx %arg12[%add3A_286] : memref<368xf32, #tpu.memory_space<vmem>>[vector<16xi32>], vector<16xf32>,
      %add3A_288 = arith.addf %add3A_275, %gather3A_287 : vector<16xf32>
      %add3A_289 = arith.constant 114 : i32
      %add3A_290 = vector.broadcast %add3A_289 : i32 to vector<16xi32>
      %add3A_291 = arith.addi %add3A_290, %min3A_195 : vector<16xi32>
      %gather3A_292 = tpu.vector_load_idx %arg12[%add3A_291] : memref<368xf32, #tpu.memory_space<vmem>>[vector<16xi32>], vector<16xf32>,
      %add3A_293 = arith.addf %add3A_280, %gather3A_292 : vector<16xf32>
      %mul3A_294 = arith.constant 19 : i32
      %mul3A_295 = vector.broadcast %mul3A_294 : i32 to vector<16xi32>
      %mul3A_296 = arith.muli %min3A_195, %mul3A_295 : vector<16xi32>
      %add3A_297 = arith.constant 7 : i32
      %add3A_298 = vector.broadcast %add3A_297 : i32 to vector<16xi32>
      %add3A_299 = arith.addi %mul3A_296, %add3A_298 : vector<16xi32>
      %gather3A_300 = tpu.vector_load_idx %arg12[%add3A_299] : memref<368xf32, #tpu.memory_space<vmem>>[vector<16xi32>], vector<16xf32>,
      %add3A_301 = arith.addf %add3A_288, %gather3A_300 : vector<16xf32>
      %add3A_302 = arith.constant 133 : i32
      %add3A_303 = vector.broadcast %add3A_302 : i32 to vector<16xi32>
      %add3A_304 = arith.addi %add3A_303, %min3A_195 : vector<16xi32>
      %gather3A_305 = tpu.vector_load_idx %arg12[%add3A_304] : memref<368xf32, #tpu.memory_space<vmem>>[vector<16xi32>], vector<16xf32>,
      %add3A_306 = arith.addf %add3A_293, %gather3A_305 : vector<16xf32>
      %mul3A_307 = arith.constant 19 : i32
      %mul3A_308 = vector.broadcast %mul3A_307 : i32 to vector<16xi32>
      %mul3A_309 = arith.muli %min3A_195, %mul3A_308 : vector<16xi32>
      %add3A_310 = arith.constant 8 : i32
      %add3A_311 = vector.broadcast %add3A_310 : i32 to vector<16xi32>
      %add3A_312 = arith.addi %mul3A_309, %add3A_311 : vector<16xi32>
      %gather3A_313 = tpu.vector_load_idx %arg12[%add3A_312] : memref<368xf32, #tpu.memory_space<vmem>>[vector<16xi32>], vector<16xf32>,
      %add3A_314 = arith.addf %add3A_301, %gather3A_313 : vector<16xf32>
      %add3A_315 = arith.constant 152 : i32
      %add3A_316 = vector.broadcast %add3A_315 : i32 to vector<16xi32>
      %add3A_317 = arith.addi %add3A_316, %min3A_195 : vector<16xi32>
      %gather3A_318 = tpu.vector_load_idx %arg12[%add3A_317] : memref<368xf32, #tpu.memory_space<vmem>>[vector<16xi32>], vector<16xf32>,
      %add3A_319 = arith.addf %add3A_306, %gather3A_318 : vector<16xf32>
      %mul3A_320 = arith.constant 19 : i32
      %mul3A_321 = vector.broadcast %mul3A_320 : i32 to vector<16xi32>
      %mul3A_322 = arith.muli %min3A_195, %mul3A_321 : vector<16xi32>
      %add3A_323 = arith.constant 9 : i32
      %add3A_324 = vector.broadcast %add3A_323 : i32 to vector<16xi32>
      %add3A_325 = arith.addi %mul3A_322, %add3A_324 : vector<16xi32>
      %gather3A_326 = tpu.vector_load_idx %arg12[%add3A_325] : memref<368xf32, #tpu.memory_space<vmem>>[vector<16xi32>], vector<16xf32>,
      %add3A_327 = arith.addf %add3A_314, %gather3A_326 : vector<16xf32>
      %add3A_328 = arith.constant 171 : i32
      %add3A_329 = vector.broadcast %add3A_328 : i32 to vector<16xi32>
      %add3A_330 = arith.addi %add3A_329, %min3A_195 : vector<16xi32>
      %gather3A_331 = tpu.vector_load_idx %arg12[%add3A_330] : memref<368xf32, #tpu.memory_space<vmem>>[vector<16xi32>], vector<16xf32>,
      %add3A_332 = arith.addf %add3A_319, %gather3A_331 : vector<16xf32>
      %mul3A_333 = arith.constant 19 : i32
      %mul3A_334 = vector.broadcast %mul3A_333 : i32 to vector<16xi32>
      %mul3A_335 = arith.muli %min3A_195, %mul3A_334 : vector<16xi32>
      %add3A_336 = arith.constant 10 : i32
      %add3A_337 = vector.broadcast %add3A_336 : i32 to vector<16xi32>
      %add3A_338 = arith.addi %mul3A_335, %add3A_337 : vector<16xi32>
      %gather3A_339 = tpu.vector_load_idx %arg12[%add3A_338] : memref<368xf32, #tpu.memory_space<vmem>>[vector<16xi32>], vector<16xf32>,
      %add3A_340 = arith.addf %add3A_327, %gather3A_339 : vector<16xf32>
      %add3A_341 = arith.constant 190 : i32
      %add3A_342 = vector.broadcast %add3A_341 : i32 to vector<16xi32>
      %add3A_343 = arith.addi %add3A_342, %min3A_195 : vector<16xi32>
      %gather3A_344 = tpu.vector_load_idx %arg12[%add3A_343] : memref<368xf32, #tpu.memory_space<vmem>>[vector<16xi32>], vector<16xf32>,
      %add3A_345 = arith.addf %add3A_332, %gather3A_344 : vector<16xf32>
      %mul3A_346 = arith.constant 19 : i32
      %mul3A_347 = vector.broadcast %mul3A_346 : i32 to vector<16xi32>
      %mul3A_348 = arith.muli %min3A_195, %mul3A_347 : vector<16xi32>
      %add3A_349 = arith.constant 11 : i32
      %add3A_350 = vector.broadcast %add3A_349 : i32 to vector<16xi32>
      %add3A_351 = arith.addi %mul3A_348, %add3A_350 : vector<16xi32>
      %gather3A_352 = tpu.vector_load_idx %arg12[%add3A_351] : memref<368xf32, #tpu.memory_space<vmem>>[vector<16xi32>], vector<16xf32>,
      %add3A_353 = arith.addf %add3A_340, %gather3A_352 : vector<16xf32>
      %add3A_354 = arith.constant 209 : i32
      %add3A_355 = vector.broadcast %add3A_354 : i32 to vector<16xi32>
      %add3A_356 = arith.addi %add3A_355, %min3A_195 : vector<16xi32>
      %gather3A_357 = tpu.vector_load_idx %arg12[%add3A_356] : memref<368xf32, #tpu.memory_space<vmem>>[vector<16xi32>], vector<16xf32>,
      %add3A_358 = arith.addf %add3A_345, %gather3A_357 : vector<16xf32>
      %mul3A_359 = arith.constant 19 : i32
      %mul3A_360 = vector.broadcast %mul3A_359 : i32 to vector<16xi32>
      %mul3A_361 = arith.muli %min3A_195, %mul3A_360 : vector<16xi32>
      %add3A_362 = arith.constant 12 : i32
      %add3A_363 = vector.broadcast %add3A_362 : i32 to vector<16xi32>
      %add3A_364 = arith.addi %mul3A_361, %add3A_363 : vector<16xi32>
      %gather3A_365 = tpu.vector_load_idx %arg12[%add3A_364] : memref<368xf32, #tpu.memory_space<vmem>>[vector<16xi32>], vector<16xf32>,
      %add3A_366 = arith.addf %add3A_353, %gather3A_365 : vector<16xf32>
      %add3A_367 = arith.constant 228 : i32
      %add3A_368 = vector.broadcast %add3A_367 : i32 to vector<16xi32>
      %add3A_369 = arith.addi %add3A_368, %min3A_195 : vector<16xi32>
      %gather3A_370 = tpu.vector_load_idx %arg12[%add3A_369] : memref<368xf32, #tpu.memory_space<vmem>>[vector<16xi32>], vector<16xf32>,
      %add3A_371 = arith.addf %add3A_358, %gather3A_370 : vector<16xf32>
      %mul3A_372 = arith.constant 19 : i32
      %mul3A_373 = vector.broadcast %mul3A_372 : i32 to vector<16xi32>
      %mul3A_374 = arith.muli %min3A_195, %mul3A_373 : vector<16xi32>
      %add3A_375 = arith.constant 13 : i32
      %add3A_376 = vector.broadcast %add3A_375 : i32 to vector<16xi32>
      %add3A_377 = arith.addi %mul3A_374, %add3A_376 : vector<16xi32>
      %gather3A_378 = tpu.vector_load_idx %arg12[%add3A_377] : memref<368xf32, #tpu.memory_space<vmem>>[vector<16xi32>], vector<16xf32>,
      %add3A_379 = arith.addf %add3A_366, %gather3A_378 : vector<16xf32>
      %add3A_380 = arith.constant 247 : i32
      %add3A_381 = vector.broadcast %add3A_380 : i32 to vector<16xi32>
      %add3A_382 = arith.addi %add3A_381, %min3A_195 : vector<16xi32>
      %gather3A_383 = tpu.vector_load_idx %arg12[%add3A_382] : memref<368xf32, #tpu.memory_space<vmem>>[vector<16xi32>], vector<16xf32>,
      %add3A_384 = arith.addf %add3A_371, %gather3A_383 : vector<16xf32>
      %mul3A_385 = arith.constant 19 : i32
      %mul3A_386 = vector.broadcast %mul3A_385 : i32 to vector<16xi32>
      %mul3A_387 = arith.muli %min3A_195, %mul3A_386 : vector<16xi32>
      %add3A_388 = arith.constant 14 : i32
      %add3A_389 = vector.broadcast %add3A_388 : i32 to vector<16xi32>
      %add3A_390 = arith.addi %mul3A_387, %add3A_389 : vector<16xi32>
      %gather3A_391 = tpu.vector_load_idx %arg12[%add3A_390] : memref<368xf32, #tpu.memory_space<vmem>>[vector<16xi32>], vector<16xf32>,
      %add3A_392 = arith.addf %add3A_379, %gather3A_391 : vector<16xf32>
      %add3A_393 = arith.constant 266 : i32
      %add3A_394 = vector.broadcast %add3A_393 : i32 to vector<16xi32>
      %add3A_395 = arith.addi %add3A_394, %min3A_195 : vector<16xi32>
      %gather3A_396 = tpu.vector_load_idx %arg12[%add3A_395] : memref<368xf32, #tpu.memory_space<vmem>>[vector<16xi32>], vector<16xf32>,
      %add3A_397 = arith.addf %add3A_384, %gather3A_396 : vector<16xf32>
      %mul3A_398 = arith.constant 19 : i32
      %mul3A_399 = vector.broadcast %mul3A_398 : i32 to vector<16xi32>
      %mul3A_400 = arith.muli %min3A_195, %mul3A_399 : vector<16xi32>
      %add3A_401 = arith.constant 15 : i32
      %add3A_402 = vector.broadcast %add3A_401 : i32 to vector<16xi32>
      %add3A_403 = arith.addi %mul3A_400, %add3A_402 : vector<16xi32>
      %gather3A_404 = tpu.vector_load_idx %arg12[%add3A_403] : memref<368xf32, #tpu.memory_space<vmem>>[vector<16xi32>], vector<16xf32>,
      %add3A_405 = arith.addf %add3A_392, %gather3A_404 : vector<16xf32>
      %add3A_406 = arith.constant 285 : i32
      %add3A_407 = vector.broadcast %add3A_406 : i32 to vector<16xi32>
      %add3A_408 = arith.addi %add3A_407, %min3A_195 : vector<16xi32>
      %gather3A_409 = tpu.vector_load_idx %arg12[%add3A_408] : memref<368xf32, #tpu.memory_space<vmem>>[vector<16xi32>], vector<16xf32>,
      %add3A_410 = arith.addf %add3A_397, %gather3A_409 : vector<16xf32>
      %mul3A_411 = arith.constant 19 : i32
      %mul3A_412 = vector.broadcast %mul3A_411 : i32 to vector<16xi32>
      %mul3A_413 = arith.muli %min3A_195, %mul3A_412 : vector<16xi32>
      %add3A_414 = arith.constant 16 : i32
      %add3A_415 = vector.broadcast %add3A_414 : i32 to vector<16xi32>
      %add3A_416 = arith.addi %mul3A_413, %add3A_415 : vector<16xi32>
      %gather3A_417 = tpu.vector_load_idx %arg12[%add3A_416] : memref<368xf32, #tpu.memory_space<vmem>>[vector<16xi32>], vector<16xf32>,
      %add3A_418 = arith.addf %add3A_405, %gather3A_417 : vector<16xf32>
      %add3A_419 = arith.constant 304 : i32
      %add3A_420 = vector.broadcast %add3A_419 : i32 to vector<16xi32>
      %add3A_421 = arith.addi %add3A_420, %min3A_195 : vector<16xi32>
      %gather3A_422 = tpu.vector_load_idx %arg12[%add3A_421] : memref<368xf32, #tpu.memory_space<vmem>>[vector<16xi32>], vector<16xf32>,
      %add3A_423 = arith.addf %add3A_410, %gather3A_422 : vector<16xf32>
      %mul3A_424 = arith.constant 19 : i32
      %mul3A_425 = vector.broadcast %mul3A_424 : i32 to vector<16xi32>
      %mul3A_426 = arith.muli %min3A_195, %mul3A_425 : vector<16xi32>
      %add3A_427 = arith.constant 17 : i32
      %add3A_428 = vector.broadcast %add3A_427 : i32 to vector<16xi32>
      %add3A_429 = arith.addi %mul3A_426, %add3A_428 : vector<16xi32>
      %gather3A_430 = tpu.vector_load_idx %arg12[%add3A_429] : memref<368xf32, #tpu.memory_space<vmem>>[vector<16xi32>], vector<16xf32>,
      %add3A_431 = arith.addf %add3A_418, %gather3A_430 : vector<16xf32>
      %add3A_432 = arith.constant 323 : i32
      %add3A_433 = vector.broadcast %add3A_432 : i32 to vector<16xi32>
      %add3A_434 = arith.addi %add3A_433, %min3A_195 : vector<16xi32>
      %gather3A_435 = tpu.vector_load_idx %arg12[%add3A_434] : memref<368xf32, #tpu.memory_space<vmem>>[vector<16xi32>], vector<16xf32>,
      %add3A_436 = arith.addf %add3A_423, %gather3A_435 : vector<16xf32>
      %mul3A_437 = arith.constant 19 : i32
      %mul3A_438 = vector.broadcast %mul3A_437 : i32 to vector<16xi32>
      %mul3A_439 = arith.muli %min3A_195, %mul3A_438 : vector<16xi32>
      %add3A_440 = arith.constant 18 : i32
      %add3A_441 = vector.broadcast %add3A_440 : i32 to vector<16xi32>
      %add3A_442 = arith.addi %mul3A_439, %add3A_441 : vector<16xi32>
      %gather3A_443 = tpu.vector_load_idx %arg12[%add3A_442] : memref<368xf32, #tpu.memory_space<vmem>>[vector<16xi32>], vector<16xf32>,
      %add3A_444 = arith.addf %add3A_431, %gather3A_443 : vector<16xf32>
      %add3A_445 = arith.constant 342 : i32
      %add3A_446 = vector.broadcast %add3A_445 : i32 to vector<16xi32>
      %add3A_447 = arith.addi %add3A_446, %min3A_195 : vector<16xi32>
      %gather3A_448 = tpu.vector_load_idx %arg12[%add3A_447] : memref<368xf32, #tpu.memory_space<vmem>>[vector<16xi32>], vector<16xf32>,
      %add3A_449 = arith.addf %add3A_436, %gather3A_448 : vector<16xf32>
      %mul3A_450 = arith.constant 2.000000e+00 : f32
      %mul3A_451 = vector.broadcast %mul3A_450 : f32 to vector<16xf32>
      %mul3A_452 = arith.mulf %mul3A_451, %gather3A : vector<16xf32>
      %add3A_453 = arith.addf %add3A_444, %add3A_449 : vector<16xf32>
      %add3A_454 = arith.constant 1.000000e-10 : f32
      %add3A_455 = vector.broadcast %add3A_454 : f32 to vector<16xf32>
      %add3A_456 = arith.addf %add3A_453, %add3A_455 : vector<16xf32>
      %div3A_457 = arith.divf %mul3A_452, %add3A_456 : vector<16xf32>
      %swap3A = arith.constant 0 : index
      %swap3A_458 = tpu.vector_load %arg10[%swap3A] {strides = array<i32>} : memref<368xf32, #tpu.memory_space<vmem>>, vector<16xf32>,
      tpu.vector_store %arg10[%swap3A], %div3A_457 {strides = array<i32>} : memref<368xf32, #tpu.memory_space<vmem>>, vector<16xf32>,
      %add3A_459 = arith.constant 16 : i32
      %add3A_460 = vector.broadcast %add3A_459 : i32 to vector<16xi32>
      %add3A_461 = arith.addi %add3A_460, %iota3A : vector<16xi32>
      %min3A_462 = arith.constant 18 : i32
      %min3A_463 = vector.broadcast %min3A_462 : i32 to vector<16xi32>
      %min3A_464 = arith.minsi %add3A_461, %min3A_463 : vector<16xi32>
      %mul3A_465 = arith.constant 20 : i32
      %mul3A_466 = vector.broadcast %mul3A_465 : i32 to vector<16xi32>
      %mul3A_467 = arith.muli %min3A_464, %mul3A_466 : vector<16xi32>
      %gather3A_468 = tpu.vector_load_idx %arg12[%mul3A_467] : memref<368xf32, #tpu.memory_space<vmem>>[vector<16xi32>], vector<16xf32>,
      %broadcast_in_dim3A_469 = arith.constant 0.000000e+00 : f32
      %broadcast_in_dim3A_470 = vector.broadcast %broadcast_in_dim3A_469 : f32 to vector<16xf32>
      %broadcast_in_dim3A_471 = arith.constant 0.000000e+00 : f32
      %broadcast_in_dim3A_472 = vector.broadcast %broadcast_in_dim3A_471 : f32 to vector<16xf32>
      %mul3A_473 = arith.constant 19 : i32
      %mul3A_474 = vector.broadcast %mul3A_473 : i32 to vector<16xi32>
      %mul3A_475 = arith.muli %min3A_464, %mul3A_474 : vector<16xi32>
      %add3A_476 = arith.constant 0 : i32
      %add3A_477 = vector.broadcast %add3A_476 : i32 to vector<16xi32>
      %add3A_478 = arith.addi %mul3A_475, %add3A_477 : vector<16xi32>
      %gather3A_479 = tpu.vector_load_idx %arg12[%add3A_478] : memref<368xf32, #tpu.memory_space<vmem>>[vector<16xi32>], vector<16xf32>,
      %add3A_480 = arith.addf %broadcast_in_dim3A_470, %gather3A_479 : vector<16xf32>
      %add3A_481 = arith.constant 0 : i32
      %add3A_482 = vector.broadcast %add3A_481 : i32 to vector<16xi32>
      %add3A_483 = arith.addi %add3A_482, %min3A_464 : vector<16xi32>
      %gather3A_484 = tpu.vector_load_idx %arg12[%add3A_483] : memref<368xf32, #tpu.memory_space<vmem>>[vector<16xi32>], vector<16xf32>,
      %add3A_485 = arith.addf %broadcast_in_dim3A_472, %gather3A_484 : vector<16xf32>
      %mul3A_486 = arith.constant 19 : i32
      %mul3A_487 = vector.broadcast %mul3A_486 : i32 to vector<16xi32>
      %mul3A_488 = arith.muli %min3A_464, %mul3A_487 : vector<16xi32>
      %add3A_489 = arith.constant 1 : i32
      %add3A_490 = vector.broadcast %add3A_489 : i32 to vector<16xi32>
      %add3A_491 = arith.addi %mul3A_488, %add3A_490 : vector<16xi32>
      %gather3A_492 = tpu.vector_load_idx %arg12[%add3A_491] : memref<368xf32, #tpu.memory_space<vmem>>[vector<16xi32>], vector<16xf32>,
      %add3A_493 = arith.addf %add3A_480, %gather3A_492 : vector<16xf32>
      %add3A_494 = arith.constant 19 : i32
      %add3A_495 = vector.broadcast %add3A_494 : i32 to vector<16xi32>
      %add3A_496 = arith.addi %add3A_495, %min3A_464 : vector<16xi32>
      %gather3A_497 = tpu.vector_load_idx %arg12[%add3A_496] : memref<368xf32, #tpu.memory_space<vmem>>[vector<16xi32>], vector<16xf32>,
      %add3A_498 = arith.addf %add3A_485, %gather3A_497 : vector<16xf32>
      %mul3A_499 = arith.constant 19 : i32
      %mul3A_500 = vector.broadcast %mul3A_499 : i32 to vector<16xi32>
      %mul3A_501 = arith.muli %min3A_464, %mul3A_500 : vector<16xi32>
      %add3A_502 = arith.constant 2 : i32
      %add3A_503 = vector.broadcast %add3A_502 : i32 to vector<16xi32>
      %add3A_504 = arith.addi %mul3A_501, %add3A_503 : vector<16xi32>
      %gather3A_505 = tpu.vector_load_idx %arg12[%add3A_504] : memref<368xf32, #tpu.memory_space<vmem>>[vector<16xi32>], vector<16xf32>,
      %add3A_506 = arith.addf %add3A_493, %gather3A_505 : vector<16xf32>
      %add3A_507 = arith.constant 38 : i32
      %add3A_508 = vector.broadcast %add3A_507 : i32 to vector<16xi32>
      %add3A_509 = arith.addi %add3A_508, %min3A_464 : vector<16xi32>
      %gather3A_510 = tpu.vector_load_idx %arg12[%add3A_509] : memref<368xf32, #tpu.memory_space<vmem>>[vector<16xi32>], vector<16xf32>,
      %add3A_511 = arith.addf %add3A_498, %gather3A_510 : vector<16xf32>
      %mul3A_512 = arith.constant 19 : i32
      %mul3A_513 = vector.broadcast %mul3A_512 : i32 to vector<16xi32>
      %mul3A_514 = arith.muli %min3A_464, %mul3A_513 : vector<16xi32>
      %add3A_515 = arith.constant 3 : i32
      %add3A_516 = vector.broadcast %add3A_515 : i32 to vector<16xi32>
      %add3A_517 = arith.addi %mul3A_514, %add3A_516 : vector<16xi32>
      %gather3A_518 = tpu.vector_load_idx %arg12[%add3A_517] : memref<368xf32, #tpu.memory_space<vmem>>[vector<16xi32>], vector<16xf32>,
      %add3A_519 = arith.addf %add3A_506, %gather3A_518 : vector<16xf32>
      %add3A_520 = arith.constant 57 : i32
      %add3A_521 = vector.broadcast %add3A_520 : i32 to vector<16xi32>
      %add3A_522 = arith.addi %add3A_521, %min3A_464 : vector<16xi32>
      %gather3A_523 = tpu.vector_load_idx %arg12[%add3A_522] : memref<368xf32, #tpu.memory_space<vmem>>[vector<16xi32>], vector<16xf32>,
      %add3A_524 = arith.addf %add3A_511, %gather3A_523 : vector<16xf32>
      %mul3A_525 = arith.constant 19 : i32
      %mul3A_526 = vector.broadcast %mul3A_525 : i32 to vector<16xi32>
      %mul3A_527 = arith.muli %min3A_464, %mul3A_526 : vector<16xi32>
      %add3A_528 = arith.constant 4 : i32
      %add3A_529 = vector.broadcast %add3A_528 : i32 to vector<16xi32>
      %add3A_530 = arith.addi %mul3A_527, %add3A_529 : vector<16xi32>
      %gather3A_531 = tpu.vector_load_idx %arg12[%add3A_530] : memref<368xf32, #tpu.memory_space<vmem>>[vector<16xi32>], vector<16xf32>,
      %add3A_532 = arith.addf %add3A_519, %gather3A_531 : vector<16xf32>
      %add3A_533 = arith.constant 76 : i32
      %add3A_534 = vector.broadcast %add3A_533 : i32 to vector<16xi32>
      %add3A_535 = arith.addi %add3A_534, %min3A_464 : vector<16xi32>
      %gather3A_536 = tpu.vector_load_idx %arg12[%add3A_535] : memref<368xf32, #tpu.memory_space<vmem>>[vector<16xi32>], vector<16xf32>,
      %add3A_537 = arith.addf %add3A_524, %gather3A_536 : vector<16xf32>
      %mul3A_538 = arith.constant 19 : i32
      %mul3A_539 = vector.broadcast %mul3A_538 : i32 to vector<16xi32>
      %mul3A_540 = arith.muli %min3A_464, %mul3A_539 : vector<16xi32>
      %add3A_541 = arith.constant 5 : i32
      %add3A_542 = vector.broadcast %add3A_541 : i32 to vector<16xi32>
      %add3A_543 = arith.addi %mul3A_540, %add3A_542 : vector<16xi32>
      %gather3A_544 = tpu.vector_load_idx %arg12[%add3A_543] : memref<368xf32, #tpu.memory_space<vmem>>[vector<16xi32>], vector<16xf32>,
      %add3A_545 = arith.addf %add3A_532, %gather3A_544 : vector<16xf32>
      %add3A_546 = arith.constant 95 : i32
      %add3A_547 = vector.broadcast %add3A_546 : i32 to vector<16xi32>
      %add3A_548 = arith.addi %add3A_547, %min3A_464 : vector<16xi32>
      %gather3A_549 = tpu.vector_load_idx %arg12[%add3A_548] : memref<368xf32, #tpu.memory_space<vmem>>[vector<16xi32>], vector<16xf32>,
      %add3A_550 = arith.addf %add3A_537, %gather3A_549 : vector<16xf32>
      %mul3A_551 = arith.constant 19 : i32
      %mul3A_552 = vector.broadcast %mul3A_551 : i32 to vector<16xi32>
      %mul3A_553 = arith.muli %min3A_464, %mul3A_552 : vector<16xi32>
      %add3A_554 = arith.constant 6 : i32
      %add3A_555 = vector.broadcast %add3A_554 : i32 to vector<16xi32>
      %add3A_556 = arith.addi %mul3A_553, %add3A_555 : vector<16xi32>
      %gather3A_557 = tpu.vector_load_idx %arg12[%add3A_556] : memref<368xf32, #tpu.memory_space<vmem>>[vector<16xi32>], vector<16xf32>,
      %add3A_558 = arith.addf %add3A_545, %gather3A_557 : vector<16xf32>
      %add3A_559 = arith.constant 114 : i32
      %add3A_560 = vector.broadcast %add3A_559 : i32 to vector<16xi32>
      %add3A_561 = arith.addi %add3A_560, %min3A_464 : vector<16xi32>
      %gather3A_562 = tpu.vector_load_idx %arg12[%add3A_561] : memref<368xf32, #tpu.memory_space<vmem>>[vector<16xi32>], vector<16xf32>,
      %add3A_563 = arith.addf %add3A_550, %gather3A_562 : vector<16xf32>
      %mul3A_564 = arith.constant 19 : i32
      %mul3A_565 = vector.broadcast %mul3A_564 : i32 to vector<16xi32>
      %mul3A_566 = arith.muli %min3A_464, %mul3A_565 : vector<16xi32>
      %add3A_567 = arith.constant 7 : i32
      %add3A_568 = vector.broadcast %add3A_567 : i32 to vector<16xi32>
      %add3A_569 = arith.addi %mul3A_566, %add3A_568 : vector<16xi32>
      %gather3A_570 = tpu.vector_load_idx %arg12[%add3A_569] : memref<368xf32, #tpu.memory_space<vmem>>[vector<16xi32>], vector<16xf32>,
      %add3A_571 = arith.addf %add3A_558, %gather3A_570 : vector<16xf32>
      %add3A_572 = arith.constant 133 : i32
      %add3A_573 = vector.broadcast %add3A_572 : i32 to vector<16xi32>
      %add3A_574 = arith.addi %add3A_573, %min3A_464 : vector<16xi32>
      %gather3A_575 = tpu.vector_load_idx %arg12[%add3A_574] : memref<368xf32, #tpu.memory_space<vmem>>[vector<16xi32>], vector<16xf32>,
      %add3A_576 = arith.addf %add3A_563, %gather3A_575 : vector<16xf32>
      %mul3A_577 = arith.constant 19 : i32
      %mul3A_578 = vector.broadcast %mul3A_577 : i32 to vector<16xi32>
      %mul3A_579 = arith.muli %min3A_464, %mul3A_578 : vector<16xi32>
      %add3A_580 = arith.constant 8 : i32
      %add3A_581 = vector.broadcast %add3A_580 : i32 to vector<16xi32>
      %add3A_582 = arith.addi %mul3A_579, %add3A_581 : vector<16xi32>
      %gather3A_583 = tpu.vector_load_idx %arg12[%add3A_582] : memref<368xf32, #tpu.memory_space<vmem>>[vector<16xi32>], vector<16xf32>,
      %add3A_584 = arith.addf %add3A_571, %gather3A_583 : vector<16xf32>
      %add3A_585 = arith.constant 152 : i32
      %add3A_586 = vector.broadcast %add3A_585 : i32 to vector<16xi32>
      %add3A_587 = arith.addi %add3A_586, %min3A_464 : vector<16xi32>
      %gather3A_588 = tpu.vector_load_idx %arg12[%add3A_587] : memref<368xf32, #tpu.memory_space<vmem>>[vector<16xi32>], vector<16xf32>,
      %add3A_589 = arith.addf %add3A_576, %gather3A_588 : vector<16xf32>
      %mul3A_590 = arith.constant 19 : i32
      %mul3A_591 = vector.broadcast %mul3A_590 : i32 to vector<16xi32>
      %mul3A_592 = arith.muli %min3A_464, %mul3A_591 : vector<16xi32>
      %add3A_593 = arith.constant 9 : i32
      %add3A_594 = vector.broadcast %add3A_593 : i32 to vector<16xi32>
      %add3A_595 = arith.addi %mul3A_592, %add3A_594 : vector<16xi32>
      %gather3A_596 = tpu.vector_load_idx %arg12[%add3A_595] : memref<368xf32, #tpu.memory_space<vmem>>[vector<16xi32>], vector<16xf32>,
      %add3A_597 = arith.addf %add3A_584, %gather3A_596 : vector<16xf32>
      %add3A_598 = arith.constant 171 : i32
      %add3A_599 = vector.broadcast %add3A_598 : i32 to vector<16xi32>
      %add3A_600 = arith.addi %add3A_599, %min3A_464 : vector<16xi32>
      %gather3A_601 = tpu.vector_load_idx %arg12[%add3A_600] : memref<368xf32, #tpu.memory_space<vmem>>[vector<16xi32>], vector<16xf32>,
      %add3A_602 = arith.addf %add3A_589, %gather3A_601 : vector<16xf32>
      %mul3A_603 = arith.constant 19 : i32
      %mul3A_604 = vector.broadcast %mul3A_603 : i32 to vector<16xi32>
      %mul3A_605 = arith.muli %min3A_464, %mul3A_604 : vector<16xi32>
      %add3A_606 = arith.constant 10 : i32
      %add3A_607 = vector.broadcast %add3A_606 : i32 to vector<16xi32>
      %add3A_608 = arith.addi %mul3A_605, %add3A_607 : vector<16xi32>
      %gather3A_609 = tpu.vector_load_idx %arg12[%add3A_608] : memref<368xf32, #tpu.memory_space<vmem>>[vector<16xi32>], vector<16xf32>,
      %add3A_610 = arith.addf %add3A_597, %gather3A_609 : vector<16xf32>
      %add3A_611 = arith.constant 190 : i32
      %add3A_612 = vector.broadcast %add3A_611 : i32 to vector<16xi32>
      %add3A_613 = arith.addi %add3A_612, %min3A_464 : vector<16xi32>
      %gather3A_614 = tpu.vector_load_idx %arg12[%add3A_613] : memref<368xf32, #tpu.memory_space<vmem>>[vector<16xi32>], vector<16xf32>,
      %add3A_615 = arith.addf %add3A_602, %gather3A_614 : vector<16xf32>
      %mul3A_616 = arith.constant 19 : i32
      %mul3A_617 = vector.broadcast %mul3A_616 : i32 to vector<16xi32>
      %mul3A_618 = arith.muli %min3A_464, %mul3A_617 : vector<16xi32>
      %add3A_619 = arith.constant 11 : i32
      %add3A_620 = vector.broadcast %add3A_619 : i32 to vector<16xi32>
      %add3A_621 = arith.addi %mul3A_618, %add3A_620 : vector<16xi32>
      %gather3A_622 = tpu.vector_load_idx %arg12[%add3A_621] : memref<368xf32, #tpu.memory_space<vmem>>[vector<16xi32>], vector<16xf32>,
      %add3A_623 = arith.addf %add3A_610, %gather3A_622 : vector<16xf32>
      %add3A_624 = arith.constant 209 : i32
      %add3A_625 = vector.broadcast %add3A_624 : i32 to vector<16xi32>
      %add3A_626 = arith.addi %add3A_625, %min3A_464 : vector<16xi32>
      %gather3A_627 = tpu.vector_load_idx %arg12[%add3A_626] : memref<368xf32, #tpu.memory_space<vmem>>[vector<16xi32>], vector<16xf32>,
      %add3A_628 = arith.addf %add3A_615, %gather3A_627 : vector<16xf32>
      %mul3A_629 = arith.constant 19 : i32
      %mul3A_630 = vector.broadcast %mul3A_629 : i32 to vector<16xi32>
      %mul3A_631 = arith.muli %min3A_464, %mul3A_630 : vector<16xi32>
      %add3A_632 = arith.constant 12 : i32
      %add3A_633 = vector.broadcast %add3A_632 : i32 to vector<16xi32>
      %add3A_634 = arith.addi %mul3A_631, %add3A_633 : vector<16xi32>
      %gather3A_635 = tpu.vector_load_idx %arg12[%add3A_634] : memref<368xf32, #tpu.memory_space<vmem>>[vector<16xi32>], vector<16xf32>,
      %add3A_636 = arith.addf %add3A_623, %gather3A_635 : vector<16xf32>
      %add3A_637 = arith.constant 228 : i32
      %add3A_638 = vector.broadcast %add3A_637 : i32 to vector<16xi32>
      %add3A_639 = arith.addi %add3A_638, %min3A_464 : vector<16xi32>
      %gather3A_640 = tpu.vector_load_idx %arg12[%add3A_639] : memref<368xf32, #tpu.memory_space<vmem>>[vector<16xi32>], vector<16xf32>,
      %add3A_641 = arith.addf %add3A_628, %gather3A_640 : vector<16xf32>
      %mul3A_642 = arith.constant 19 : i32
      %mul3A_643 = vector.broadcast %mul3A_642 : i32 to vector<16xi32>
      %mul3A_644 = arith.muli %min3A_464, %mul3A_643 : vector<16xi32>
      %add3A_645 = arith.constant 13 : i32
      %add3A_646 = vector.broadcast %add3A_645 : i32 to vector<16xi32>
      %add3A_647 = arith.addi %mul3A_644, %add3A_646 : vector<16xi32>
      %gather3A_648 = tpu.vector_load_idx %arg12[%add3A_647] : memref<368xf32, #tpu.memory_space<vmem>>[vector<16xi32>], vector<16xf32>,
      %add3A_649 = arith.addf %add3A_636, %gather3A_648 : vector<16xf32>
      %add3A_650 = arith.constant 247 : i32
      %add3A_651 = vector.broadcast %add3A_650 : i32 to vector<16xi32>
      %add3A_652 = arith.addi %add3A_651, %min3A_464 : vector<16xi32>
      %gather3A_653 = tpu.vector_load_idx %arg12[%add3A_652] : memref<368xf32, #tpu.memory_space<vmem>>[vector<16xi32>], vector<16xf32>,
      %add3A_654 = arith.addf %add3A_641, %gather3A_653 : vector<16xf32>
      %mul3A_655 = arith.constant 19 : i32
      %mul3A_656 = vector.broadcast %mul3A_655 : i32 to vector<16xi32>
      %mul3A_657 = arith.muli %min3A_464, %mul3A_656 : vector<16xi32>
      %add3A_658 = arith.constant 14 : i32
      %add3A_659 = vector.broadcast %add3A_658 : i32 to vector<16xi32>
      %add3A_660 = arith.addi %mul3A_657, %add3A_659 : vector<16xi32>
      %gather3A_661 = tpu.vector_load_idx %arg12[%add3A_660] : memref<368xf32, #tpu.memory_space<vmem>>[vector<16xi32>], vector<16xf32>,
      %add3A_662 = arith.addf %add3A_649, %gather3A_661 : vector<16xf32>
      %add3A_663 = arith.constant 266 : i32
      %add3A_664 = vector.broadcast %add3A_663 : i32 to vector<16xi32>
      %add3A_665 = arith.addi %add3A_664, %min3A_464 : vector<16xi32>
      %gather3A_666 = tpu.vector_load_idx %arg12[%add3A_665] : memref<368xf32, #tpu.memory_space<vmem>>[vector<16xi32>], vector<16xf32>,
      %add3A_667 = arith.addf %add3A_654, %gather3A_666 : vector<16xf32>
      %mul3A_668 = arith.constant 19 : i32
      %mul3A_669 = vector.broadcast %mul3A_668 : i32 to vector<16xi32>
      %mul3A_670 = arith.muli %min3A_464, %mul3A_669 : vector<16xi32>
      %add3A_671 = arith.constant 15 : i32
      %add3A_672 = vector.broadcast %add3A_671 : i32 to vector<16xi32>
      %add3A_673 = arith.addi %mul3A_670, %add3A_672 : vector<16xi32>
      %gather3A_674 = tpu.vector_load_idx %arg12[%add3A_673] : memref<368xf32, #tpu.memory_space<vmem>>[vector<16xi32>], vector<16xf32>,
      %add3A_675 = arith.addf %add3A_662, %gather3A_674 : vector<16xf32>
      %add3A_676 = arith.constant 285 : i32
      %add3A_677 = vector.broadcast %add3A_676 : i32 to vector<16xi32>
      %add3A_678 = arith.addi %add3A_677, %min3A_464 : vector<16xi32>
      %gather3A_679 = tpu.vector_load_idx %arg12[%add3A_678] : memref<368xf32, #tpu.memory_space<vmem>>[vector<16xi32>], vector<16xf32>,
      %add3A_680 = arith.addf %add3A_667, %gather3A_679 : vector<16xf32>
      %mul3A_681 = arith.constant 19 : i32
      %mul3A_682 = vector.broadcast %mul3A_681 : i32 to vector<16xi32>
      %mul3A_683 = arith.muli %min3A_464, %mul3A_682 : vector<16xi32>
      %add3A_684 = arith.constant 16 : i32
      %add3A_685 = vector.broadcast %add3A_684 : i32 to vector<16xi32>
      %add3A_686 = arith.addi %mul3A_683, %add3A_685 : vector<16xi32>
      %gather3A_687 = tpu.vector_load_idx %arg12[%add3A_686] : memref<368xf32, #tpu.memory_space<vmem>>[vector<16xi32>], vector<16xf32>,
      %add3A_688 = arith.addf %add3A_675, %gather3A_687 : vector<16xf32>
      %add3A_689 = arith.constant 304 : i32
      %add3A_690 = vector.broadcast %add3A_689 : i32 to vector<16xi32>
      %add3A_691 = arith.addi %add3A_690, %min3A_464 : vector<16xi32>
      %gather3A_692 = tpu.vector_load_idx %arg12[%add3A_691] : memref<368xf32, #tpu.memory_space<vmem>>[vector<16xi32>], vector<16xf32>,
      %add3A_693 = arith.addf %add3A_680, %gather3A_692 : vector<16xf32>
      %mul3A_694 = arith.constant 19 : i32
      %mul3A_695 = vector.broadcast %mul3A_694 : i32 to vector<16xi32>
      %mul3A_696 = arith.muli %min3A_464, %mul3A_695 : vector<16xi32>
      %add3A_697 = arith.constant 17 : i32
      %add3A_698 = vector.broadcast %add3A_697 : i32 to vector<16xi32>
      %add3A_699 = arith.addi %mul3A_696, %add3A_698 : vector<16xi32>
      %gather3A_700 = tpu.vector_load_idx %arg12[%add3A_699] : memref<368xf32, #tpu.memory_space<vmem>>[vector<16xi32>], vector<16xf32>,
      %add3A_701 = arith.addf %add3A_688, %gather3A_700 : vector<16xf32>
      %add3A_702 = arith.constant 323 : i32
      %add3A_703 = vector.broadcast %add3A_702 : i32 to vector<16xi32>
      %add3A_704 = arith.addi %add3A_703, %min3A_464 : vector<16xi32>
      %gather3A_705 = tpu.vector_load_idx %arg12[%add3A_704] : memref<368xf32, #tpu.memory_space<vmem>>[vector<16xi32>], vector<16xf32>,
      %add3A_706 = arith.addf %add3A_693, %gather3A_705 : vector<16xf32>
      %mul3A_707 = arith.constant 19 : i32
      %mul3A_708 = vector.broadcast %mul3A_707 : i32 to vector<16xi32>
      %mul3A_709 = arith.muli %min3A_464, %mul3A_708 : vector<16xi32>
      %add3A_710 = arith.constant 18 : i32
      %add3A_711 = vector.broadcast %add3A_710 : i32 to vector<16xi32>
      %add3A_712 = arith.addi %mul3A_709, %add3A_711 : vector<16xi32>
      %gather3A_713 = tpu.vector_load_idx %arg12[%add3A_712] : memref<368xf32, #tpu.memory_space<vmem>>[vector<16xi32>], vector<16xf32>,
      %add3A_714 = arith.addf %add3A_701, %gather3A_713 : vector<16xf32>
      %add3A_715 = arith.constant 342 : i32
      %add3A_716 = vector.broadcast %add3A_715 : i32 to vector<16xi32>
      %add3A_717 = arith.addi %add3A_716, %min3A_464 : vector<16xi32>
      %gather3A_718 = tpu.vector_load_idx %arg12[%add3A_717] : memref<368xf32, #tpu.memory_space<vmem>>[vector<16xi32>], vector<16xf32>,
      %add3A_719 = arith.addf %add3A_706, %gather3A_718 : vector<16xf32>
      %mul3A_720 = arith.constant 2.000000e+00 : f32
      %mul3A_721 = vector.broadcast %mul3A_720 : f32 to vector<16xf32>
      %mul3A_722 = arith.mulf %mul3A_721, %gather3A_468 : vector<16xf32>
      %add3A_723 = arith.addf %add3A_714, %add3A_719 : vector<16xf32>
      %add3A_724 = arith.constant 1.000000e-10 : f32
      %add3A_725 = vector.broadcast %add3A_724 : f32 to vector<16xf32>
      %add3A_726 = arith.addf %add3A_723, %add3A_725 : vector<16xf32>
      %div3A_727 = arith.divf %mul3A_722, %add3A_726 : vector<16xf32>
      %swap3A_728 = arith.constant 16 : index
      %swap3A_729 = tpu.vector_load %arg10[%swap3A_728] {strides = array<i32>} : memref<368xf32, #tpu.memory_space<vmem>>, vector<16xf32>,
      tpu.vector_store %arg10[%swap3A_728], %div3A_727 {strides = array<i32>} : memref<368xf32, #tpu.memory_space<vmem>>, vector<16xf32>,
    } else {
    }
    "tpu.region"() ({
      %run_scoped3A = tpu.sem_alloc : memref<!tpu.dma_semaphore, #tpu.memory_space<semaphore_mem>>
      %dma_start3A_183 = arith.constant 0 : i32
      %dma_start3A_184 = tpu.memref_slice %arg16[%arg1, %dma_start3A_183] : memref<24x368xf32, #tpu.memory_space<vmem_shared>> -> memref<1x368xf32, #tpu.memory_space<vmem_shared>>
      %dma_start3A_185 = tpu.memref_squeeze %dma_start3A_184 : memref<1x368xf32, #tpu.memory_space<vmem_shared>> -> memref<368xf32, #tpu.memory_space<vmem_shared>>
      %dma_start3A_186 = arith.constant 0 : i32
      %dma_start3A_187 = tpu.memref_slice %arg16[%arg1, %dma_start3A_186] : memref<24x368xf32, #tpu.memory_space<vmem_shared>> -> memref<1x368xf32, #tpu.memory_space<vmem_shared>>
      %dma_start3A_188 = tpu.memref_squeeze %dma_start3A_187 : memref<1x368xf32, #tpu.memory_space<vmem_shared>> -> memref<368xf32, #tpu.memory_space<vmem_shared>>
      tpu.enqueue_dma source(%arg10 : memref<368xf32, #tpu.memory_space<vmem>>) target(%dma_start3A_188 : memref<368xf32, #tpu.memory_space<vmem_shared>>) target_semaphore(%run_scoped3A : memref<!tpu.dma_semaphore, #tpu.memory_space<semaphore_mem>>)
      %dma_wait3A_189 = arith.constant 0 : i32
      %dma_wait3A_190 = tpu.memref_slice %arg16[%arg1, %dma_wait3A_189] : memref<24x368xf32, #tpu.memory_space<vmem_shared>> -> memref<1x368xf32, #tpu.memory_space<vmem_shared>>
      %dma_wait3A_191 = tpu.memref_squeeze %dma_wait3A_190 : memref<1x368xf32, #tpu.memory_space<vmem_shared>> -> memref<368xf32, #tpu.memory_space<vmem_shared>>
      %dma_wait3A_192 = arith.constant 0 : i32
      %dma_wait3A_193 = tpu.memref_slice %arg16[%arg1, %dma_wait3A_192] : memref<24x368xf32, #tpu.memory_space<vmem_shared>> -> memref<1x368xf32, #tpu.memory_space<vmem_shared>>
      %dma_wait3A_194 = tpu.memref_squeeze %dma_wait3A_193 : memref<1x368xf32, #tpu.memory_space<vmem_shared>> -> memref<368xf32, #tpu.memory_space<vmem_shared>>
      tpu.wait_dma2 semaphore(%run_scoped3A : memref<!tpu.dma_semaphore, #tpu.memory_space<semaphore_mem>>) src(%arg10 : memref<368xf32, #tpu.memory_space<vmem>>) dst(%dma_wait3A_194 : memref<368xf32, #tpu.memory_space<vmem_shared>>)
      tpu.yield
    }) : () -> ()
    %barrier3A_177 = arith.constant 0 : index
    tpu.barrier barrier_id(%barrier3A_177)
    %eq3A_178 = arith.constant 0 : i32
    %eq3A_179 = arith.cmpi eq, %arg1, %eq3A_178 : i32
    %convert_element_type3A_180 = arith.extui %eq3A_179 : i1 to i32
    %cond3A_181 = arith.constant 0 : i32
    %cond3A_182 = arith.cmpi ne, %convert_element_type3A_180, %cond3A_181 : i32
    scf.if %cond3A_182 {
      "tpu.region"() ({
        %run_scoped3A = tpu.sem_alloc : memref<!tpu.dma_semaphore, #tpu.memory_space<semaphore_mem>>
        %dma_start3A_229 = arith.constant 0 : i32
        %dma_start3A_230 = arith.constant 0 : i32
        %dma_start3A_231 = tpu.memref_slice %arg16[%dma_start3A_229, %dma_start3A_230] : memref<24x368xf32, #tpu.memory_space<vmem_shared>> -> memref<4x368xf32, #tpu.memory_space<vmem_shared>>
        %dma_start3A_232 = arith.constant 0 : i32
        %dma_start3A_233 = arith.constant 0 : i32
        %dma_start3A_234 = tpu.memref_slice %arg16[%dma_start3A_232, %dma_start3A_233] : memref<24x368xf32, #tpu.memory_space<vmem_shared>> -> memref<4x368xf32, #tpu.memory_space<vmem_shared>>
        tpu.enqueue_dma source(%dma_start3A_234 : memref<4x368xf32, #tpu.memory_space<vmem_shared>>) target(%arg11 : memref<4x368xf32, #tpu.memory_space<vmem>>) target_semaphore(%run_scoped3A : memref<!tpu.dma_semaphore, #tpu.memory_space<semaphore_mem>>)
        %dma_wait3A_235 = arith.constant 0 : i32
        %dma_wait3A_236 = arith.constant 0 : i32
        %dma_wait3A_237 = tpu.memref_slice %arg16[%dma_wait3A_235, %dma_wait3A_236] : memref<24x368xf32, #tpu.memory_space<vmem_shared>> -> memref<4x368xf32, #tpu.memory_space<vmem_shared>>
        %dma_wait3A_238 = arith.constant 0 : i32
        %dma_wait3A_239 = arith.constant 0 : i32
        %dma_wait3A_240 = tpu.memref_slice %arg16[%dma_wait3A_238, %dma_wait3A_239] : memref<24x368xf32, #tpu.memory_space<vmem_shared>> -> memref<4x368xf32, #tpu.memory_space<vmem_shared>>
        tpu.wait_dma2 semaphore(%run_scoped3A : memref<!tpu.dma_semaphore, #tpu.memory_space<semaphore_mem>>) src(%dma_wait3A_240 : memref<4x368xf32, #tpu.memory_space<vmem_shared>>) dst(%arg11 : memref<4x368xf32, #tpu.memory_space<vmem>>)
        tpu.yield
      }) : () -> ()
      %get3A = arith.constant 0 : i32
      %get3A_183 = arith.index_cast %get3A : i32 to index
      %get3A_184 = arith.constant 0 : index
      %get3A_185 = tpu.vector_load %arg11[%get3A_183, %get3A_184] {strides = array<i32>} : memref<4x368xf32, #tpu.memory_space<vmem>>, vector<16xf32>,
      %get3A_186 = arith.constant 1 : i32
      %get3A_187 = arith.index_cast %get3A_186 : i32 to index
      %get3A_188 = arith.constant 0 : index
      %get3A_189 = tpu.vector_load %arg11[%get3A_187, %get3A_188] {strides = array<i32>} : memref<4x368xf32, #tpu.memory_space<vmem>>, vector<16xf32>,
      %add3A_190 = arith.addf %get3A_185, %get3A_189 : vector<16xf32>
      %get3A_191 = arith.constant 2 : i32
      %get3A_192 = arith.index_cast %get3A_191 : i32 to index
      %get3A_193 = arith.constant 0 : index
      %get3A_194 = tpu.vector_load %arg11[%get3A_192, %get3A_193] {strides = array<i32>} : memref<4x368xf32, #tpu.memory_space<vmem>>, vector<16xf32>,
      %get3A_195 = arith.constant 3 : i32
      %get3A_196 = arith.index_cast %get3A_195 : i32 to index
      %get3A_197 = arith.constant 0 : index
      %get3A_198 = tpu.vector_load %arg11[%get3A_196, %get3A_197] {strides = array<i32>} : memref<4x368xf32, #tpu.memory_space<vmem>>, vector<16xf32>,
      %add3A_199 = arith.addf %get3A_194, %get3A_198 : vector<16xf32>
      %add3A_200 = arith.addf %add3A_190, %add3A_199 : vector<16xf32>
      %mul3A_201 = arith.constant 1.250000e-01 : f32
      %mul3A_202 = vector.broadcast %mul3A_201 : f32 to vector<16xf32>
      %mul3A_203 = arith.mulf %add3A_200, %mul3A_202 : vector<16xf32>
      %swap3A = arith.constant 0 : index
      %swap3A_204 = tpu.vector_load %arg13[%swap3A] {strides = array<i32>} : memref<32xf32, #tpu.memory_space<vmem>>, vector<16xf32>,
      tpu.vector_store %arg13[%swap3A], %mul3A_203 {strides = array<i32>} : memref<32xf32, #tpu.memory_space<vmem>>, vector<16xf32>,
      %get3A_205 = arith.constant 0 : i32
      %get3A_206 = arith.index_cast %get3A_205 : i32 to index
      %get3A_207 = arith.constant 16 : index
      %get3A_208 = tpu.vector_load %arg11[%get3A_206, %get3A_207] {strides = array<i32>} : memref<4x368xf32, #tpu.memory_space<vmem>>, vector<16xf32>,
      %get3A_209 = arith.constant 1 : i32
      %get3A_210 = arith.index_cast %get3A_209 : i32 to index
      %get3A_211 = arith.constant 16 : index
      %get3A_212 = tpu.vector_load %arg11[%get3A_210, %get3A_211] {strides = array<i32>} : memref<4x368xf32, #tpu.memory_space<vmem>>, vector<16xf32>,
      %add3A_213 = arith.addf %get3A_208, %get3A_212 : vector<16xf32>
      %get3A_214 = arith.constant 2 : i32
      %get3A_215 = arith.index_cast %get3A_214 : i32 to index
      %get3A_216 = arith.constant 16 : index
      %get3A_217 = tpu.vector_load %arg11[%get3A_215, %get3A_216] {strides = array<i32>} : memref<4x368xf32, #tpu.memory_space<vmem>>, vector<16xf32>,
      %get3A_218 = arith.constant 3 : i32
      %get3A_219 = arith.index_cast %get3A_218 : i32 to index
      %get3A_220 = arith.constant 16 : index
      %get3A_221 = tpu.vector_load %arg11[%get3A_219, %get3A_220] {strides = array<i32>} : memref<4x368xf32, #tpu.memory_space<vmem>>, vector<16xf32>,
      %add3A_222 = arith.addf %get3A_217, %get3A_221 : vector<16xf32>
      %add3A_223 = arith.addf %add3A_213, %add3A_222 : vector<16xf32>
      %mul3A_224 = arith.constant 1.250000e-01 : f32
      %mul3A_225 = vector.broadcast %mul3A_224 : f32 to vector<16xf32>
      %mul3A_226 = arith.mulf %add3A_223, %mul3A_225 : vector<16xf32>
      %swap3A_227 = arith.constant 16 : index
      %swap3A_228 = tpu.vector_load %arg13[%swap3A_227] {strides = array<i32>} : memref<32xf32, #tpu.memory_space<vmem>>, vector<16xf32>,
      tpu.vector_store %arg13[%swap3A_227], %mul3A_226 {strides = array<i32>} : memref<32xf32, #tpu.memory_space<vmem>>, vector<16xf32>,
      "tpu.region"() ({
        %run_scoped3A = tpu.sem_alloc : memref<!tpu.dma_semaphore, #tpu.memory_space<semaphore_mem>>
        %dma_start3A_229 = arith.constant 0 : i32
        %dma_start3A_230 = tpu.memref_slice %arg4[%arg0, %dma_start3A_229] : memref<2x32xf32, #tpu.memory_space<hbm>> -> memref<1x32xf32, #tpu.memory_space<hbm>>
        %dma_start3A_231 = tpu.memref_squeeze %dma_start3A_230 : memref<1x32xf32, #tpu.memory_space<hbm>> -> memref<32xf32, #tpu.memory_space<hbm>>
        %dma_start3A_232 = arith.constant 0 : i32
        %dma_start3A_233 = tpu.memref_slice %arg4[%arg0, %dma_start3A_232] : memref<2x32xf32, #tpu.memory_space<hbm>> -> memref<1x32xf32, #tpu.memory_space<hbm>>
        %dma_start3A_234 = tpu.memref_squeeze %dma_start3A_233 : memref<1x32xf32, #tpu.memory_space<hbm>> -> memref<32xf32, #tpu.memory_space<hbm>>
        tpu.enqueue_dma source(%arg13 : memref<32xf32, #tpu.memory_space<vmem>>) target(%dma_start3A_234 : memref<32xf32, #tpu.memory_space<hbm>>) target_semaphore(%run_scoped3A : memref<!tpu.dma_semaphore, #tpu.memory_space<semaphore_mem>>)
        %dma_wait3A_235 = arith.constant 0 : i32
        %dma_wait3A_236 = tpu.memref_slice %arg4[%arg0, %dma_wait3A_235] : memref<2x32xf32, #tpu.memory_space<hbm>> -> memref<1x32xf32, #tpu.memory_space<hbm>>
        %dma_wait3A_237 = tpu.memref_squeeze %dma_wait3A_236 : memref<1x32xf32, #tpu.memory_space<hbm>> -> memref<32xf32, #tpu.memory_space<hbm>>
        %dma_wait3A_238 = arith.constant 0 : i32
        %dma_wait3A_239 = tpu.memref_slice %arg4[%arg0, %dma_wait3A_238] : memref<2x32xf32, #tpu.memory_space<hbm>> -> memref<1x32xf32, #tpu.memory_space<hbm>>
        %dma_wait3A_240 = tpu.memref_squeeze %dma_wait3A_239 : memref<1x32xf32, #tpu.memory_space<hbm>> -> memref<32xf32, #tpu.memory_space<hbm>>
        tpu.wait_dma2 semaphore(%run_scoped3A : memref<!tpu.dma_semaphore, #tpu.memory_space<semaphore_mem>>) src(%arg13 : memref<32xf32, #tpu.memory_space<vmem>>) dst(%dma_wait3A_240 : memref<32xf32, #tpu.memory_space<hbm>>)
        tpu.yield
      }) : () -> ()
    } else {
    }
    return
  }
}

</mosaic_0001>

<sc_bundles>
// kernel: kernel.3.cloned.1.call-start
scs
__scs_entry_jumppad:
0x0: {  	(pc) =	sbr.rel $0x88, $3  }
0x1: {  	(tag) =	ssettag $0x0;
	lr =	simm.s32 $0x1  }
0x2: {  	[smem:$0x3F9F] =	sst lr;
	_ =	strace $0xD0000000  }
0x3: {  	_ = 	snop  }
0x4: {  	_ = 	snop  }
0x5: {  	_ = 	snop  }
0x6: {  	_ = 	snop  }
0x7: {  	_ = 	snop  }
__scs_overlays_trampoline_lowered:
0x8: {  	[smem:$0x3FAE] =	sst s0  }
0x9: {  	[smem:$0x3FAF] =	sst s1  }
0xa: {  	[smem:$0x3FB0] =	sst s2  }
0xb: {  	[smem:$0x3FB1] =	sst s3  }
0xc: {  	[smem:$0x3FB2] =	sst s4  }
0xd: {  	[smem:$0x3FB3] =	sst s5  }
0xe: {  	[smem:$0x3FB4] =	sst s6  }
0xf: {  	[smem:$0x3FB5] =	sst s7  }
0x10: {  	[smem:$0x3FB6] =	sst s8  }
0x11: {  	[smem:$0x3FB7] =	sst s9;
	s0 =	simm.s32 @!p0 $0x0  }
0x12: {  	s1 =	sld [smem:$0x3F9D];
	s0 =	simm.s32 @p0 $0x1  }
0x13: {  	[smem:$0x3FB8] =	sst s0;
	s0 =	simm.s32 @!p1 $0x0  }
0x14: {  	s2 =	sld [smem:$0x3F9C];
	s0 =	simm.s32 @p1 $0x1  }
0x15: {  	[smem:$0x3FB9] =	sst s0;
	s0 =	simm.s32 @!p2 $0x0  }
0x16: {  	s3 =	sld [smem:$0x3FDB];
	s0 =	simm.s32 @p2 $0x1  }
0x17: {  	s4 =	simm.s32 $0x1BF5;
	[smem:$0x3FBB] =	sst s0  }
0x18: {  	s0 =	sld [smem:$0x3F9E];
	_ =	swait.ge [sflag:s4], $0x0  }
0x19: {  	s7 =	sld [smem:$0x3F9F]  }
0x1a: {  	s8 =	sadd.s32 $0xFFFFE003, lr  }
0x1b: {  	s9 =	sadd.s32 $0xFFFFFEF7, lr;
	s5 =	simm.s32 $0xFFFFFFFF;
	p2 =	slt.u32 s8, $0xFFFFF086  }
0x1c: {  	p1 =	slt.u32 s9, $0xF7A;
	s5 =	simm.s32 @!p2 $0x0  }
0x1d: {  	s5 =	simm.s32 @p1 $0x1;
	p0 =	seq.s32 s7, s2  }
0x1e: {  	s7 =	smul.u32 @!p0 $0xF7A, s2;
	p2 =	seq.s32 @!p0 s5, $0x0  }
0x1f: {  	s9 =	smul.u32 $0xF7A, s1;
	s8 =	simm.s32 @!p0 $0x1BF5;
	p2 =	por !p2, p0  }
0x20: {  	[sflag:s8] =	ssyncset.s32 @!p0 $0xFFFFF086;
	s6 =	sadd.s32 @!p0 s3, s7;
	s7 =	simm.s32 @!p0 $0x108  }
0x21: {  	s3 =	sadd.s32 s3, s9;
	s6 =	sadd.s32 @!p0 $0x88, s6;
	s7 =	simm.s32 @p2 $0x1082  }
0x22: {  	[simem:s7], [sflag:s8] =	dma.local @!p0 [hbm:s6], $0xF7A  }
0x23: {  	s9 =	sor.u32 $0xD0000000, s2;
	s6 =	simm.s32 $0x108;
	_ =	swait.ge @!p0 [sflag:s8], $0x0  }
0x24: {  	s3 =	sadd.s32 $0x88, s3;
	s6 =	simm.s32 @!p1 $0x1082;
	[sflag:s4] =	ssyncset.s32 $0xFFFFF086  }
0x25: {  	[simem:s6], [sflag:s4] =	dma.local [hbm:s3], $0xF7A  }
0x26: {  	[smem:$0x3F9F] =	sst s1;
	(tag) =	ssettag s2;
	_ =	strace s9  }
0x27: {  	s1 =	sld [smem:$0x3FAF]  }
0x28: {  	s2 =	sld [smem:$0x3FB0]  }
0x29: {  	s4 =	sld [smem:$0x3FB2]  }
0x2a: {  	p0 =	seq.s32 s5, $0x0;
	s5 =	sld [smem:$0x3FB3]  }
0x2b: {  	s6 =	sld [smem:$0x3FB4]  }
0x2c: {  	s7 =	sld [smem:$0x3FB5]  }
0x2d: {  	s3 =	simm.s32 $0x108;
	s8 =	sld [smem:$0x3FB6]  }
0x2e: {  	s3 =	simm.s32 @!p0 $0x1082;
	s9 =	sld [smem:$0x3FB7]  }
0x2f: {  	lr =	sadd.s32 s0, s3;
	s0 =	sld [smem:$0x3FAE]  }
0x30: {  	s3 =	sld [smem:$0x3FB1]  }
0x31: {  	[smem:$0x3FBA] =	sst s10  }
0x32: {  	s10 =	sld [smem:$0x3FB8];
	_ =	sdelay $0x3  }
0x33: {  	p0 =	seq.s32 s10, $0x1;
	s10 =	sld [smem:$0x3FBA];
	_ =	sdelay $0x3  }
0x34: {  	[smem:$0x3FBA] =	sst s10  }
0x35: {  	s10 =	sld [smem:$0x3FB9];
	_ =	sdelay $0x3  }
0x36: {  	p1 =	seq.s32 s10, $0x1;
	s10 =	sld [smem:$0x3FBA];
	_ =	sdelay $0x3  }
0x37: {  	[smem:$0x3FBA] =	sst s10  }
0x38: {  	s10 =	sld [smem:$0x3FBB]  }
0x39: {  	_ = 	snop;
	(pc) =	sbr.ind lr, $3  }
0x3a: {  	_ = 	snop  }
0x3b: {  	_ = 	snop  }
0x3c: {  	p2 =	seq.s32 s10, $0x1;
	s10 =	sld [smem:$0x3FBA]  }
0x3d: {  	_ =	shalt  }
0x3e: {  	_ =	shalt  }
0x3f: {  	_ =	shalt  }
0x40: {  	_ =	shalt  }
0x41: {  	_ =	shalt  }
0x42: {  	_ =	shalt  }
0x43: {  	_ =	shalt  }
0x44: {  	_ =	shalt  }
0x45: {  	_ =	shalt  }
0x46: {  	_ =	shalt  }
0x47: {  	_ =	shalt  }
0x48: {  	_ =	shalt  }
0x49: {  	_ =	shalt  }
0x4a: {  	_ =	shalt  }
0x4b: {  	_ =	shalt  }
0x4c: {  	_ =	shalt  }
0x4d: {  	_ =	shalt  }
0x4e: {  	_ =	shalt  }
0x4f: {  	_ =	shalt  }
0x50: {  	_ =	shalt  }
0x51: {  	_ =	shalt  }
0x52: {  	_ =	shalt  }
0x53: {  	_ =	shalt  }
0x54: {  	_ =	shalt  }
0x55: {  	_ =	shalt  }
0x56: {  	_ =	shalt  }
0x57: {  	_ =	shalt  }
0x58: {  	_ =	shalt  }
0x59: {  	_ =	shalt  }
0x5a: {  	_ =	shalt  }
0x5b: {  	_ =	shalt  }
0x5c: {  	_ =	shalt  }
0x5d: {  	_ =	shalt  }
0x5e: {  	_ =	shalt  }
0x5f: {  	_ =	shalt  }
0x60: {  	_ =	shalt  }
0x61: {  	_ =	shalt  }
0x62: {  	_ =	shalt  }
0x63: {  	_ =	shalt  }
0x64: {  	_ =	shalt  }
0x65: {  	_ =	shalt  }
0x66: {  	_ =	shalt  }
0x67: {  	_ =	shalt  }
0x68: {  	_ =	shalt  }
0x69: {  	_ =	shalt  }
0x6a: {  	_ =	shalt  }
0x6b: {  	_ =	shalt  }
0x6c: {  	_ =	shalt  }
0x6d: {  	_ =	shalt  }
0x6e: {  	_ =	shalt  }
0x6f: {  	_ =	shalt  }
0x70: {  	_ =	shalt  }
0x71: {  	_ =	shalt  }
0x72: {  	_ =	shalt  }
0x73: {  	_ =	shalt  }
0x74: {  	_ =	shalt  }
0x75: {  	_ =	shalt  }
0x76: {  	_ =	shalt  }
0x77: {  	_ =	shalt  }
0x78: {  	_ =	shalt  }
0x79: {  	_ =	shalt  }
0x7a: {  	_ =	shalt  }
0x7b: {  	_ =	shalt  }
0x7c: {  	_ =	shalt  }
0x7d: {  	_ =	shalt  }
0x7e: {  	_ =	shalt  }
0x7f: {  	_ =	shalt  }
0x80: {  	_ =	shalt  }
0x81: {  	_ =	shalt  }
0x82: {  	_ =	shalt  }
0x83: {  	_ =	shalt  }
0x84: {  	_ =	shalt  }
0x85: {  	_ =	shalt  }
0x86: {  	_ =	shalt  }
0x87: {  	_ =	shalt  }
.Lfunc_end0:
.L_simem_size_0:
called_computation_lowered:
.L_overlay_start_0:
0x88: {  	s2 =	sld [smem:$0x3FD9]  }
0x89: {  	s3 =	sld [smem:$0x3FFE];
	_ =	sdelay $0x1  }
0x8a: {  	s1 =	srdreg.scid  }
0x8b: {  	s0 =	sand.u32 $0x1, s1  }
0x8c: {  	s17 =	sshll.u32 s0, $0xA;
	s2 =	sadd.s32 s3, s2  }
0x8d: {  	s2 =	sadd.s32 s2, s17  }
0x8e: {  	[smem:$0x3FC6] =	sst s2  }
0x8f: {  	_ = 	snop  }
0x90: {  	s2 =	sld [smem:$0x3FC9]  }
0x91: {  	s18 =	sld [smem:$0x3FC8];
	(tm) =	ssettm $0x1  }
0x92: {  	s4 =	sld [smem:$0x3FFB];
	_ =	sdelay $0x3  }
0x93: {  	_ =	strace s4  }
0x94: {  	s4 =	sld [smem:$0x3FFC];
	_ =	sdelay $0x3  }
0x95: {  	_ =	strace s4  }
0x96: {  	s4 =	sld [smem:$0x3FFD];
	_ =	sdelay $0x3  }
0x97: {  	_ =	strace s4  }
0x98: {  	_ =	strace $0x8FFFFFFF  }
0x99: {  	s19 =	sld [smem:$0x3FDB];
	_ =	sdelay $0x1  }
0x9a: {  	s5 =	simm.s32 $_scs_section_size  }
0x9b: {  	s6 =	simm.s32 $_size__tile_overlayer_lowered;
	s7 =	simm.s32 $_tile_overlayer_lowered  }
0x9c: {  	s22 =	simm.s32 $0x1BFF;
	s21 =	sshll.u32 s7, $0x1;
	s4 =	sadd.s32 s5, s19  }
0x9d: {  	s8 =	simm.s32 $0x0;
	s20 =	sshll.u32 s6, $0x1;
	s6 =	sadd.s32 s21, s4  }
0x9e: {  	[timem:s8], [sflag:s22] =	dma.local [hbm:s6], s20  }
0x9f: {  	_ =	swait.ge [sflag:s22], s20  }
0xa0: {  	s5 =	ssub.s32 $0x0, s20;
	[sflag:s22] =	ssyncset.done $0x0  }
0xa1: {  	[sflag:s22] =	ssyncadd.s32 s5;
	_ =	sdelay $0x1  }
0xa2: {  	s23 =	simm.s32 $0x1B8B  }
0xa3: {  	_ =	swait.ge [sflag:s23], $0x1  }
0xa4: {  	[sflag:s23] =	ssyncset.done $0x0  }
0xa5: {  	s25 =	simm.s32 $0x1B8E;
	s24 =	sld [smem:$0x3FFE];
	[sflag:s23] =	ssyncadd.s32 $0xFFFFFFFF  }
0xa6: {  	s26 =	simm.s32 $execute0_lowered;
	[smem:$0x3FD2] =	sst s25  }
0xa7: {  	s6 =	sshll.u32 s26, $0x1;
	_ =	strace $0x80000046;
	[dreg:$0x1] =	wrdreg $0xFFFFFFFF  }
0xa8: {  	s28 =	simm.s32 $_size_execute0_lowered;
	s4 =	sadd.s32 s4, s6;
	[dreg:$0x0] =	wrdreg $0x0  }
0xa9: {  	s6 =	sshll.u32 s28, $0x1;
	[dreg:$0x2] =	wrdreg s4  }
0xaa: {  	[dreg:$0x3] =	wrdreg s6  }
0xab: {  	[dreg:$0x4] =	wrdreg $0xC0  }
0xac: {  	_ =	task [dreg:s8], $0x5FFFF  }
0xad: {  	[dreg:$0x1] =	wrdreg $0xFFFFFFFF  }
0xae: {  	[dreg:$0x0] =	wrdreg $0x60  }
0xaf: {  	[dreg:$0x2] =	wrdreg s2  }
0xb0: {  	[dreg:$0x3] =	wrdreg s18  }
0xb1: {  	[dreg:$0x4] =	wrdreg s24  }
0xb2: {  	[dreg:$0x5] =	wrdreg $0x120800  }
0xb3: {  	[dreg:$0x6] =	wrdreg $0x122A80  }
0xb4: {  	[dreg:$0x7] =	wrdreg $0x9  }
0xb5: {  	_ =	task.clear_ibuf [dreg:s8], $0x8FFFF;
	_ =	strace $0x90000046  }
0xb6: {  	s29 =	simm.s32 $0x9;
	_ =	strace $0x80000048  }
0xb7: {  	_ =	swait.ge [sflag:s29], $0x1  }
0xb8: {  	[sflag:s29] =	ssyncadd.s32 $0xFFFFFFFF  }
0xb9: {  	_ =	strace $0x90000048  }
0xba: {  	_ =	sfence  }
0xbb: {  	s30 =	sld [smem:$0x0];
	_ =	sdelay $0x2  }
0xbc: {  	s31 =	sshll.u32 s1, $0xD;
	s1 =	sshrl.u32 s1, $0x2  }
0xbd: {  	s3 =	sand.u32 $0x4000, s31;
	s1 =	sadd.s32 s1, s30  }
0xbe: {  	s0 =	sor.u32 s3, s0;
	s1 =	sshll.u32 s1, $0x11  }
0xbf: {  	s0 =	sor.u32 s1, s0  }
0xc0: {  	s0 =	sadd.s32 $0x8F2B, s0  }
0xc1: {  	[sflag:s0] =	ssyncadd.remote.s32 $0x1  }
0xc2: {  	_ =	sfence.sel $0xFFFF  }
0xc3: {  	[dreg:$0x0] =	wrdreg $0xFFFFFFFF;
	(pc) =	sbr.abs _section_cstart, $3  }
0xc4: {  	[dreg:$0x1] =	wrdreg $0xFFFFFFFF  }
0xc5: {  	_ =	task.clear_ibuf [dreg:s8], $0x2FFFF;
	_ =	strace $0x9FFFFFFF  }
0xc6: {  	(tm) =	ssettm $0x7FFFFFFF  }
0xc7: {  	_ =	shalt  }
tec
execute0_lowered:
.L_overlay_start_1:
0x0: {  	(tag) =	ssettag $0x1  }
0x1: {  	v0 =	vlaneseq.u32  }
0x2: {  	v18 =	vmul.u32 $0x13, v0;
	v21 =	vmul.u32 $0x14, v0;
	_ =	sdelay $0x1  }
0x3: {  	[tilespmem:$0x1FCB0] =	vst v21;
	v21 =	vadd.s32 $0x1, v18  }
0x4: {  	[tilespmem:$0x1FCC0] =	vst v21;
	v21 =	vadd.s32 $0x13, v0  }
0x5: {  	[tilespmem:$0x1FCD0] =	vst v21;
	v21 =	vadd.s32 $0x2, v18  }
0x6: {  	[tilespmem:$0x1FCE0] =	vst v21;
	v21 =	vadd.s32 $0x26, v0  }
0x7: {  	vm0 =	vcmask $0x300;
	[tilespmem:$0x1FCF0] =	vst v21;
	v21 =	vimm.s32 $0x168  }
0x8: {  	vm1 =	vcmask $0x704;
	v21 =	vsel vm0, $0x140, v21  }
0x9: {  	v22 =	vimm.s32 $0x156;
	v21 =	vsel vm1, $0x154, v21  }
0xa: {  	[tilespmem:$0x1FD00] =	vst v21;
	v21 =	vsel vm0, $0x130, v22;
	v22 =	vimm.s32 $0x12121110  }
0xb: {  	v23 =	vimm.s32 $0x157;
	v22 =	vunpack.c.0.s8.s32 v22  }
0xc: {  	v24 =	vimm.s32 $0x25252423;
	vm2 =	vcmask $0xF00;
	v21 =	vsel vm1, $0x143, v21  }
0xd: {  	v23 =	vsel vm0, $0x131, v23;
	v24 =	vunpack.c.0.s8.s32 v24;
	[tilespmem:$0x1FD10] =	vst v21;
	v21 =	vnsel vm2, $0x12, v22  }
0xe: {  	[tilespmem:$0x1FD20] =	vst v21;
	v21 =	vsel vm1, $0x144, v23  }
0xf: {  	[tilespmem:$0x1FD30] =	vst v21;
	v21 =	vnsel vm2, $0x25, v24  }
0x10: {  	v22 =	vimm.s32 $0x38383736;
	[tilespmem:$0x1FD40] =	vst v21;
	v21 =	vimm.s32 $0x158  }
0x11: {  	v22 =	vunpack.c.0.s8.s32 v22;
	v21 =	vsel vm0, $0x132, v21  }
0x12: {  	v62 =	vimm.s32 $0x4B4B4A49;
	v23 =	vimm.s32 $0x159;
	v21 =	vsel vm1, $0x145, v21  }
0x13: {  	v23 =	vsel vm0, $0x133, v23;
	v24 =	vunpack.c.0.s8.s32 v62;
	[tilespmem:$0x1FD50] =	vst v21;
	v21 =	vnsel vm2, $0x38, v22  }
0x14: {  	[tilespmem:$0x1FD60] =	vst v21;
	v21 =	vsel vm1, $0x146, v23  }
0x15: {  	[tilespmem:$0x1FD70] =	vst v21;
	v21 =	vnsel vm2, $0x4B, v24  }
0x16: {  	v22 =	vimm.s32 $0x5E5E5D5C;
	[tilespmem:$0x1FD80] =	vst v21;
	v21 =	vimm.s32 $0x15A  }
0x17: {  	v22 =	vunpack.c.0.s8.s32 v22;
	v21 =	vsel vm0, $0x134, v21  }
0x18: {  	v63 =	vimm.s32 $0x7171706F;
	v23 =	vimm.s32 $0x15B;
	v21 =	vsel vm1, $0x147, v21  }
0x19: {  	v23 =	vsel vm0, $0x135, v23;
	v24 =	vunpack.c.0.s8.s32 v63;
	[tilespmem:$0x1FD90] =	vst v21;
	v21 =	vnsel vm2, $0x5E, v22  }
0x1a: {  	[tilespmem:$0x1FDA0] =	vst v21;
	v21 =	vsel vm1, $0x148, v23  }
0x1b: {  	[tilespmem:$0x1FDB0] =	vst v21;
	v21 =	vnsel vm2, $0x71, v24  }
0x1c: {  	[tilespmem:$0x1FDC0] =	vst v21;
	v21 =	vimm.s32 $0x15C  }
0x1d: {  	v22 =	vimm.s32 $0x84;
	v21 =	vsel vm0, $0x136, v21  }
0x1e: {  	v22 =	vsel vm0, $0x82, v22;
	v21 =	vsel vm1, $0x149, v21  }
0x1f: {  	v23 =	vimm.s32 $0x15D;
	[tilespmem:$0x1FDD0] =	vst v21;
	v21 =	vsel vm1, $0x83, v22  }
0x20: {  	[tilespmem:$0x1FDE0] =	vst v21;
	v21 =	vsel vm0, $0x137, v23  }
0x21: {  	v21 =	vsel vm1, $0x14A, v21  }
0x22: {  	[tilespmem:$0x1FDF0] =	vst v21;
	v21 =	vimm.s32 $0x97  }
0x23: {  	v22 =	vimm.s32 $0x15E;
	v21 =	vsel vm0, $0x95, v21  }
0x24: {  	v22 =	vsel vm0, $0x138, v22;
	v21 =	vsel vm1, $0x96, v21  }
0x25: {  	v23 =	vimm.s32 $0xAA;
	[tilespmem:$0x1FE00] =	vst v21;
	v21 =	vsel vm1, $0x14B, v22  }
0x26: {  	[tilespmem:$0x1FE10] =	vst v21;
	v21 =	vsel vm0, $0xA8, v23  }
0x27: {  	v21 =	vsel vm1, $0xA9, v21  }
0x28: {  	[tilespmem:$0x1FE20] =	vst v21;
	v21 =	vimm.s32 $0x15F  }
0x29: {  	v22 =	vimm.s32 $0xBD;
	v21 =	vsel vm0, $0x139, v21  }
0x2a: {  	v22 =	vsel vm0, $0xBB, v22;
	v21 =	vsel vm1, $0x14C, v21  }
0x2b: {  	v23 =	vimm.s32 $0x160;
	[tilespmem:$0x1FE30] =	vst v21;
	v21 =	vsel vm1, $0xBC, v22  }
0x2c: {  	[tilespmem:$0x1FE40] =	vst v21;
	v21 =	vsel vm0, $0x13A, v23  }
0x2d: {  	v21 =	vsel vm1, $0x14D, v21  }
0x2e: {  	[tilespmem:$0x1FE50] =	vst v21;
	v21 =	vimm.s32 $0xD0  }
0x2f: {  	v22 =	vimm.s32 $0x161;
	v21 =	vsel vm0, $0xCE, v21  }
0x30: {  	v22 =	vsel vm0, $0x13B, v22;
	v21 =	vsel vm1, $0xCF, v21  }
0x31: {  	v23 =	vimm.s32 $0xE3;
	[tilespmem:$0x1FE60] =	vst v21;
	v21 =	vsel vm1, $0x14E, v22  }
0x32: {  	[tilespmem:$0x1FE70] =	vst v21;
	v21 =	vsel vm0, $0xE1, v23  }
0x33: {  	v21 =	vsel vm1, $0xE2, v21  }
0x34: {  	[tilespmem:$0x1FE80] =	vst v21;
	v21 =	vimm.s32 $0x162  }
0x35: {  	v22 =	vimm.s32 $0xF6;
	v21 =	vsel vm0, $0x13C, v21  }
0x36: {  	v22 =	vsel vm0, $0xF4, v22;
	v21 =	vsel vm1, $0x14F, v21  }
0x37: {  	v23 =	vimm.s32 $0x163;
	[tilespmem:$0x1FE90] =	vst v21;
	v21 =	vsel vm1, $0xF5, v22  }
0x38: {  	s9 =	rddreg [dreg:$0x0];
	[tilespmem:$0x1FEA0] =	vst v21;
	v21 =	vsel vm0, $0x13D, v23  }
0x39: {  	s10 =	rddreg [dreg:$0x1];
	v21 =	vsel vm1, $0x150, v21  }
0x3a: {  	s3 =	rddreg [dreg:$0x2];
	[tilespmem:$0x1FEB0] =	vst v21;
	v21 =	vimm.s32 $0x109  }
0x3b: {  	s1 =	rddreg [dreg:$0x3];
	s2 =	simm.s32 $0x0;
	v22 =	vimm.s32 $0x164;
	v21 =	vsel vm0, $0x107, v21  }
0x3c: {  	[smem:$0x7FF] =	sst s2;
	v22 =	vsel vm0, $0x13E, v22;
	v21 =	vsel vm1, $0x108, v21  }
0x3d: {  	s17 =	rddreg [dreg:$0x4];
	v23 =	vimm.s32 $0x11C;
	_ =	strace $0x80000047;
	[tilespmem:$0x1FEC0] =	vst v21;
	v21 =	vsel vm1, $0x151, v22  }
0x3e: {  	[tilespmem:$0x1FED0] =	vst v21;
	v21 =	vsel vm0, $0x11A, v23  }
0x3f: {  	v21 =	vsel vm1, $0x11B, v21  }
0x40: {  	v3 =	vimm.f32 $1.000000000e+00;
	[tilespmem:$0x1FEE0] =	vst v21;
	v21 =	vimm.s32 $0x165  }
0x41: {  	v2 =	vand.u32 $0x7, v0;
	v22 =	vimm.s32 $0x12F;
	v21 =	vsel vm0, $0x13F, v21  }
0x42: {  	v1 =	vmul.u32 $0x10, v0;
	v22 =	vsel vm0, $0x12D, v22;
	v21 =	vsel vm1, $0x152, v21  }
0x43: {  	v32 =	vadd.s32 $0x98, v0;
	v23 =	vimm.s32 $0x166;
	[tilespmem:$0x1FEF0] =	vst v21;
	v21 =	vsel vm1, $0x12E, v22  }
0x44: {  	v34 =	vadd.s32 $0xAB, v0;
	v36 =	vadd.s32 $0xBE, v0;
	[tilespmem:$0x1FF00] =	vst v21;
	v21 =	vsel vm0, $0x140, v23  }
0x45: {  	s0 =	srdreg.scid;
	s18 =	simm.s32 $0xC000;
	v38 =	vadd.s32 $0xD1, v0;
	v40 =	vadd.s32 $0xE4, v0;
	v21 =	vsel vm1, $0x153, v21  }
0x46: {  	s19 =	simm.s32 $0x1;
	s20 =	simm.s32 $0x3;
	s21 =	simm.s32 $0x10000;
	v42 =	vadd.s32 $0xF7, v0;
	v44 =	vadd.s32 $0x10A, v0;
	[tilespmem:$0x1FF10] =	vst v21;
	v21 =	vimm.s32 $0x142  }
0x47: {  	s22 =	simm.s32 $0x2;
	s23 =	simm.s32 $0x4;
	s28 =	simm.s32 $0x5;
	v46 =	vadd.s32 $0x11D, v0;
	v22 =	vimm.s32 $0x167;
	v21 =	vsel vm0, $0x140, v21  }
0x48: {  	s31 =	simm.s32 $0x11E80;
	s4 =	sand.u32 $0x1, s0;
	s0 =	stileid.u32;
	v48 =	vor.u32 $0x130, v0;
	v22 =	vsel vm0, $0x141, v22;
	v21 =	vsel vm1, $0x141, v21  }
0x49: {  	v50 =	vadd.s32 $0x143, v0;
	s5 =	sshll.u32 s4, $0x4;
	s6 =	ssub.s32 $0x2, s4;
	s7 =	sshll.u32 s0, $0xD;
	v23 =	vimm.s32 $0x155;
	[tilespmem:$0x1FF20] =	vst v21;
	v21 =	vsel vm1, $0x154, v22  }
0x4a: {  	v52 =	vadd.s32 $0x156, v0;
	v4 =	vmul.u32 $0x10, v2;
	s4 =	sshll.u32 s4, $0x11;
	s13 =	sshrl.u32 s0, $0x3;
	s14 =	sshrl.u32 s0, $0x1;
	[tilespmem:$0x1FF30] =	vst v21;
	v21 =	vsel vm0, $0x153, v23  }
0x4b: {  	v2 =	vimm.f32 $0.0e+00;
	s16 =	sshll.u32 s0, $0x7;
	s30 =	sshll.u32 s0, $0x9;
	p1 =	sgt.u32 s0, $0x3;
	v5 =	vor.u32 $0x1, v1;
	v21 =	vsel vm1, $0x154, v21  }
0x4c: {  	p0 =	sne.s32 s0, $0x0;
	v6 =	vor.u32 $0x2, v1;
	v7 =	vor.u32 $0x3, v1;
	s12 =	sadd.s32 s5, s3;
	s13 =	smul.u32 $0xC00, s13;
	[tilespmem:$0x1FF40] =	vst v21;
	v21 =	vadd.s32 $0x3, v18  }
0x4d: {  	v8 =	vor.u32 $0x4, v1;
	v9 =	vor.u32 $0x5, v1;
	s24 =	sshrl.u32 s6, $0x1;
	s11 =	sor.u32 s4, s7;
	s14 =	smul.u32 $0x3000, s14;
	[tilespmem:$0x1FF50] =	vst v21;
	v21 =	vadd.s32 $0x39, v0  }
0x4e: {  	v10 =	vor.u32 $0x6, v1;
	v11 =	vor.u32 $0x7, v1;
	s29 =	sand.u32 $0x380, s16;
	s16 =	sand.u32 $0x200, s30;
	s15 =	ssub.s32 s6, s24;
	[tilespmem:$0x1FF60] =	vst v21;
	v21 =	vadd.s32 $0x4, v18  }
0x4f: {  	v12 =	vor.u32 $0x8, v1;
	v13 =	vor.u32 $0x9, v1;
	s25 =	sadd.s32 s9, s11;
	s26 =	sor.u32 $0x800, s11;
	s4 =	sadd.s32 s10, s11;
	[tilespmem:$0x1FF70] =	vst v21;
	v21 =	vadd.s32 $0x4C, v0  }
0x50: {  	v14 =	vor.u32 $0xA, v1;
	v15 =	vor.u32 $0xB, v1;
	s8 =	sor.u32 $0x1000, s11;
	s11 =	sor.u32 $0x1800, s11;
	s24 =	simm.s32 $0x80;
	[tilespmem:$0x1FF80] =	vst v21;
	v21 =	vadd.s32 $0x5, v18  }
0x51: {  	v16 =	vor.u32 $0xC, v1;
	v17 =	vor.u32 $0xD, v1;
	s5 =	sadd.s32 s9, s26;
	s6 =	sadd.s32 s10, s26;
	s7 =	sadd.s32 s9, s8;
	[tilespmem:$0x1FF90] =	vst v21;
	v21 =	vadd.s32 $0x5F, v0  }
0x52: {  	v19 =	vor.u32 $0xE, v1;
	v20 =	vor.u32 $0xF, v1;
	s8 =	sadd.s32 s10, s8;
	s9 =	sadd.s32 s9, s11;
	s10 =	sadd.s32 s10, s11;
	[tilespmem:$0x1FFA0] =	vst v21;
	v21 =	vadd.s32 $0x6, v18  }
.Ltmp0:
0x53: {  	v33 =	vadd.s32 $0x9, v18;
	v35 =	vadd.s32 $0xA, v18;
	s13 =	sor.u32 s29, s13;
	s14 =	sshrl.u32 s14, $0x2;
	[tilespmem:$0x1FFB0] =	vst v21;
	v21 =	vadd.s32 $0x72, v0;
	(pc) =	sbr.rel .LBB2_1-.Ltmp0, $4  }
0x54: {  	v37 =	vadd.s32 $0xB, v18;
	v39 =	vadd.s32 $0xC, v18;
	s15 =	smax.u32 s15, $0x1;
	s26 =	simm.s32 $0x11700;
	s11 =	sadd.s32 s13, s1;
	[tilespmem:$0x1FFC0] =	vst v21;
	v21 =	vadd.s32 $0x7, v18  }
0x55: {  	v41 =	vadd.s32 $0xD, v18;
	v43 =	vadd.s32 $0xE, v18;
	s1 =	sadd.s32 s14, s1;
	s13 =	sadd.s32 s13, s17;
	s14 =	sadd.s32 $0x400, s12;
	[tilespmem:$0x1FFD0] =	vst v21;
	v21 =	vadd.s32 $0x85, v0  }
0x56: {  	v45 =	vadd.s32 $0xF, v18;
	v47 =	vadd.s32 $0x10, v18;
	s17 =	simm.s32 $0x4000;
	s1 =	sadd.s32 s16, s1;
	[dreg:$0x6] =	wrdreg s25;
	[tilespmem:$0x1FFE0] =	vst v21;
	v21 =	vadd.s32 $0x8, v18  }
0x57: {  	v49 =	vadd.s32 $0x11, v18;
	v51 =	vadd.s32 $0x12, v18;
	v4 =	vor.u32 $0xFFFFFF80, v4;
	s16 =	simm.s32 $0x8000;
	[dreg:$0x7] =	wrdreg s1;
	s25 =	simm.s32 $0x400;
	[tilespmem:$0x1FFF0] =	vst v21  }
.LBB2_16:
0x58: {  	v23 =	vld [tilespmem:s29+$0x11980]  }
0x59: {  	v24 =	vld [tilespmem:s29+$0x11A00];
	_ =	sdelay $0x4  }
0x5a: {  	v21 =	vadd.f32 v21, v22;
	v22 =	vadd.f32 v24, v23;
	v23 =	vld [tilespmem:$0x1FCC0];
	_ =	sdelay $0x2  }
0x5b: {  	v21 =	vadd.f32 v22, v21  }
0x5c: {  	s0 =	sshra.s32 s1, $0x2  }
0x5d: {  	v55 =	vld [tilespmem:$0x1FCD0];
	[tilespmem:s0+$0x11E80] =	vst v21  }
0x5e: {  	v21 =	vld.idx.msk [tilespmem:v18+s31+$0x0], $0xffff  }
0x5f: {  	v25 =	vld [tilespmem:$0x1FCE0]  }
0x60: {  	v23 =	vld.idx.msk [tilespmem:v23+s31+$0x0], $0xffff  }
0x61: {  	v26 =	vld [tilespmem:$0x1FCF0]  }
0x62: {  	v27 =	vld [tilespmem:$0x1FF50]  }
0x63: {  	v28 =	vld [tilespmem:$0x1FF60];
	v21 =	vadd.f32 $0.0e+00, v21  }
0x64: {  	v56 =	vld [tilespmem:$0x1FF80]  }
0x65: {  	v21 =	vadd.f32 v23, v21;
	v23 =	vld [tilespmem:$0x1FF70]  }
0x66: {  	v57 =	vld [tilespmem:$0x1FF90]  }
0x67: {  	v58 =	vld [tilespmem:$0x1FFA0]  }
0x68: {  	v59 =	vld [tilespmem:$0x1FFB0]  }
0x69: {  	v25 =	vld.idx.msk [tilespmem:v25+s31+$0x0], $0xffff  }
0x6a: {  	v60 =	vld [tilespmem:$0x1FFC0]  }
0x6b: {  	v27 =	vld.idx.msk [tilespmem:v27+s31+$0x0], $0xffff  }
0x6c: {  	v22 =	vld.idx.msk [tilespmem:v0+s31+$0x0], $0xffff  }
0x6d: {  	v23 =	vld.idx.msk [tilespmem:v23+s31+$0x0], $0xffff  }
0x6e: {  	v24 =	vld.idx.msk [tilespmem:v55+s31+$0x0], $0xffff;
	v21 =	vadd.f32 v25, v21  }
0x6f: {  	v61 =	vld [tilespmem:$0x1FFE0]  }
0x70: {  	v26 =	vld.idx.msk [tilespmem:v26+s31+$0x0], $0xffff;
	v21 =	vadd.f32 v27, v21  }
0x71: {  	v28 =	vld.idx.msk [tilespmem:v28+s31+$0x0], $0xffff;
	v22 =	vadd.f32 $0.0e+00, v22  }
0x72: {  	v21 =	vadd.f32 v23, v21;
	v23 =	vld [tilespmem:$0x1FFD0]  }
0x73: {  	v62 =	vld [tilespmem:$0x1FFF0];
	v22 =	vadd.f32 v24, v22  }
0x74: {  	v24 =	vld.idx.msk [tilespmem:v56+s31+$0x0], $0xffff  }
0x75: {  	v22 =	vadd.f32 v26, v22;
	v26 =	vld.idx.msk [tilespmem:v58+s31+$0x0], $0xffff  }
0x76: {  	v25 =	vld.idx.msk [tilespmem:v57+s31+$0x0], $0xffff  }
0x77: {  	v22 =	vadd.f32 v28, v22;
	v28 =	vld.idx.msk [tilespmem:v60+s31+$0x0], $0xffff  }
0x78: {  	v27 =	vld.idx.msk [tilespmem:v59+s31+$0x0], $0xffff  }
0x79: {  	v22 =	vadd.f32 v24, v22;
	v24 =	vld.idx.msk [tilespmem:v61+s31+$0x0], $0xffff  }
0x7a: {  	v23 =	vld.idx.msk [tilespmem:v23+s31+$0x0], $0xffff  }
0x7b: {  	v63 =	vld.idx.msk [tilespmem:v32+s31+$0x0], $0xffff;
	v22 =	vadd.f32 v26, v22;
	v21 =	vadd.f32 v25, v21  }
0x7c: {  	v25 =	vld.idx.msk [tilespmem:v62+s31+$0x0], $0xffff  }
0x7d: {  	v53 =	vld.idx.msk [tilespmem:v33+s31+$0x0], $0xffff;
	v22 =	vadd.f32 v28, v22;
	v21 =	vadd.f32 v27, v21  }
0x7e: {  	v54 =	vld.idx.msk [tilespmem:v34+s31+$0x0], $0xffff  }
0x7f: {  	v55 =	vld.idx.msk [tilespmem:v36+s31+$0x0], $0xffff;
	v22 =	vadd.f32 v24, v22;
	v21 =	vadd.f32 v23, v21  }
0x80: {  	v23 =	vld.idx.msk [tilespmem:v35+s31+$0x0], $0xffff  }
0x81: {  	v56 =	vld.idx.msk [tilespmem:v37+s31+$0x0], $0xffff;
	v22 =	vadd.f32 v63, v22;
	v21 =	vadd.f32 v25, v21  }
0x82: {  	v57 =	vld.idx.msk [tilespmem:v38+s31+$0x0], $0xffff  }
0x83: {  	v58 =	vld.idx.msk [tilespmem:v39+s31+$0x0], $0xffff;
	v22 =	vadd.f32 v54, v22;
	v21 =	vadd.f32 v53, v21  }
0x84: {  	v59 =	vld.idx.msk [tilespmem:v40+s31+$0x0], $0xffff  }
0x85: {  	v60 =	vld.idx.msk [tilespmem:v42+s31+$0x0], $0xffff;
	v22 =	vadd.f32 v55, v22;
	v21 =	vadd.f32 v23, v21  }
0x86: {  	v23 =	vld.idx.msk [tilespmem:v41+s31+$0x0], $0xffff  }
0x87: {  	v61 =	vld.idx.msk [tilespmem:v43+s31+$0x0], $0xffff;
	v22 =	vadd.f32 v57, v22;
	v21 =	vadd.f32 v56, v21  }
0x88: {  	v62 =	vld.idx.msk [tilespmem:v44+s31+$0x0], $0xffff  }
0x89: {  	v63 =	vld.idx.msk [tilespmem:v45+s31+$0x0], $0xffff;
	v22 =	vadd.f32 v59, v22;
	v21 =	vadd.f32 v58, v21  }
0x8a: {  	v53 =	vld.idx.msk [tilespmem:v46+s31+$0x0], $0xffff  }
0x8b: {  	v54 =	vld.idx.msk [tilespmem:v48+s31+$0x0], $0xffff;
	v22 =	vadd.f32 v60, v22;
	v21 =	vadd.f32 v23, v21  }
0x8c: {  	v23 =	vld.idx.msk [tilespmem:v47+s31+$0x0], $0xffff  }
0x8d: {  	v55 =	vld.idx.msk [tilespmem:v49+s31+$0x0], $0xffff;
	v22 =	vadd.f32 v62, v22;
	v21 =	vadd.f32 v61, v21  }
0x8e: {  	v56 =	vld.idx.msk [tilespmem:v50+s31+$0x0], $0xffff  }
0x8f: {  	v57 =	vld.idx.msk [tilespmem:v51+s31+$0x0], $0xffff;
	v22 =	vadd.f32 v53, v22;
	v21 =	vadd.f32 v63, v21  }
0x90: {  	v58 =	vld.idx.msk [tilespmem:v52+s31+$0x0], $0xffff  }
0x91: {  	v22 =	vadd.f32 v54, v22;
	v21 =	vadd.f32 v23, v21;
	_ =	sdelay $0x1  }
0x92: {  	v22 =	vadd.f32 v56, v22;
	v21 =	vadd.f32 v55, v21;
	_ =	sdelay $0x1  }
0x93: {  	v22 =	vadd.f32 v58, v22;
	v21 =	vadd.f32 v57, v21;
	_ =	sdelay $0x1  }
0x94: {  	v21 =	vadd.f32 v22, v21;
	_ =	sdelay $0x1  }
0x95: {  	v21 =	vadd.f32 $1.000000010e-10, v21;
	_ =	sdelay $0x1  }
0x96: {  	(erf) = vrcp.f32 v21;
	v21 =	vld [tilespmem:$0x1FCB0];
	_ =	sdelay $0x7  }
0x97: {  	v21 =	vld.idx.msk [tilespmem:v21+s31+$0x0], $0xffff;
	_ =	sdelay $0x4  }
0x98: {  	v21 =	vadd.f32 v21, v21  }
0x99: {  	v22 =	vpop (erf)  }
0x9a: {  	v21 =	vmul.f32 v22, v21;
	_ =	sdelay $0x1  }
0x9b: {  	[tilespmem:$0x11700] =	vst v21;
	v21 =	vld [tilespmem:$0x1FD10];
	_ =	sdelay $0x1  }
0x9c: {  	v23 =	vld [tilespmem:$0x1FD30];
	_ =	sdelay $0x5  }
0x9d: {  	v21 =	vld.idx.msk [tilespmem:v21+s31+$0x0], $0xffff  }
0x9e: {  	v29 =	vld [tilespmem:$0x1FE70]  }
0x9f: {  	v23 =	vld.idx.msk [tilespmem:v23+s31+$0x0], $0xffff  }
0xa0: {  	v60 =	vld [tilespmem:$0x1FD50]  }
0xa1: {  	v30 =	vld [tilespmem:$0x1FE80]  }
0xa2: {  	v62 =	vld [tilespmem:$0x1FD70];
	v21 =	vadd.f32 $0.0e+00, v21  }
0xa3: {  	v31 =	vld [tilespmem:$0x1FE90]  }
0xa4: {  	v21 =	vadd.f32 v23, v21;
	v23 =	vld [tilespmem:$0x1FD90]  }
0xa5: {  	v59 =	vld [tilespmem:$0x1FD40]  }
0xa6: {  	v53 =	vld [tilespmem:$0x1FDA0]  }
0xa7: {  	v54 =	vld [tilespmem:$0x1FDB0]  }
0xa8: {  	v25 =	vld.idx.msk [tilespmem:v60+s31+$0x0], $0xffff  }
0xa9: {  	v56 =	vld [tilespmem:$0x1FDD0]  }
0xaa: {  	v27 =	vld.idx.msk [tilespmem:v62+s31+$0x0], $0xffff  }
0xab: {  	v61 =	vld [tilespmem:$0x1FD60]  }
0xac: {  	v23 =	vld.idx.msk [tilespmem:v23+s31+$0x0], $0xffff  }
0xad: {  	v58 =	vld [tilespmem:$0x1FE00];
	v21 =	vadd.f32 v25, v21  }
0xae: {  	v63 =	vld [tilespmem:$0x1FD80]  }
0xaf: {  	v55 =	vld [tilespmem:$0x1FDC0];
	v21 =	vadd.f32 v27, v21  }
0xb0: {  	v22 =	vld [tilespmem:$0x1FD20]  }
0xb1: {  	v21 =	vadd.f32 v23, v21;
	v23 =	vld [tilespmem:$0x1FDF0]  }
0xb2: {  	v57 =	vld [tilespmem:$0x1FDE0]  }
0xb3: {  	v24 =	vld.idx.msk [tilespmem:v59+s31+$0x0], $0xffff  }
0xb4: {  	v26 =	vld.idx.msk [tilespmem:v61+s31+$0x0], $0xffff  }
0xb5: {  	v25 =	vld.idx.msk [tilespmem:v54+s31+$0x0], $0xffff  }
0xb6: {  	v28 =	vld.idx.msk [tilespmem:v63+s31+$0x0], $0xffff  }
0xb7: {  	v27 =	vld.idx.msk [tilespmem:v56+s31+$0x0], $0xffff  }
0xb8: {  	v22 =	vld.idx.msk [tilespmem:v22+s31+$0x0], $0xffff  }
0xb9: {  	v23 =	vld.idx.msk [tilespmem:v23+s31+$0x0], $0xffff  }
0xba: {  	v59 =	vld [tilespmem:$0x1FE10];
	v21 =	vadd.f32 v25, v21  }
0xbb: {  	v60 =	vld [tilespmem:$0x1FE20]  }
0xbc: {  	v61 =	vld [tilespmem:$0x1FE30];
	v21 =	vadd.f32 v27, v21  }
0xbd: {  	v62 =	vld [tilespmem:$0x1FE40]  }
0xbe: {  	v22 =	vadd.f32 $0.0e+00, v22;
	v21 =	vadd.f32 v23, v21;
	v23 =	vld [tilespmem:$0x1FE50]  }
0xbf: {  	v63 =	vld [tilespmem:$0x1FE60]  }
0xc0: {  	v22 =	vadd.f32 v24, v22;
	v24 =	vld.idx.msk [tilespmem:v53+s31+$0x0], $0xffff  }
0xc1: {  	v53 =	vld [tilespmem:$0x1FEA0]  }
0xc2: {  	v25 =	vld.idx.msk [tilespmem:v59+s31+$0x0], $0xffff  }
0xc3: {  	v22 =	vadd.f32 v26, v22;
	v26 =	vld.idx.msk [tilespmem:v55+s31+$0x0], $0xffff  }
0xc4: {  	v27 =	vld.idx.msk [tilespmem:v61+s31+$0x0], $0xffff  }
0xc5: {  	v55 =	vld [tilespmem:$0x1FED0]  }
0xc6: {  	v23 =	vld.idx.msk [tilespmem:v23+s31+$0x0], $0xffff  }
0xc7: {  	v22 =	vadd.f32 v28, v22;
	v28 =	vld.idx.msk [tilespmem:v57+s31+$0x0], $0xffff;
	v21 =	vadd.f32 v25, v21  }
0xc8: {  	v54 =	vld [tilespmem:$0x1FEC0]  }
0xc9: {  	v57 =	vld [tilespmem:$0x1FEF0];
	v21 =	vadd.f32 v27, v21  }
0xca: {  	v22 =	vadd.f32 v24, v22;
	v24 =	vld.idx.msk [tilespmem:v58+s31+$0x0], $0xffff  }
0xcb: {  	v21 =	vadd.f32 v23, v21;
	v23 =	vld [tilespmem:$0x1FEB0]  }
0xcc: {  	v56 =	vld [tilespmem:$0x1FEE0]  }
0xcd: {  	v22 =	vadd.f32 v26, v22;
	v26 =	vld.idx.msk [tilespmem:v60+s31+$0x0], $0xffff  }
0xce: {  	v60 =	vld [tilespmem:$0x1FF20]  }
0xcf: {  	v25 =	vld.idx.msk [tilespmem:v29+s31+$0x0], $0xffff  }
0xd0: {  	v22 =	vadd.f32 v28, v22;
	v28 =	vld.idx.msk [tilespmem:v62+s31+$0x0], $0xffff  }
0xd1: {  	v27 =	vld.idx.msk [tilespmem:v31+s31+$0x0], $0xffff  }
0xd2: {  	v62 =	vld [tilespmem:$0x1FF40]  }
0xd3: {  	v22 =	vadd.f32 v24, v22;
	v23 =	vld.idx.msk [tilespmem:v23+s31+$0x0], $0xffff  }
0xd4: {  	v24 =	vld.idx.msk [tilespmem:v63+s31+$0x0], $0xffff;
	v21 =	vadd.f32 v25, v21  }
0xd5: {  	v22 =	vadd.f32 v26, v22;
	v29 =	vld [tilespmem:$0x1FF00]  }
0xd6: {  	v26 =	vld.idx.msk [tilespmem:v30+s31+$0x0], $0xffff;
	v21 =	vadd.f32 v27, v21  }
0xd7: {  	v22 =	vadd.f32 v28, v22;
	v28 =	vld.idx.msk [tilespmem:v53+s31+$0x0], $0xffff  }
0xd8: {  	v21 =	vadd.f32 v23, v21;
	v23 =	vld [tilespmem:$0x1FF10]  }
0xd9: {  	v22 =	vadd.f32 v24, v22;
	v24 =	vld.idx.msk [tilespmem:v54+s31+$0x0], $0xffff  }
0xda: {  	v61 =	vld [tilespmem:$0x1FF30]  }
0xdb: {  	v22 =	vadd.f32 v26, v22;
	v26 =	vld.idx.msk [tilespmem:v56+s31+$0x0], $0xffff  }
0xdc: {  	v30 =	vimm.s32 $0x168;
	v25 =	vld.idx.msk [tilespmem:v55+s31+$0x0], $0xffff  }
0xdd: {  	v58 =	vsel vm0, $0x142, v30;
	v30 =	vsel vm0, $0x166, v30;
	v22 =	vadd.f32 v28, v22;
	v29 =	vld.idx.msk [tilespmem:v29+s31+$0x0], $0xffff  }
0xde: {  	v59 =	vsel vm1, $0x167, v30;
	v27 =	vld.idx.msk [tilespmem:v57+s31+$0x0], $0xffff  }
0xdf: {  	v30 =	vld.idx.msk [tilespmem:v60+s31+$0x0], $0xffff;
	v28 =	vsel vm1, $0x155, v58;
	v22 =	vadd.f32 v24, v22  }
0xe0: {  	v23 =	vld.idx.msk [tilespmem:v23+s31+$0x0], $0xffff  }
0xe1: {  	v22 =	vadd.f32 v26, v22;
	v26 =	vld.idx.msk [tilespmem:v62+s31+$0x0], $0xffff;
	v21 =	vadd.f32 v25, v21  }
0xe2: {  	v25 =	vld.idx.msk [tilespmem:v61+s31+$0x0], $0xffff  }
0xe3: {  	v24 =	vld.idx.msk [tilespmem:v59+s31+$0x0], $0xffff;
	v22 =	vadd.f32 v29, v22;
	v21 =	vadd.f32 v27, v21  }
0xe4: {  	v63 =	vld.idx.msk [tilespmem:v28+s31+$0x0], $0xffff  }
0xe5: {  	v22 =	vadd.f32 v30, v22;
	v21 =	vadd.f32 v23, v21;
	_ =	sdelay $0x1  }
0xe6: {  	v22 =	vadd.f32 v26, v22;
	v21 =	vadd.f32 v25, v21;
	_ =	sdelay $0x1  }
0xe7: {  	v22 =	vadd.f32 v24, v22;
	v21 =	vadd.f32 v63, v21;
	_ =	sdelay $0x1  }
0xe8: {  	v21 =	vadd.f32 v22, v21;
	_ =	sdelay $0x1  }
0xe9: {  	v21 =	vadd.f32 $1.000000010e-10, v21;
	_ =	sdelay $0x1  }
0xea: {  	(erf) = vrcp.f32 v21;
	v21 =	vld [tilespmem:$0x1FD00];
	_ =	sdelay $0x7  }
0xeb: {  	v21 =	vld.idx.msk [tilespmem:v21+s31+$0x0], $0xffff;
	_ =	sdelay $0x4  }
0xec: {  	v21 =	vadd.f32 v21, v21  }
0xed: {  	v22 =	vpop (erf)  }
0xee: {  	v21 =	vmul.f32 v22, v21;
	_ =	sdelay $0x1  }
0xef: {  	[tilespmem:$0x11710] =	vst v21  }
.LBB2_17:
0xf0: {  	[spmem:s13] =	stream.strided.scatter [tilespmem:s26], [sflag:$0x5], $0x180, s25, s24, $0x38;
	[tilespmem:$0x124D0] =	vst v63  }
0xf1: {  	_ =	swait.ge [sflag:s28], $0x180  }
0xf2: {  	[sflag:s28] =	ssyncset.done $0x0  }
0xf3: {  	[sflag:s28] =	ssyncadd.s32 $0xFFFFFE80  }
0xf4: {  	s0 =	simm.s32 @!p0 $0x200;
	[bflag:$0x0] =	sbarrier.arrive $0xFFFF  }
0xf5: {  	s1 =	simm.s32 @!p0 $0x400;
	s3 =	simm.s32 @!p0 $0x11880;
	s12 =	rddreg [dreg:$0x4]  }
0xf6: {  	[tilespmem:s3], [sflag:$0x5] =	stream.strided.gather @!p0 [spmem:s12], $0x600, s1, s0, $0x38;
	[tilespmem:$0x124D0] =	vst v63  }
0xf7: {  	s0 =	simm.s32 @!p0 $0x5  }
0xf8: {  	_ =	swait.ge @!p0 [sflag:s0], $0x600  }
0xf9: {  	[sflag:s0] =	ssyncset.done @!p0 $0x0  }
0xfa: {  	[sflag:s0] =	ssyncadd.s32 @!p0 $0xFFFFFA00  }
0xfb: {  	v21 =	vld @!p0 [tilespmem:$0x11880]  }
0xfc: {  	v22 =	vld @!p0 [tilespmem:$0x11900]  }
0xfd: {  	v23 =	vld @!p0 [tilespmem:$0x11980]  }
0xfe: {  	v24 =	vld @!p0 [tilespmem:$0x11A00]  }
0xff: {  	v25 =	vld @!p0 [tilespmem:$0x11890]  }
0x100: {  	v26 =	vld @!p0 [tilespmem:$0x11910]  }
0x101: {  	v27 =	vld @!p0 [tilespmem:$0x11990]  }
0x102: {  	v28 =	vld @!p0 [tilespmem:$0x11A10];
	_ =	sdelay $0x3  }
0x103: {  	v21 =	vadd.f32 @!p0 v22, v21;
	v22 =	vadd.f32 @!p0 v24, v23  }
0x104: {  	v23 =	vadd.f32 @!p0 v26, v25;
	v24 =	vadd.f32 @!p0 v28, v27  }
0x105: {  	v21 =	vadd.f32 @!p0 v22, v21  }
0x106: {  	v22 =	vadd.f32 @!p0 v24, v23  }
0x107: {  	v21 =	vmul.f32 @!p0 $1.250000000e-01, v21  }
0x108: {  	s2 =	sadd.s32 $0x1, s2;
	v22 =	vmul.f32 @!p0 $1.250000000e-01, v22  }
0x109: {  	p2 =	sne.s32 s2, s15;
	[tilespmem:$0x12000] =	vst @!p0 v21  }
.Ltmp1:
0x10a: {  	s1 =	simm.s32 @!p0 $0x0;
	s3 =	simm.s32 @!p0 $0x12000;
	[tilespmem:$0x12010] =	vst @!p0 v22;
	(pc) =	sbr.rel @!p2 .LBB2_18-.Ltmp1, $4  }
0x10b: {  	[hbm4b:s14+s1] =	stream.linear.scatter @!p0 [tilespmem:s3], [sflag:$0x5], $0x80, $0x38;
	[tilespmem:$0x124D0] =	vst v63  }
0x10c: {  	_ =	swait.ge @!p0 [sflag:s0], $0x80  }
0x10d: {  	[sflag:s0] =	ssyncset.done @!p0 $0x0  }
0x10e: {  	[sflag:s0] =	ssyncadd.s32 @!p0 $0xFFFFFF80  }
.LBB2_1:
0x10f: {  	s0 =	simm.s32 $0x0;
	s1 =	simm.s32 $0x400  }
.LBB2_2:
0x110: {  	p2 =	sne.s32 s1, $0x5800;
	[tilespmem:s0+$0x100F0] =	vst v2  }
0x111: {  	[tilespmem:s0+$0x10000] =	vst v2  }
0x112: {  	[tilespmem:s0+$0x10010] =	vst v2  }
0x113: {  	[tilespmem:s0+$0x10020] =	vst v2  }
0x114: {  	[tilespmem:s0+$0x10030] =	vst v2  }
0x115: {  	[tilespmem:s0+$0x10040] =	vst v2  }
0x116: {  	[tilespmem:s0+$0x10050] =	vst v2  }
0x117: {  	[tilespmem:s0+$0x10060] =	vst v2  }
0x118: {  	[tilespmem:s0+$0x10070] =	vst v2  }
0x119: {  	[tilespmem:s0+$0x10080] =	vst v2  }
0x11a: {  	[tilespmem:s0+$0x10090] =	vst v2  }
.Ltmp2:
0x11b: {  	[tilespmem:s0+$0x100A0] =	vst v2;
	(pc) =	sbr.rel @p2 .LBB2_2-.Ltmp2, $4  }
0x11c: {  	[tilespmem:s0+$0x100B0] =	vst v2  }
0x11d: {  	[tilespmem:s0+$0x100C0] =	vst v2  }
0x11e: {  	[tilespmem:s0+$0x100D0] =	vst v2  }
0x11f: {  	[tilespmem:s0+$0x100E0] =	vst v2;
	s0 =	sshra.s32 s1, $0x2;
	s1 =	sadd.s32 $0x400, s1  }
0x120: {  	[tilespmem:s0+$0x100F0] =	vst v2  }
0x121: {  	[tilespmem:s0+$0x10000] =	vst v2  }
0x122: {  	[tilespmem:s0+$0x10010] =	vst v2  }
0x123: {  	[tilespmem:s0+$0x10020] =	vst v2  }
0x124: {  	[tilespmem:s0+$0x10030] =	vst v2  }
0x125: {  	[tilespmem:s0+$0x10040] =	vst v2  }
0x126: {  	[tilespmem:s0+$0x10050] =	vst v2  }
0x127: {  	[tilespmem:s0+$0x10060] =	vst v2  }
0x128: {  	[tilespmem:s0+$0x10070] =	vst v2  }
0x129: {  	[tilespmem:s0+$0x10080] =	vst v2  }
0x12a: {  	[tilespmem:s0+$0x10090] =	vst v2  }
0x12b: {  	[tilespmem:s0+$0x100A0] =	vst v2  }
0x12c: {  	[tilespmem:s0+$0x100B0] =	vst v2  }
0x12d: {  	[tilespmem:s0+$0x100C0] =	vst v2  }
0x12e: {  	[tilespmem:s0+$0x100D0] =	vst v2  }
0x12f: {  	[tilespmem:s0+$0x100E0] =	vst v2  }
0x130: {  	s0 =	simm.s32 $0x0;
	s1 =	rddreg [dreg:$0x6]  }
0x131: {  	[tilespmem:s0], [sflag:$0x1] =	stream.linear.gather [hbm4b:s1+s0], $0x4000, $0x38;
	[tilespmem:$0x124D0] =	vst v63  }
0x132: {  	_ = 	snop  }
0x133: {  	[tilespmem:s16], [sflag:$0x3] =	stream.linear.gather [hbm4b:s4+s0], $0x4000, $0x38;
	[tilespmem:$0x124D0] =	vst v63  }
0x134: {  	_ = 	snop  }
0x135: {  	[tilespmem:s17], [sflag:$0x2] =	stream.linear.gather [hbm4b:s5+s0], $0x4000, $0x38;
	[tilespmem:$0x124D0] =	vst v63  }
0x136: {  	_ = 	snop  }
0x137: {  	[tilespmem:s18], [sflag:$0x4] =	stream.linear.gather [hbm4b:s6+s0], $0x4000, $0x38;
	[tilespmem:$0x124D0] =	vst v63  }
0x138: {  	_ =	swait.ge [sflag:s19], $0x4000  }
0x139: {  	[sflag:s19] =	ssyncset.done $0x0  }
0x13a: {  	s12 =	simm.s32 $0x0;
	s29 =	simm.s32 $0x0;
	[sflag:s19] =	ssyncadd.s32 $0xFFFFC000  }
0x13b: {  	s1 =	sand.u32 $0x3000, s12;
	s12 =	sand.u32 $0x800, s0;
	_ =	swait.ge [sflag:s20], $0x4000  }
0x13c: {  	s30 =	sand.u32 $0x380, s29;
	s1 =	sor.u32 s12, s1;
	[sflag:s20] =	ssyncset.done $0x0  }
0x13d: {  	s1 =	sor.u32 s30, s1;
	[sflag:s20] =	ssyncadd.s32 $0xFFFFC000  }
0x13e: {  	v21 =	vld [tilespmem:s1+$0x470]  }
0x13f: {  	v22 =	vld [tilespmem:s1+$0x0]  }
0x140: {  	v23 =	vld [tilespmem:s1+$0x8470]  }
0x141: {  	v53 =	vld [tilespmem:s1+$0x10]  }
0x142: {  	v54 =	vld [tilespmem:s1+$0x20]  }
0x143: {  	v55 =	vld [tilespmem:s1+$0x30]  }
0x144: {  	v56 =	vld [tilespmem:s1+$0x40]  }
0x145: {  	v57 =	vld [tilespmem:s1+$0x50]  }
0x146: {  	v58 =	vld [tilespmem:s1+$0x70]  }
0x147: {  	v59 =	vld [tilespmem:s1+$0x400]  }
0x148: {  	v60 =	vld [tilespmem:s1+$0x410]  }
0x149: {  	v61 =	vld [tilespmem:s1+$0x8000]  }
0x14a: {  	v62 =	vld [tilespmem:s1+$0x420]  }
0x14b: {  	v63 =	vld [tilespmem:s1+$0x430]  }
0x14c: {  	v24 =	vld [tilespmem:s1+$0x450];
	v21 =	vmul.u32 $0x13, v21  }
0x14d: {  	v25 =	vld [tilespmem:s1+$0x8010]  }
0x14e: {  	v26 =	vld [tilespmem:s1+$0x8020];
	v22 =	vmul.u32 $0x13, v22;
	v21 =	vadd.s32 v23, v21  }
0x14f: {  	v27 =	vld [tilespmem:s1+$0x8030];
	v21 =	vshll.u32 v21, $0x4  }
0x150: {  	v28 =	vld [tilespmem:s1+$0x8040];
	v22 =	vadd.s32 v61, v22;
	v21 =	vor.u32 v0, v21  }
0x151: {  	v29 =	vld [tilespmem:s1+$0x8050];
	v22 =	vshll.u32 v22, $0x4  }
0x152: {  	v53 =	vmul.u32 $0x13, v53;
	v23 =	vld [tilespmem:s1+$0x60];
	v22 =	vor.u32 v0, v22  }
0x153: {  	v61 =	vld [tilespmem:s1+$0x460]  }
0x154: {  	v25 =	vadd.s32 v25, v53;
	v53 =	vld [tilespmem:s1+$0x8070]  }
0x155: {  	[tilespmem:v21+s21+$0x0] =	vst.idx.add.f32.msk $0xffff, v3  }
0x156: {  	v54 =	vmul.u32 $0x13, v54;
	v55 =	vmul.u32 $0x13, v55;
	v56 =	vmul.u32 $0x13, v56;
	v21 =	vld [tilespmem:s1+$0x440]  }
0x157: {  	v59 =	vmul.u32 $0x13, v59;
	v60 =	vmul.u32 $0x13, v60;
	[tilespmem:v22+s21+$0x0] =	vst.idx.add.f32.msk $0xffff, v3;
	v22 =	vmul.u32 $0x13, v57  }
0x158: {  	v62 =	vmul.u32 $0x13, v62;
	v63 =	vmul.u32 $0x13, v63;
	v26 =	vadd.s32 v26, v54;
	v54 =	vld [tilespmem:s1+$0x8400]  }
0x159: {  	v28 =	vadd.s32 v28, v56;
	v57 =	vmul.u32 $0x13, v58;
	v58 =	vld [tilespmem:s1+$0x8060];
	v22 =	vadd.s32 v29, v22  }
0x15a: {  	v56 =	vld [tilespmem:s1+$0x8440];
	v26 =	vshll.u32 v26, $0x4;
	v28 =	vshll.u32 v28, $0x4;
	v22 =	vshll.u32 v22, $0x4  }
0x15b: {  	v29 =	vld [tilespmem:s1+$0x8430];
	v22 =	vor.u32 v0, v22;
	v30 =	vmul.u32 $0x13, v21;
	v21 =	vshll.u32 v25, $0x4  }
0x15c: {  	v23 =	vmul.u32 $0x13, v23;
	v25 =	vadd.s32 v27, v55;
	v27 =	vld [tilespmem:s1+$0x8410];
	v21 =	vor.u32 v0, v21  }
0x15d: {  	v26 =	vor.u32 v0, v26;
	v28 =	vor.u32 v0, v28;
	v55 =	vld [tilespmem:s1+$0x8420];
	v25 =	vshll.u32 v25, $0x4  }
0x15e: {  	v53 =	vadd.s32 v53, v57;
	v57 =	vld [tilespmem:s1+$0x8450];
	v23 =	vadd.s32 v58, v23;
	v25 =	vor.u32 v0, v25  }
0x15f: {  	v54 =	vadd.s32 v54, v59;
	v53 =	vshll.u32 v53, $0x4;
	v58 =	vld [tilespmem:s1+$0x8460];
	v23 =	vshll.u32 v23, $0x4  }
0x160: {  	v24 =	vmul.u32 $0x13, v24;
	v59 =	vor.u32 v0, v53;
	v23 =	vor.u32 v0, v23;
	[tilespmem:v22+s21+$0x0] =	vst.idx.add.f32.msk $0xffff, v3  }
0x161: {  	v22 =	vadd.s32 v56, v30;
	v27 =	vadd.s32 v27, v60;
	[tilespmem:v21+s21+$0x0] =	vst.idx.add.f32.msk $0xffff, v3;
	v21 =	vshll.u32 v54, $0x4  }
0x162: {  	[tilespmem:v26+s21+$0x0] =	vst.idx.add.f32.msk $0xffff, v3;
	v55 =	vadd.s32 v55, v62;
	v26 =	vor.u32 v0, v21;
	v21 =	vshll.u32 v27, $0x4  }
0x163: {  	v60 =	vadd.s32 v29, v63;
	[tilespmem:v25+s21+$0x0] =	vst.idx.add.f32.msk $0xffff, v3;
	v25 =	vor.u32 v0, v21;
	v21 =	vshll.u32 v55, $0x4  }
0x164: {  	[tilespmem:v28+s21+$0x0] =	vst.idx.add.f32.msk $0xffff, v3;
	v62 =	vmul.u32 $0x13, v61;
	v27 =	vshll.u32 v60, $0x4;
	v21 =	vor.u32 v0, v21  }
0x165: {  	v22 =	vshll.u32 v22, $0x4;
	[tilespmem:v23+s21+$0x0] =	vst.idx.add.f32.msk $0xffff, v3;
	v23 =	vadd.s32 v57, v24;
	v53 =	vor.u32 v0, v27  }
0x166: {  	[tilespmem:v59+s21+$0x0] =	vst.idx.add.f32.msk $0xffff, v3;
	v54 =	vor.u32 v0, v22;
	v63 =	vadd.s32 v58, v62;
	v22 =	vshll.u32 v23, $0x4  }
0x167: {  	v23 =	vshll.u32 v63, $0x4;
	v55 =	vor.u32 v0, v22;
	[tilespmem:v26+s21+$0x0] =	vst.idx.add.f32.msk $0xffff, v3  }
0x168: {  	s29 =	simm.s32 $0x0;
	v56 =	vor.u32 v0, v23;
	[tilespmem:v25+s21+$0x0] =	vst.idx.add.f32.msk $0xffff, v3  }
.LBB2_4:
0x169: {  	s29 =	sadd.s32 $0x10, s29;
	[tilespmem:v21+s21+$0x0] =	vst.idx.add.f32.msk $0xffff, v3  }
0x16a: {  	s0 =	sadd.s32 $0x800, s0;
	s1 =	sshll.u32 s29, $0x4;
	p2 =	slt.u32 s29, $0x3F0;
	[tilespmem:v53+s21+$0x0] =	vst.idx.add.f32.msk $0xffff, v3  }
0x16b: {  	s12 =	sand.u32 $0x800, s0;
	s30 =	sshll.u32 s29, $0x2;
	s1 =	sand.u32 $0x3000, s1;
	[tilespmem:v54+s21+$0x0] =	vst.idx.add.f32.msk $0xffff, v3  }
0x16c: {  	s1 =	sor.u32 s12, s1;
	s12 =	sand.u32 $0x380, s30;
	[tilespmem:v55+s21+$0x0] =	vst.idx.add.f32.msk $0xffff, v3  }
0x16d: {  	s1 =	sor.u32 s12, s1;
	[tilespmem:v56+s21+$0x0] =	vst.idx.add.f32.msk $0xffff, v3  }
0x16e: {  	v21 =	vld [tilespmem:s1+$0x470]  }
0x16f: {  	v22 =	vld [tilespmem:s1+$0x0]  }
0x170: {  	v23 =	vld [tilespmem:s1+$0x8470]  }
0x171: {  	v24 =	vld [tilespmem:s1+$0x10]  }
0x172: {  	v25 =	vld [tilespmem:s1+$0x20]  }
0x173: {  	v26 =	vld [tilespmem:s1+$0x30];
	v21 =	vmul.u32 $0x13, v21  }
0x174: {  	v22 =	vmul.u32 $0x13, v22;
	v27 =	vld [tilespmem:s1+$0x40]  }
0x175: {  	v28 =	vld [tilespmem:s1+$0x50];
	v21 =	vadd.s32 v23, v21  }
0x176: {  	v23 =	vmul.u32 $0x13, v24;
	v24 =	vld [tilespmem:s1+$0x60];
	v21 =	vshll.u32 v21, $0x4  }
0x177: {  	v25 =	vmul.u32 $0x13, v25;
	v29 =	vld [tilespmem:s1+$0x70];
	v21 =	vor.u32 v0, v21  }
0x178: {  	v26 =	vmul.u32 $0x13, v26;
	v30 =	vld [tilespmem:s1+$0x400]  }
0x179: {  	v27 =	vmul.u32 $0x13, v27;
	v53 =	vld [tilespmem:s1+$0x410]  }
0x17a: {  	v28 =	vmul.u32 $0x13, v28;
	v54 =	vld [tilespmem:s1+$0x420]  }
0x17b: {  	v24 =	vmul.u32 $0x13, v24;
	v55 =	vld [tilespmem:s1+$0x430]  }
0x17c: {  	v29 =	vmul.u32 $0x13, v29;
	[tilespmem:v21+s21+$0x0] =	vst.idx.add.f32.msk $0xffff, v3  }
0x17d: {  	v21 =	vmul.u32 $0x13, v30;
	v30 =	vld [tilespmem:s1+$0x440]  }
0x17e: {  	v53 =	vmul.u32 $0x13, v53;
	v56 =	vld [tilespmem:s1+$0x450]  }
0x17f: {  	v54 =	vmul.u32 $0x13, v54;
	v57 =	vld [tilespmem:s1+$0x460]  }
0x180: {  	v58 =	vld [tilespmem:s1+$0x8000];
	v55 =	vmul.u32 $0x13, v55  }
0x181: {  	v59 =	vld [tilespmem:s1+$0x8010]  }
0x182: {  	v60 =	vld [tilespmem:s1+$0x8020];
	v30 =	vmul.u32 $0x13, v30  }
0x183: {  	v61 =	vld [tilespmem:s1+$0x8030];
	v56 =	vmul.u32 $0x13, v56  }
0x184: {  	v62 =	vld [tilespmem:s1+$0x8040];
	v57 =	vmul.u32 $0x13, v57  }
0x185: {  	v22 =	vadd.s32 v58, v22;
	v58 =	vld [tilespmem:s1+$0x8050]  }
0x186: {  	v22 =	vshll.u32 v22, $0x4;
	v23 =	vadd.s32 v59, v23;
	v59 =	vld [tilespmem:s1+$0x8060]  }
0x187: {  	v22 =	vor.u32 v0, v22;
	v23 =	vshll.u32 v23, $0x4;
	v25 =	vadd.s32 v60, v25;
	v60 =	vld [tilespmem:s1+$0x8070]  }
0x188: {  	v23 =	vor.u32 v0, v23;
	v25 =	vshll.u32 v25, $0x4;
	v26 =	vadd.s32 v61, v26;
	v61 =	vld [tilespmem:s1+$0x8400]  }
0x189: {  	v25 =	vor.u32 v0, v25;
	v26 =	vshll.u32 v26, $0x4;
	v27 =	vadd.s32 v62, v27;
	v62 =	vld [tilespmem:s1+$0x8410]  }
0x18a: {  	v26 =	vor.u32 v0, v26;
	v27 =	vshll.u32 v27, $0x4;
	v28 =	vadd.s32 v58, v28;
	v58 =	vld [tilespmem:s1+$0x8420]  }
0x18b: {  	v27 =	vor.u32 v0, v27;
	v28 =	vshll.u32 v28, $0x4;
	v24 =	vadd.s32 v59, v24;
	v59 =	vld [tilespmem:s1+$0x8430]  }
0x18c: {  	v28 =	vor.u32 v0, v28;
	v24 =	vshll.u32 v24, $0x4;
	v29 =	vadd.s32 v60, v29;
	v60 =	vld [tilespmem:s1+$0x8440]  }
0x18d: {  	v24 =	vor.u32 v0, v24;
	v29 =	vshll.u32 v29, $0x4;
	v21 =	vadd.s32 v61, v21;
	v61 =	vld [tilespmem:s1+$0x8450]  }
0x18e: {  	v29 =	vor.u32 v0, v29;
	v21 =	vshll.u32 v21, $0x4;
	v53 =	vadd.s32 v62, v53;
	v62 =	vld [tilespmem:s1+$0x8460]  }
0x18f: {  	[tilespmem:v22+s21+$0x0] =	vst.idx.add.f32.msk $0xffff, v3;
	v22 =	vor.u32 v0, v21;
	v21 =	vshll.u32 v53, $0x4;
	v53 =	vadd.s32 v58, v54  }
0x190: {  	[tilespmem:v23+s21+$0x0] =	vst.idx.add.f32.msk $0xffff, v3;
	v23 =	vor.u32 v0, v21;
	v21 =	vshll.u32 v53, $0x4;
	v53 =	vadd.s32 v59, v55  }
0x191: {  	[tilespmem:v25+s21+$0x0] =	vst.idx.add.f32.msk $0xffff, v3;
	v21 =	vor.u32 v0, v21;
	v25 =	vshll.u32 v53, $0x4;
	v30 =	vadd.s32 v60, v30  }
0x192: {  	[tilespmem:v26+s21+$0x0] =	vst.idx.add.f32.msk $0xffff, v3;
	v53 =	vor.u32 v0, v25;
	v25 =	vshll.u32 v30, $0x4;
	v26 =	vadd.s32 v61, v56  }
0x193: {  	[tilespmem:v27+s21+$0x0] =	vst.idx.add.f32.msk $0xffff, v3;
	v54 =	vor.u32 v0, v25;
	v25 =	vshll.u32 v26, $0x4;
	v26 =	vadd.s32 v62, v57  }
.Ltmp3:
0x194: {  	[tilespmem:v28+s21+$0x0] =	vst.idx.add.f32.msk $0xffff, v3;
	v55 =	vor.u32 v0, v25;
	v25 =	vshll.u32 v26, $0x4;
	(pc) =	sbr.rel @p2 .LBB2_4-.Ltmp3, $4  }
0x195: {  	[tilespmem:v24+s21+$0x0] =	vst.idx.add.f32.msk $0xffff, v3;
	v56 =	vor.u32 v0, v25  }
0x196: {  	[tilespmem:v29+s21+$0x0] =	vst.idx.add.f32.msk $0xffff, v3  }
0x197: {  	[tilespmem:v22+s21+$0x0] =	vst.idx.add.f32.msk $0xffff, v3  }
0x198: {  	[tilespmem:v23+s21+$0x0] =	vst.idx.add.f32.msk $0xffff, v3  }
0x199: {  	_ =	sdelay $0x3  }
0x19a: {  	[tilespmem:v21+s21+$0x0] =	vst.idx.add.f32.msk $0xffff, v3  }
0x19b: {  	[tilespmem:v53+s21+$0x0] =	vst.idx.add.f32.msk $0xffff, v3  }
0x19c: {  	[tilespmem:v54+s21+$0x0] =	vst.idx.add.f32.msk $0xffff, v3  }
0x19d: {  	[tilespmem:v55+s21+$0x0] =	vst.idx.add.f32.msk $0xffff, v3  }
0x19e: {  	[tilespmem:v56+s21+$0x0] =	vst.idx.add.f32.msk $0xffff, v3;
	s0 =	simm.s32 $0x0  }
0x19f: {  	[tilespmem:s0], [sflag:$0x1] =	stream.linear.gather [hbm4b:s7+s0], $0x4000, $0x38;
	[tilespmem:$0x124D0] =	vst v63  }
0x1a0: {  	_ = 	snop  }
0x1a1: {  	[tilespmem:s16], [sflag:$0x3] =	stream.linear.gather [hbm4b:s8+s0], $0x4000, $0x38;
	[tilespmem:$0x124D0] =	vst v63  }
0x1a2: {  	_ =	swait.ge [sflag:s22], $0x4000  }
0x1a3: {  	[sflag:s22] =	ssyncset.done $0x0  }
0x1a4: {  	s1 =	simm.s32 $0x0;
	s29 =	simm.s32 $0x0;
	[sflag:s22] =	ssyncadd.s32 $0xFFFFC000  }
0x1a5: {  	s1 =	sand.u32 $0x3000, s1;
	s12 =	sand.u32 $0x800, s0;
	_ =	swait.ge [sflag:s23], $0x4000  }
0x1a6: {  	s30 =	sand.u32 $0x380, s29;
	s1 =	sor.u32 s12, s1;
	[sflag:s23] =	ssyncset.done $0x0  }
0x1a7: {  	s1 =	sor.u32 s30, s1;
	[sflag:s23] =	ssyncadd.s32 $0xFFFFC000  }
0x1a8: {  	v21 =	vld [tilespmem:s1+$0x4470]  }
0x1a9: {  	v22 =	vld [tilespmem:s1+$0x4000]  }
0x1aa: {  	v23 =	vld [tilespmem:s1+$0xC470]  }
0x1ab: {  	v24 =	vld [tilespmem:s1+$0x4010]  }
0x1ac: {  	v25 =	vld [tilespmem:s1+$0x4020]  }
0x1ad: {  	v26 =	vld [tilespmem:s1+$0x4030]  }
0x1ae: {  	v27 =	vld [tilespmem:s1+$0x4040]  }
0x1af: {  	v28 =	vld [tilespmem:s1+$0x4050]  }
0x1b0: {  	v29 =	vld [tilespmem:s1+$0x4070]  }
0x1b1: {  	v30 =	vld [tilespmem:s1+$0x4400]  }
0x1b2: {  	v53 =	vld [tilespmem:s1+$0x4410]  }
0x1b3: {  	v63 =	vld [tilespmem:s1+$0xC000]  }
0x1b4: {  	v55 =	vld [tilespmem:s1+$0x4420]  }
0x1b5: {  	v56 =	vld [tilespmem:s1+$0x4430]  }
0x1b6: {  	v57 =	vld [tilespmem:s1+$0x4450];
	v21 =	vmul.u32 $0x13, v21  }
0x1b7: {  	v54 =	vld [tilespmem:s1+$0x4460]  }
0x1b8: {  	v58 =	vld [tilespmem:s1+$0xC010];
	v21 =	vadd.s32 v23, v21  }
0x1b9: {  	v59 =	vld [tilespmem:s1+$0xC020];
	v22 =	vmul.u32 $0x13, v22;
	v21 =	vshll.u32 v21, $0x4  }
0x1ba: {  	v60 =	vld [tilespmem:s1+$0xC030];
	v21 =	vor.u32 v0, v21  }
0x1bb: {  	v61 =	vld [tilespmem:s1+$0xC040];
	v22 =	vadd.s32 v63, v22  }
0x1bc: {  	v62 =	vld [tilespmem:s1+$0xC050];
	v24 =	vmul.u32 $0x13, v24;
	v22 =	vshll.u32 v22, $0x4  }
0x1bd: {  	v23 =	vld [tilespmem:s1+$0x4060];
	v22 =	vor.u32 v0, v22  }
0x1be: {  	v24 =	vadd.s32 v58, v24;
	v58 =	vld [tilespmem:s1+$0xC070]  }
0x1bf: {  	v25 =	vmul.u32 $0x13, v25;
	[tilespmem:v21+s21+$0x0] =	vst.idx.add.f32.msk $0xffff, v3  }
0x1c0: {  	v26 =	vmul.u32 $0x13, v26;
	v27 =	vmul.u32 $0x13, v27;
	v21 =	vld [tilespmem:s1+$0x4440]  }
0x1c1: {  	v30 =	vmul.u32 $0x13, v30;
	v53 =	vmul.u32 $0x13, v53;
	v25 =	vadd.s32 v59, v25;
	v59 =	vld [tilespmem:s1+$0xC400]  }
0x1c2: {  	v55 =	vmul.u32 $0x13, v55;
	v27 =	vadd.s32 v61, v27;
	v25 =	vshll.u32 v25, $0x4;
	[tilespmem:v22+s21+$0x0] =	vst.idx.add.f32.msk $0xffff, v3  }
0x1c3: {  	v25 =	vor.u32 v0, v25;
	v22 =	vmul.u32 $0x13, v28;
	v28 =	vmul.u32 $0x13, v29;
	v29 =	vld [tilespmem:s1+$0xC060]  }
0x1c4: {  	v56 =	vmul.u32 $0x13, v56;
	v31 =	vadd.s32 v60, v26;
	v26 =	vld [tilespmem:s1+$0xC410];
	v27 =	vshll.u32 v27, $0x4  }
0x1c5: {  	v60 =	vld [tilespmem:s1+$0xC420];
	v27 =	vor.u32 v0, v27;
	v63 =	vmul.u32 $0x13, v21;
	v21 =	vshll.u32 v24, $0x4  }
0x1c6: {  	v61 =	vld [tilespmem:s1+$0xC430];
	v23 =	vmul.u32 $0x13, v23;
	v22 =	vadd.s32 v62, v22;
	v21 =	vor.u32 v0, v21  }
0x1c7: {  	v30 =	vadd.s32 v59, v30;
	v59 =	vld [tilespmem:s1+$0xC460];
	v28 =	vadd.s32 v58, v28;
	v22 =	vshll.u32 v22, $0x4  }
0x1c8: {  	[tilespmem:v25+s21+$0x0] =	vst.idx.add.f32.msk $0xffff, v3;
	v28 =	vshll.u32 v28, $0x4;
	v22 =	vor.u32 v0, v22;
	v23 =	vadd.s32 v29, v23  }
0x1c9: {  	v57 =	vmul.u32 $0x13, v57;
	v28 =	vor.u32 v0, v28;
	v29 =	vld [tilespmem:s1+$0xC440];
	v23 =	vshll.u32 v23, $0x4  }
0x1ca: {  	v26 =	vadd.s32 v26, v53;
	v58 =	vld [tilespmem:s1+$0xC450];
	v24 =	vshll.u32 v31, $0x4;
	v23 =	vor.u32 v0, v23  }
0x1cb: {  	v55 =	vadd.s32 v60, v55;
	v24 =	vor.u32 v0, v24;
	[tilespmem:v21+s21+$0x0] =	vst.idx.add.f32.msk $0xffff, v3;
	v21 =	vshll.u32 v30, $0x4  }
0x1cc: {  	v61 =	vadd.s32 v61, v56;
	[tilespmem:v27+s21+$0x0] =	vst.idx.add.f32.msk $0xffff, v3;
	v31 =	vor.u32 v0, v21;
	v21 =	vshll.u32 v26, $0x4  }
0x1cd: {  	v62 =	vmul.u32 $0x13, v54;
	[tilespmem:v22+s21+$0x0] =	vst.idx.add.f32.msk $0xffff, v3;
	v60 =	vor.u32 v0, v21;
	v21 =	vshll.u32 v55, $0x4  }
0x1ce: {  	[tilespmem:v28+s21+$0x0] =	vst.idx.add.f32.msk $0xffff, v3;
	v22 =	vadd.s32 v29, v63;
	v26 =	vshll.u32 v61, $0x4;
	v21 =	vor.u32 v0, v21  }
0x1cf: {  	v22 =	vshll.u32 v22, $0x4;
	[tilespmem:v23+s21+$0x0] =	vst.idx.add.f32.msk $0xffff, v3;
	v23 =	vadd.s32 v58, v57;
	v53 =	vor.u32 v0, v26  }
0x1d0: {  	v63 =	vadd.s32 v59, v62;
	[tilespmem:v24+s21+$0x0] =	vst.idx.add.f32.msk $0xffff, v3;
	v54 =	vor.u32 v0, v22;
	v22 =	vshll.u32 v23, $0x4  }
0x1d1: {  	v23 =	vshll.u32 v63, $0x4;
	v55 =	vor.u32 v0, v22;
	[tilespmem:v31+s21+$0x0] =	vst.idx.add.f32.msk $0xffff, v3  }
0x1d2: {  	s29 =	simm.s32 $0x0;
	v56 =	vor.u32 v0, v23;
	[tilespmem:v60+s21+$0x0] =	vst.idx.add.f32.msk $0xffff, v3  }
.LBB2_6:
0x1d3: {  	s29 =	sadd.s32 $0x10, s29;
	[tilespmem:v21+s21+$0x0] =	vst.idx.add.f32.msk $0xffff, v3  }
0x1d4: {  	s0 =	sadd.s32 $0x800, s0;
	s1 =	sshll.u32 s29, $0x4;
	p2 =	slt.u32 s29, $0x3F0;
	[tilespmem:v53+s21+$0x0] =	vst.idx.add.f32.msk $0xffff, v3  }
0x1d5: {  	s12 =	sand.u32 $0x800, s0;
	s30 =	sshll.u32 s29, $0x2;
	s1 =	sand.u32 $0x3000, s1;
	[tilespmem:v54+s21+$0x0] =	vst.idx.add.f32.msk $0xffff, v3  }
0x1d6: {  	s1 =	sor.u32 s12, s1;
	s12 =	sand.u32 $0x380, s30;
	[tilespmem:v55+s21+$0x0] =	vst.idx.add.f32.msk $0xffff, v3  }
0x1d7: {  	s1 =	sor.u32 s12, s1;
	[tilespmem:v56+s21+$0x0] =	vst.idx.add.f32.msk $0xffff, v3  }
0x1d8: {  	v21 =	vld [tilespmem:s1+$0x4470]  }
0x1d9: {  	v22 =	vld [tilespmem:s1+$0x4000]  }
0x1da: {  	v23 =	vld [tilespmem:s1+$0xC470]  }
0x1db: {  	v24 =	vld [tilespmem:s1+$0x4010]  }
0x1dc: {  	v25 =	vld [tilespmem:s1+$0x4020]  }
0x1dd: {  	v26 =	vld [tilespmem:s1+$0x4030];
	v21 =	vmul.u32 $0x13, v21  }
0x1de: {  	v22 =	vmul.u32 $0x13, v22;
	v27 =	vld [tilespmem:s1+$0x4040]  }
0x1df: {  	v28 =	vld [tilespmem:s1+$0x4050];
	v21 =	vadd.s32 v23, v21  }
0x1e0: {  	v23 =	vmul.u32 $0x13, v24;
	v24 =	vld [tilespmem:s1+$0x4060];
	v21 =	vshll.u32 v21, $0x4  }
0x1e1: {  	v25 =	vmul.u32 $0x13, v25;
	v29 =	vld [tilespmem:s1+$0x4070];
	v21 =	vor.u32 v0, v21  }
0x1e2: {  	v26 =	vmul.u32 $0x13, v26;
	v30 =	vld [tilespmem:s1+$0x4400]  }
0x1e3: {  	v27 =	vmul.u32 $0x13, v27;
	v53 =	vld [tilespmem:s1+$0x4410]  }
0x1e4: {  	v28 =	vmul.u32 $0x13, v28;
	v54 =	vld [tilespmem:s1+$0x4420]  }
0x1e5: {  	v24 =	vmul.u32 $0x13, v24;
	v55 =	vld [tilespmem:s1+$0x4430]  }
0x1e6: {  	v29 =	vmul.u32 $0x13, v29;
	[tilespmem:v21+s21+$0x0] =	vst.idx.add.f32.msk $0xffff, v3  }
0x1e7: {  	v21 =	vmul.u32 $0x13, v30;
	v30 =	vld [tilespmem:s1+$0x4440]  }
0x1e8: {  	v53 =	vmul.u32 $0x13, v53;
	v56 =	vld [tilespmem:s1+$0x4450]  }
0x1e9: {  	v54 =	vmul.u32 $0x13, v54;
	v57 =	vld [tilespmem:s1+$0x4460]  }
0x1ea: {  	v58 =	vld [tilespmem:s1+$0xC000];
	v55 =	vmul.u32 $0x13, v55  }
0x1eb: {  	v59 =	vld [tilespmem:s1+$0xC010]  }
0x1ec: {  	v60 =	vld [tilespmem:s1+$0xC020];
	v30 =	vmul.u32 $0x13, v30  }
0x1ed: {  	v61 =	vld [tilespmem:s1+$0xC030];
	v56 =	vmul.u32 $0x13, v56  }
0x1ee: {  	v62 =	vld [tilespmem:s1+$0xC040];
	v57 =	vmul.u32 $0x13, v57  }
0x1ef: {  	v22 =	vadd.s32 v58, v22;
	v58 =	vld [tilespmem:s1+$0xC050]  }
0x1f0: {  	v22 =	vshll.u32 v22, $0x4;
	v23 =	vadd.s32 v59, v23;
	v59 =	vld [tilespmem:s1+$0xC060]  }
0x1f1: {  	v22 =	vor.u32 v0, v22;
	v23 =	vshll.u32 v23, $0x4;
	v25 =	vadd.s32 v60, v25;
	v60 =	vld [tilespmem:s1+$0xC070]  }
0x1f2: {  	v23 =	vor.u32 v0, v23;
	v25 =	vshll.u32 v25, $0x4;
	v26 =	vadd.s32 v61, v26;
	v61 =	vld [tilespmem:s1+$0xC400]  }
0x1f3: {  	v25 =	vor.u32 v0, v25;
	v26 =	vshll.u32 v26, $0x4;
	v27 =	vadd.s32 v62, v27;
	v62 =	vld [tilespmem:s1+$0xC410]  }
0x1f4: {  	v26 =	vor.u32 v0, v26;
	v27 =	vshll.u32 v27, $0x4;
	v28 =	vadd.s32 v58, v28;
	v58 =	vld [tilespmem:s1+$0xC420]  }
0x1f5: {  	v27 =	vor.u32 v0, v27;
	v28 =	vshll.u32 v28, $0x4;
	v24 =	vadd.s32 v59, v24;
	v59 =	vld [tilespmem:s1+$0xC430]  }
0x1f6: {  	v28 =	vor.u32 v0, v28;
	v24 =	vshll.u32 v24, $0x4;
	v29 =	vadd.s32 v60, v29;
	v60 =	vld [tilespmem:s1+$0xC440]  }
0x1f7: {  	v24 =	vor.u32 v0, v24;
	v29 =	vshll.u32 v29, $0x4;
	v21 =	vadd.s32 v61, v21;
	v61 =	vld [tilespmem:s1+$0xC450]  }
0x1f8: {  	v29 =	vor.u32 v0, v29;
	v21 =	vshll.u32 v21, $0x4;
	v53 =	vadd.s32 v62, v53;
	v62 =	vld [tilespmem:s1+$0xC460]  }
0x1f9: {  	[tilespmem:v22+s21+$0x0] =	vst.idx.add.f32.msk $0xffff, v3;
	v22 =	vor.u32 v0, v21;
	v21 =	vshll.u32 v53, $0x4;
	v53 =	vadd.s32 v58, v54  }
0x1fa: {  	[tilespmem:v23+s21+$0x0] =	vst.idx.add.f32.msk $0xffff, v3;
	v23 =	vor.u32 v0, v21;
	v21 =	vshll.u32 v53, $0x4;
	v53 =	vadd.s32 v59, v55  }
0x1fb: {  	[tilespmem:v25+s21+$0x0] =	vst.idx.add.f32.msk $0xffff, v3;
	v21 =	vor.u32 v0, v21;
	v25 =	vshll.u32 v53, $0x4;
	v30 =	vadd.s32 v60, v30  }
0x1fc: {  	[tilespmem:v26+s21+$0x0] =	vst.idx.add.f32.msk $0xffff, v3;
	v53 =	vor.u32 v0, v25;
	v25 =	vshll.u32 v30, $0x4;
	v26 =	vadd.s32 v61, v56  }
0x1fd: {  	[tilespmem:v27+s21+$0x0] =	vst.idx.add.f32.msk $0xffff, v3;
	v54 =	vor.u32 v0, v25;
	v25 =	vshll.u32 v26, $0x4;
	v26 =	vadd.s32 v62, v57  }
.Ltmp4:
0x1fe: {  	[tilespmem:v28+s21+$0x0] =	vst.idx.add.f32.msk $0xffff, v3;
	v55 =	vor.u32 v0, v25;
	v25 =	vshll.u32 v26, $0x4;
	(pc) =	sbr.rel @p2 .LBB2_6-.Ltmp4, $4  }
0x1ff: {  	[tilespmem:v24+s21+$0x0] =	vst.idx.add.f32.msk $0xffff, v3;
	v56 =	vor.u32 v0, v25  }
0x200: {  	[tilespmem:v29+s21+$0x0] =	vst.idx.add.f32.msk $0xffff, v3  }
0x201: {  	[tilespmem:v22+s21+$0x0] =	vst.idx.add.f32.msk $0xffff, v3  }
0x202: {  	[tilespmem:v23+s21+$0x0] =	vst.idx.add.f32.msk $0xffff, v3  }
0x203: {  	_ =	sdelay $0x3  }
0x204: {  	[tilespmem:v21+s21+$0x0] =	vst.idx.add.f32.msk $0xffff, v3  }
0x205: {  	[tilespmem:v53+s21+$0x0] =	vst.idx.add.f32.msk $0xffff, v3  }
0x206: {  	[tilespmem:v54+s21+$0x0] =	vst.idx.add.f32.msk $0xffff, v3  }
0x207: {  	[tilespmem:v55+s21+$0x0] =	vst.idx.add.f32.msk $0xffff, v3  }
0x208: {  	[tilespmem:v56+s21+$0x0] =	vst.idx.add.f32.msk $0xffff, v3;
	s0 =	simm.s32 $0x0  }
0x209: {  	[tilespmem:s17], [sflag:$0x2] =	stream.linear.gather [hbm4b:s9+s0], $0x4000, $0x38;
	[tilespmem:$0x124D0] =	vst v63  }
0x20a: {  	_ = 	snop  }
0x20b: {  	[tilespmem:s18], [sflag:$0x4] =	stream.linear.gather [hbm4b:s10+s0], $0x4000, $0x38;
	[tilespmem:$0x124D0] =	vst v63  }
0x20c: {  	_ =	swait.ge [sflag:s19], $0x4000  }
0x20d: {  	[sflag:s19] =	ssyncset.done $0x0  }
0x20e: {  	s1 =	simm.s32 $0x0;
	s29 =	simm.s32 $0x0;
	[sflag:s19] =	ssyncadd.s32 $0xFFFFC000  }
0x20f: {  	s1 =	sand.u32 $0x3000, s1;
	s12 =	sand.u32 $0x800, s0;
	_ =	swait.ge [sflag:s20], $0x4000  }
0x210: {  	s30 =	sand.u32 $0x380, s29;
	s1 =	sor.u32 s12, s1;
	[sflag:s20] =	ssyncset.done $0x0  }
0x211: {  	s1 =	sor.u32 s30, s1;
	[sflag:s20] =	ssyncadd.s32 $0xFFFFC000  }
0x212: {  	v21 =	vld [tilespmem:s1+$0x470]  }
0x213: {  	v22 =	vld [tilespmem:s1+$0x0]  }
0x214: {  	v23 =	vld [tilespmem:s1+$0x8470]  }
0x215: {  	v24 =	vld [tilespmem:s1+$0x10]  }
0x216: {  	v25 =	vld [tilespmem:s1+$0x20]  }
0x217: {  	v26 =	vld [tilespmem:s1+$0x30]  }
0x218: {  	v27 =	vld [tilespmem:s1+$0x40]  }
0x219: {  	v28 =	vld [tilespmem:s1+$0x50]  }
0x21a: {  	v29 =	vld [tilespmem:s1+$0x70]  }
0x21b: {  	v30 =	vld [tilespmem:s1+$0x400]  }
0x21c: {  	v53 =	vld [tilespmem:s1+$0x410]  }
0x21d: {  	v63 =	vld [tilespmem:s1+$0x8000]  }
0x21e: {  	v55 =	vld [tilespmem:s1+$0x420]  }
0x21f: {  	v56 =	vld [tilespmem:s1+$0x430]  }
0x220: {  	v57 =	vld [tilespmem:s1+$0x450];
	v21 =	vmul.u32 $0x13, v21  }
0x221: {  	v54 =	vld [tilespmem:s1+$0x460]  }
0x222: {  	v58 =	vld [tilespmem:s1+$0x8010];
	v21 =	vadd.s32 v23, v21  }
0x223: {  	v59 =	vld [tilespmem:s1+$0x8020];
	v22 =	vmul.u32 $0x13, v22;
	v21 =	vshll.u32 v21, $0x4  }
0x224: {  	v60 =	vld [tilespmem:s1+$0x8030];
	v21 =	vor.u32 v0, v21  }
0x225: {  	v61 =	vld [tilespmem:s1+$0x8040];
	v22 =	vadd.s32 v63, v22  }
0x226: {  	v62 =	vld [tilespmem:s1+$0x8050];
	v24 =	vmul.u32 $0x13, v24;
	v22 =	vshll.u32 v22, $0x4  }
0x227: {  	v23 =	vld [tilespmem:s1+$0x60];
	v22 =	vor.u32 v0, v22  }
0x228: {  	v24 =	vadd.s32 v58, v24;
	v58 =	vld [tilespmem:s1+$0x8070]  }
0x229: {  	v25 =	vmul.u32 $0x13, v25;
	[tilespmem:v21+s21+$0x0] =	vst.idx.add.f32.msk $0xffff, v3  }
0x22a: {  	v26 =	vmul.u32 $0x13, v26;
	v27 =	vmul.u32 $0x13, v27;
	v21 =	vld [tilespmem:s1+$0x440]  }
0x22b: {  	v30 =	vmul.u32 $0x13, v30;
	v53 =	vmul.u32 $0x13, v53;
	v25 =	vadd.s32 v59, v25;
	v59 =	vld [tilespmem:s1+$0x8400]  }
0x22c: {  	v55 =	vmul.u32 $0x13, v55;
	v27 =	vadd.s32 v61, v27;
	v25 =	vshll.u32 v25, $0x4;
	[tilespmem:v22+s21+$0x0] =	vst.idx.add.f32.msk $0xffff, v3  }
0x22d: {  	v25 =	vor.u32 v0, v25;
	v22 =	vmul.u32 $0x13, v28;
	v28 =	vmul.u32 $0x13, v29;
	v29 =	vld [tilespmem:s1+$0x8060]  }
0x22e: {  	v56 =	vmul.u32 $0x13, v56;
	v31 =	vadd.s32 v60, v26;
	v26 =	vld [tilespmem:s1+$0x8410];
	v27 =	vshll.u32 v27, $0x4  }
0x22f: {  	v60 =	vld [tilespmem:s1+$0x8420];
	v27 =	vor.u32 v0, v27;
	v63 =	vmul.u32 $0x13, v21;
	v21 =	vshll.u32 v24, $0x4  }
0x230: {  	v61 =	vld [tilespmem:s1+$0x8430];
	v23 =	vmul.u32 $0x13, v23;
	v22 =	vadd.s32 v62, v22;
	v21 =	vor.u32 v0, v21  }
0x231: {  	v30 =	vadd.s32 v59, v30;
	v59 =	vld [tilespmem:s1+$0x8460];
	v28 =	vadd.s32 v58, v28;
	v22 =	vshll.u32 v22, $0x4  }
0x232: {  	[tilespmem:v25+s21+$0x0] =	vst.idx.add.f32.msk $0xffff, v3;
	v28 =	vshll.u32 v28, $0x4;
	v22 =	vor.u32 v0, v22;
	v23 =	vadd.s32 v29, v23  }
0x233: {  	v57 =	vmul.u32 $0x13, v57;
	v28 =	vor.u32 v0, v28;
	v29 =	vld [tilespmem:s1+$0x8440];
	v23 =	vshll.u32 v23, $0x4  }
0x234: {  	v26 =	vadd.s32 v26, v53;
	v58 =	vld [tilespmem:s1+$0x8450];
	v24 =	vshll.u32 v31, $0x4;
	v23 =	vor.u32 v0, v23  }
0x235: {  	v55 =	vadd.s32 v60, v55;
	v24 =	vor.u32 v0, v24;
	[tilespmem:v21+s21+$0x0] =	vst.idx.add.f32.msk $0xffff, v3;
	v21 =	vshll.u32 v30, $0x4  }
0x236: {  	v61 =	vadd.s32 v61, v56;
	[tilespmem:v27+s21+$0x0] =	vst.idx.add.f32.msk $0xffff, v3;
	v31 =	vor.u32 v0, v21;
	v21 =	vshll.u32 v26, $0x4  }
0x237: {  	v62 =	vmul.u32 $0x13, v54;
	[tilespmem:v22+s21+$0x0] =	vst.idx.add.f32.msk $0xffff, v3;
	v60 =	vor.u32 v0, v21;
	v21 =	vshll.u32 v55, $0x4  }
0x238: {  	[tilespmem:v28+s21+$0x0] =	vst.idx.add.f32.msk $0xffff, v3;
	v22 =	vadd.s32 v29, v63;
	v26 =	vshll.u32 v61, $0x4;
	v21 =	vor.u32 v0, v21  }
0x239: {  	v22 =	vshll.u32 v22, $0x4;
	[tilespmem:v23+s21+$0x0] =	vst.idx.add.f32.msk $0xffff, v3;
	v23 =	vadd.s32 v58, v57;
	v53 =	vor.u32 v0, v26  }
0x23a: {  	v63 =	vadd.s32 v59, v62;
	[tilespmem:v24+s21+$0x0] =	vst.idx.add.f32.msk $0xffff, v3;
	v54 =	vor.u32 v0, v22;
	v22 =	vshll.u32 v23, $0x4  }
0x23b: {  	v23 =	vshll.u32 v63, $0x4;
	v55 =	vor.u32 v0, v22;
	[tilespmem:v31+s21+$0x0] =	vst.idx.add.f32.msk $0xffff, v3  }
0x23c: {  	s29 =	simm.s32 $0x0;
	v56 =	vor.u32 v0, v23;
	[tilespmem:v60+s21+$0x0] =	vst.idx.add.f32.msk $0xffff, v3  }
.LBB2_8:
0x23d: {  	s29 =	sadd.s32 $0x10, s29;
	[tilespmem:v21+s21+$0x0] =	vst.idx.add.f32.msk $0xffff, v3  }
0x23e: {  	s0 =	sadd.s32 $0x800, s0;
	s1 =	sshll.u32 s29, $0x4;
	p2 =	slt.u32 s29, $0x3F0;
	[tilespmem:v53+s21+$0x0] =	vst.idx.add.f32.msk $0xffff, v3  }
0x23f: {  	s12 =	sand.u32 $0x800, s0;
	s30 =	sshll.u32 s29, $0x2;
	s1 =	sand.u32 $0x3000, s1;
	[tilespmem:v54+s21+$0x0] =	vst.idx.add.f32.msk $0xffff, v3  }
0x240: {  	s1 =	sor.u32 s12, s1;
	s12 =	sand.u32 $0x380, s30;
	[tilespmem:v55+s21+$0x0] =	vst.idx.add.f32.msk $0xffff, v3  }
0x241: {  	s1 =	sor.u32 s12, s1;
	[tilespmem:v56+s21+$0x0] =	vst.idx.add.f32.msk $0xffff, v3  }
0x242: {  	v21 =	vld [tilespmem:s1+$0x470]  }
0x243: {  	v22 =	vld [tilespmem:s1+$0x0]  }
0x244: {  	v23 =	vld [tilespmem:s1+$0x8470]  }
0x245: {  	v24 =	vld [tilespmem:s1+$0x10]  }
0x246: {  	v25 =	vld [tilespmem:s1+$0x20]  }
0x247: {  	v26 =	vld [tilespmem:s1+$0x30];
	v21 =	vmul.u32 $0x13, v21  }
0x248: {  	v22 =	vmul.u32 $0x13, v22;
	v27 =	vld [tilespmem:s1+$0x40]  }
0x249: {  	v28 =	vld [tilespmem:s1+$0x50];
	v21 =	vadd.s32 v23, v21  }
0x24a: {  	v23 =	vmul.u32 $0x13, v24;
	v24 =	vld [tilespmem:s1+$0x60];
	v21 =	vshll.u32 v21, $0x4  }
0x24b: {  	v25 =	vmul.u32 $0x13, v25;
	v29 =	vld [tilespmem:s1+$0x70];
	v21 =	vor.u32 v0, v21  }
0x24c: {  	v26 =	vmul.u32 $0x13, v26;
	v30 =	vld [tilespmem:s1+$0x400]  }
0x24d: {  	v27 =	vmul.u32 $0x13, v27;
	v53 =	vld [tilespmem:s1+$0x410]  }
0x24e: {  	v28 =	vmul.u32 $0x13, v28;
	v54 =	vld [tilespmem:s1+$0x420]  }
0x24f: {  	v24 =	vmul.u32 $0x13, v24;
	v55 =	vld [tilespmem:s1+$0x430]  }
0x250: {  	v29 =	vmul.u32 $0x13, v29;
	[tilespmem:v21+s21+$0x0] =	vst.idx.add.f32.msk $0xffff, v3  }
0x251: {  	v21 =	vmul.u32 $0x13, v30;
	v30 =	vld [tilespmem:s1+$0x440]  }
0x252: {  	v53 =	vmul.u32 $0x13, v53;
	v56 =	vld [tilespmem:s1+$0x450]  }
0x253: {  	v54 =	vmul.u32 $0x13, v54;
	v57 =	vld [tilespmem:s1+$0x460]  }
0x254: {  	v58 =	vld [tilespmem:s1+$0x8000];
	v55 =	vmul.u32 $0x13, v55  }
0x255: {  	v59 =	vld [tilespmem:s1+$0x8010]  }
0x256: {  	v60 =	vld [tilespmem:s1+$0x8020];
	v30 =	vmul.u32 $0x13, v30  }
0x257: {  	v61 =	vld [tilespmem:s1+$0x8030];
	v56 =	vmul.u32 $0x13, v56  }
0x258: {  	v62 =	vld [tilespmem:s1+$0x8040];
	v57 =	vmul.u32 $0x13, v57  }
0x259: {  	v22 =	vadd.s32 v58, v22;
	v58 =	vld [tilespmem:s1+$0x8050]  }
0x25a: {  	v22 =	vshll.u32 v22, $0x4;
	v23 =	vadd.s32 v59, v23;
	v59 =	vld [tilespmem:s1+$0x8060]  }
0x25b: {  	v22 =	vor.u32 v0, v22;
	v23 =	vshll.u32 v23, $0x4;
	v25 =	vadd.s32 v60, v25;
	v60 =	vld [tilespmem:s1+$0x8070]  }
0x25c: {  	v23 =	vor.u32 v0, v23;
	v25 =	vshll.u32 v25, $0x4;
	v26 =	vadd.s32 v61, v26;
	v61 =	vld [tilespmem:s1+$0x8400]  }
0x25d: {  	v25 =	vor.u32 v0, v25;
	v26 =	vshll.u32 v26, $0x4;
	v27 =	vadd.s32 v62, v27;
	v62 =	vld [tilespmem:s1+$0x8410]  }
0x25e: {  	v26 =	vor.u32 v0, v26;
	v27 =	vshll.u32 v27, $0x4;
	v28 =	vadd.s32 v58, v28;
	v58 =	vld [tilespmem:s1+$0x8420]  }
0x25f: {  	v27 =	vor.u32 v0, v27;
	v28 =	vshll.u32 v28, $0x4;
	v24 =	vadd.s32 v59, v24;
	v59 =	vld [tilespmem:s1+$0x8430]  }
0x260: {  	v28 =	vor.u32 v0, v28;
	v24 =	vshll.u32 v24, $0x4;
	v29 =	vadd.s32 v60, v29;
	v60 =	vld [tilespmem:s1+$0x8440]  }
0x261: {  	v24 =	vor.u32 v0, v24;
	v29 =	vshll.u32 v29, $0x4;
	v21 =	vadd.s32 v61, v21;
	v61 =	vld [tilespmem:s1+$0x8450]  }
0x262: {  	v29 =	vor.u32 v0, v29;
	v21 =	vshll.u32 v21, $0x4;
	v53 =	vadd.s32 v62, v53;
	v62 =	vld [tilespmem:s1+$0x8460]  }
0x263: {  	[tilespmem:v22+s21+$0x0] =	vst.idx.add.f32.msk $0xffff, v3;
	v22 =	vor.u32 v0, v21;
	v21 =	vshll.u32 v53, $0x4;
	v53 =	vadd.s32 v58, v54  }
0x264: {  	[tilespmem:v23+s21+$0x0] =	vst.idx.add.f32.msk $0xffff, v3;
	v23 =	vor.u32 v0, v21;
	v21 =	vshll.u32 v53, $0x4;
	v53 =	vadd.s32 v59, v55  }
0x265: {  	[tilespmem:v25+s21+$0x0] =	vst.idx.add.f32.msk $0xffff, v3;
	v21 =	vor.u32 v0, v21;
	v25 =	vshll.u32 v53, $0x4;
	v30 =	vadd.s32 v60, v30  }
0x266: {  	[tilespmem:v26+s21+$0x0] =	vst.idx.add.f32.msk $0xffff, v3;
	v53 =	vor.u32 v0, v25;
	v25 =	vshll.u32 v30, $0x4;
	v26 =	vadd.s32 v61, v56  }
0x267: {  	[tilespmem:v27+s21+$0x0] =	vst.idx.add.f32.msk $0xffff, v3;
	v54 =	vor.u32 v0, v25;
	v25 =	vshll.u32 v26, $0x4;
	v26 =	vadd.s32 v62, v57  }
.Ltmp5:
0x268: {  	[tilespmem:v28+s21+$0x0] =	vst.idx.add.f32.msk $0xffff, v3;
	v55 =	vor.u32 v0, v25;
	v25 =	vshll.u32 v26, $0x4;
	(pc) =	sbr.rel @p2 .LBB2_8-.Ltmp5, $4  }
0x269: {  	[tilespmem:v24+s21+$0x0] =	vst.idx.add.f32.msk $0xffff, v3;
	v56 =	vor.u32 v0, v25  }
0x26a: {  	[tilespmem:v29+s21+$0x0] =	vst.idx.add.f32.msk $0xffff, v3  }
0x26b: {  	[tilespmem:v22+s21+$0x0] =	vst.idx.add.f32.msk $0xffff, v3  }
0x26c: {  	[tilespmem:v23+s21+$0x0] =	vst.idx.add.f32.msk $0xffff, v3  }
0x26d: {  	_ =	sdelay $0x3  }
0x26e: {  	[tilespmem:v21+s21+$0x0] =	vst.idx.add.f32.msk $0xffff, v3  }
0x26f: {  	[tilespmem:v53+s21+$0x0] =	vst.idx.add.f32.msk $0xffff, v3  }
0x270: {  	[tilespmem:v54+s21+$0x0] =	vst.idx.add.f32.msk $0xffff, v3  }
0x271: {  	[tilespmem:v55+s21+$0x0] =	vst.idx.add.f32.msk $0xffff, v3  }
0x272: {  	[tilespmem:v56+s21+$0x0] =	vst.idx.add.f32.msk $0xffff, v3  }
0x273: {  	_ =	swait.ge [sflag:s22], $0x4000  }
0x274: {  	s29 =	simm.s32 $0x0;
	[sflag:s22] =	ssyncset.done $0x0  }
0x275: {  	s0 =	simm.s32 $0x0;
	s12 =	simm.s32 $0x0;
	[sflag:s22] =	ssyncadd.s32 $0xFFFFC000  }
0x276: {  	s0 =	sand.u32 $0x3000, s0;
	s1 =	sand.u32 $0x800, s29;
	_ =	swait.ge [sflag:s23], $0x4000  }
0x277: {  	s12 =	sand.u32 $0x380, s12;
	s0 =	sor.u32 s1, s0;
	[sflag:s23] =	ssyncset.done $0x0  }
0x278: {  	s0 =	sor.u32 s12, s0;
	[sflag:s23] =	ssyncadd.s32 $0xFFFFC000  }
0x279: {  	v21 =	vld [tilespmem:s0+$0x4470]  }
0x27a: {  	v22 =	vld [tilespmem:s0+$0x4000]  }
0x27b: {  	v23 =	vld [tilespmem:s0+$0xC470]  }
0x27c: {  	v24 =	vld [tilespmem:s0+$0x4010]  }
0x27d: {  	v25 =	vld [tilespmem:s0+$0x4020]  }
0x27e: {  	v26 =	vld [tilespmem:s0+$0x4030]  }
0x27f: {  	v27 =	vld [tilespmem:s0+$0x4040]  }
0x280: {  	v28 =	vld [tilespmem:s0+$0x4050]  }
0x281: {  	v29 =	vld [tilespmem:s0+$0x4070]  }
0x282: {  	v30 =	vld [tilespmem:s0+$0x4400]  }
0x283: {  	v53 =	vld [tilespmem:s0+$0x4410]  }
0x284: {  	v63 =	vld [tilespmem:s0+$0xC000]  }
0x285: {  	v55 =	vld [tilespmem:s0+$0x4420]  }
0x286: {  	v56 =	vld [tilespmem:s0+$0x4430]  }
0x287: {  	v57 =	vld [tilespmem:s0+$0x4450];
	v21 =	vmul.u32 $0x13, v21  }
0x288: {  	v54 =	vld [tilespmem:s0+$0x4460]  }
0x289: {  	v58 =	vld [tilespmem:s0+$0xC010];
	v21 =	vadd.s32 v23, v21  }
0x28a: {  	v59 =	vld [tilespmem:s0+$0xC020];
	v22 =	vmul.u32 $0x13, v22;
	v21 =	vshll.u32 v21, $0x4  }
0x28b: {  	v60 =	vld [tilespmem:s0+$0xC030];
	v21 =	vor.u32 v0, v21  }
0x28c: {  	v61 =	vld [tilespmem:s0+$0xC040];
	v22 =	vadd.s32 v63, v22  }
0x28d: {  	v62 =	vld [tilespmem:s0+$0xC050];
	v24 =	vmul.u32 $0x13, v24;
	v22 =	vshll.u32 v22, $0x4  }
0x28e: {  	v23 =	vld [tilespmem:s0+$0x4060];
	v22 =	vor.u32 v0, v22  }
0x28f: {  	v24 =	vadd.s32 v58, v24;
	v58 =	vld [tilespmem:s0+$0xC070]  }
0x290: {  	v25 =	vmul.u32 $0x13, v25;
	[tilespmem:v21+s21+$0x0] =	vst.idx.add.f32.msk $0xffff, v3  }
0x291: {  	v26 =	vmul.u32 $0x13, v26;
	v27 =	vmul.u32 $0x13, v27;
	v21 =	vld [tilespmem:s0+$0x4440]  }
0x292: {  	v30 =	vmul.u32 $0x13, v30;
	v53 =	vmul.u32 $0x13, v53;
	v25 =	vadd.s32 v59, v25;
	v59 =	vld [tilespmem:s0+$0xC400]  }
0x293: {  	v55 =	vmul.u32 $0x13, v55;
	v27 =	vadd.s32 v61, v27;
	v25 =	vshll.u32 v25, $0x4;
	[tilespmem:v22+s21+$0x0] =	vst.idx.add.f32.msk $0xffff, v3  }
0x294: {  	v25 =	vor.u32 v0, v25;
	v22 =	vmul.u32 $0x13, v28;
	v28 =	vmul.u32 $0x13, v29;
	v29 =	vld [tilespmem:s0+$0xC060]  }
0x295: {  	v56 =	vmul.u32 $0x13, v56;
	v31 =	vadd.s32 v60, v26;
	v26 =	vld [tilespmem:s0+$0xC410];
	v27 =	vshll.u32 v27, $0x4  }
0x296: {  	v60 =	vld [tilespmem:s0+$0xC420];
	v27 =	vor.u32 v0, v27;
	v63 =	vmul.u32 $0x13, v21;
	v21 =	vshll.u32 v24, $0x4  }
0x297: {  	v61 =	vld [tilespmem:s0+$0xC430];
	v23 =	vmul.u32 $0x13, v23;
	v22 =	vadd.s32 v62, v22;
	v21 =	vor.u32 v0, v21  }
0x298: {  	v30 =	vadd.s32 v59, v30;
	v59 =	vld [tilespmem:s0+$0xC460];
	v28 =	vadd.s32 v58, v28;
	v22 =	vshll.u32 v22, $0x4  }
0x299: {  	[tilespmem:v25+s21+$0x0] =	vst.idx.add.f32.msk $0xffff, v3;
	v28 =	vshll.u32 v28, $0x4;
	v22 =	vor.u32 v0, v22;
	v23 =	vadd.s32 v29, v23  }
0x29a: {  	v57 =	vmul.u32 $0x13, v57;
	v28 =	vor.u32 v0, v28;
	v29 =	vld [tilespmem:s0+$0xC440];
	v23 =	vshll.u32 v23, $0x4  }
0x29b: {  	v26 =	vadd.s32 v26, v53;
	v58 =	vld [tilespmem:s0+$0xC450];
	v24 =	vshll.u32 v31, $0x4;
	v23 =	vor.u32 v0, v23  }
0x29c: {  	v55 =	vadd.s32 v60, v55;
	v24 =	vor.u32 v0, v24;
	[tilespmem:v21+s21+$0x0] =	vst.idx.add.f32.msk $0xffff, v3;
	v21 =	vshll.u32 v30, $0x4  }
0x29d: {  	v61 =	vadd.s32 v61, v56;
	[tilespmem:v27+s21+$0x0] =	vst.idx.add.f32.msk $0xffff, v3;
	v31 =	vor.u32 v0, v21;
	v21 =	vshll.u32 v26, $0x4  }
0x29e: {  	v62 =	vmul.u32 $0x13, v54;
	[tilespmem:v22+s21+$0x0] =	vst.idx.add.f32.msk $0xffff, v3;
	v60 =	vor.u32 v0, v21;
	v21 =	vshll.u32 v55, $0x4  }
0x29f: {  	[tilespmem:v28+s21+$0x0] =	vst.idx.add.f32.msk $0xffff, v3;
	v22 =	vadd.s32 v29, v63;
	v26 =	vshll.u32 v61, $0x4;
	v21 =	vor.u32 v0, v21  }
0x2a0: {  	v22 =	vshll.u32 v22, $0x4;
	[tilespmem:v23+s21+$0x0] =	vst.idx.add.f32.msk $0xffff, v3;
	v23 =	vadd.s32 v58, v57;
	v53 =	vor.u32 v0, v26  }
0x2a1: {  	v63 =	vadd.s32 v59, v62;
	[tilespmem:v24+s21+$0x0] =	vst.idx.add.f32.msk $0xffff, v3;
	v54 =	vor.u32 v0, v22;
	v22 =	vshll.u32 v23, $0x4  }
0x2a2: {  	v23 =	vshll.u32 v63, $0x4;
	v55 =	vor.u32 v0, v22;
	[tilespmem:v31+s21+$0x0] =	vst.idx.add.f32.msk $0xffff, v3  }
0x2a3: {  	s30 =	simm.s32 $0x0;
	s1 =	simm.s32 $0x0;
	v56 =	vor.u32 v0, v23;
	[tilespmem:v60+s21+$0x0] =	vst.idx.add.f32.msk $0xffff, v3  }
.LBB2_10:
0x2a4: {  	s30 =	sadd.s32 $0x10, s30;
	[tilespmem:v21+s21+$0x0] =	vst.idx.add.f32.msk $0xffff, v3  }
0x2a5: {  	s1 =	sadd.s32 $0x800, s1;
	s0 =	sshll.u32 s30, $0x4;
	p2 =	slt.u32 s30, $0x3F0;
	[tilespmem:v53+s21+$0x0] =	vst.idx.add.f32.msk $0xffff, v3  }
0x2a6: {  	s12 =	sand.u32 $0x800, s1;
	s3 =	sshll.u32 s30, $0x2;
	s0 =	sand.u32 $0x3000, s0;
	[tilespmem:v54+s21+$0x0] =	vst.idx.add.f32.msk $0xffff, v3  }
0x2a7: {  	s3 =	sand.u32 $0x380, s3;
	s0 =	sor.u32 s12, s0;
	[tilespmem:v55+s21+$0x0] =	vst.idx.add.f32.msk $0xffff, v3  }
0x2a8: {  	s12 =	sor.u32 s3, s0;
	[tilespmem:v56+s21+$0x0] =	vst.idx.add.f32.msk $0xffff, v3  }
0x2a9: {  	v21 =	vld [tilespmem:s12+$0x4470]  }
0x2aa: {  	v22 =	vld [tilespmem:s12+$0x4000]  }
0x2ab: {  	v23 =	vld [tilespmem:s12+$0xC470]  }
0x2ac: {  	v24 =	vld [tilespmem:s12+$0x4010]  }
0x2ad: {  	v25 =	vld [tilespmem:s12+$0x4020]  }
0x2ae: {  	v26 =	vld [tilespmem:s12+$0x4030];
	v21 =	vmul.u32 $0x13, v21  }
0x2af: {  	v22 =	vmul.u32 $0x13, v22;
	v27 =	vld [tilespmem:s12+$0x4040]  }
0x2b0: {  	v28 =	vld [tilespmem:s12+$0x4050];
	v21 =	vadd.s32 v23, v21  }
0x2b1: {  	v23 =	vmul.u32 $0x13, v24;
	v24 =	vld [tilespmem:s12+$0x4060];
	v21 =	vshll.u32 v21, $0x4  }
0x2b2: {  	v25 =	vmul.u32 $0x13, v25;
	v29 =	vld [tilespmem:s12+$0x4070];
	v21 =	vor.u32 v0, v21  }
0x2b3: {  	v26 =	vmul.u32 $0x13, v26;
	v30 =	vld [tilespmem:s12+$0x4400]  }
0x2b4: {  	v27 =	vmul.u32 $0x13, v27;
	v53 =	vld [tilespmem:s12+$0x4410]  }
0x2b5: {  	v28 =	vmul.u32 $0x13, v28;
	v54 =	vld [tilespmem:s12+$0x4420]  }
0x2b6: {  	v24 =	vmul.u32 $0x13, v24;
	v55 =	vld [tilespmem:s12+$0x4430]  }
0x2b7: {  	s0 =	simm.s32 $0x11700;
	v29 =	vmul.u32 $0x13, v29;
	[tilespmem:v21+s21+$0x0] =	vst.idx.add.f32.msk $0xffff, v3  }
0x2b8: {  	v21 =	vmul.u32 $0x13, v30;
	v30 =	vld [tilespmem:s12+$0x4440]  }
0x2b9: {  	v53 =	vmul.u32 $0x13, v53;
	v56 =	vld [tilespmem:s12+$0x4450]  }
0x2ba: {  	v54 =	vmul.u32 $0x13, v54;
	v57 =	vld [tilespmem:s12+$0x4460]  }
0x2bb: {  	v58 =	vld [tilespmem:s12+$0xC000];
	v55 =	vmul.u32 $0x13, v55  }
0x2bc: {  	v59 =	vld [tilespmem:s12+$0xC010]  }
0x2bd: {  	v60 =	vld [tilespmem:s12+$0xC020];
	v30 =	vmul.u32 $0x13, v30  }
0x2be: {  	v61 =	vld [tilespmem:s12+$0xC030];
	v56 =	vmul.u32 $0x13, v56  }
0x2bf: {  	v62 =	vld [tilespmem:s12+$0xC040];
	v57 =	vmul.u32 $0x13, v57  }
0x2c0: {  	v22 =	vadd.s32 v58, v22;
	v58 =	vld [tilespmem:s12+$0xC050]  }
0x2c1: {  	v22 =	vshll.u32 v22, $0x4;
	v23 =	vadd.s32 v59, v23;
	v59 =	vld [tilespmem:s12+$0xC060]  }
0x2c2: {  	v22 =	vor.u32 v0, v22;
	v23 =	vshll.u32 v23, $0x4;
	v25 =	vadd.s32 v60, v25;
	v60 =	vld [tilespmem:s12+$0xC070]  }
0x2c3: {  	v23 =	vor.u32 v0, v23;
	v25 =	vshll.u32 v25, $0x4;
	v26 =	vadd.s32 v61, v26;
	v61 =	vld [tilespmem:s12+$0xC400]  }
0x2c4: {  	v25 =	vor.u32 v0, v25;
	v26 =	vshll.u32 v26, $0x4;
	v27 =	vadd.s32 v62, v27;
	v62 =	vld [tilespmem:s12+$0xC410]  }
0x2c5: {  	v26 =	vor.u32 v0, v26;
	v27 =	vshll.u32 v27, $0x4;
	v28 =	vadd.s32 v58, v28;
	v58 =	vld [tilespmem:s12+$0xC420]  }
0x2c6: {  	v27 =	vor.u32 v0, v27;
	v28 =	vshll.u32 v28, $0x4;
	v24 =	vadd.s32 v59, v24;
	v59 =	vld [tilespmem:s12+$0xC430]  }
0x2c7: {  	v28 =	vor.u32 v0, v28;
	v24 =	vshll.u32 v24, $0x4;
	v29 =	vadd.s32 v60, v29;
	v60 =	vld [tilespmem:s12+$0xC440]  }
0x2c8: {  	v24 =	vor.u32 v0, v24;
	v29 =	vshll.u32 v29, $0x4;
	v21 =	vadd.s32 v61, v21;
	v61 =	vld [tilespmem:s12+$0xC450]  }
0x2c9: {  	v29 =	vor.u32 v0, v29;
	v21 =	vshll.u32 v21, $0x4;
	v53 =	vadd.s32 v62, v53;
	v62 =	vld [tilespmem:s12+$0xC460]  }
0x2ca: {  	[tilespmem:v22+s21+$0x0] =	vst.idx.add.f32.msk $0xffff, v3;
	v22 =	vor.u32 v0, v21;
	v21 =	vshll.u32 v53, $0x4;
	v53 =	vadd.s32 v58, v54  }
0x2cb: {  	[tilespmem:v23+s21+$0x0] =	vst.idx.add.f32.msk $0xffff, v3;
	v23 =	vor.u32 v0, v21;
	v21 =	vshll.u32 v53, $0x4;
	v53 =	vadd.s32 v59, v55  }
0x2cc: {  	[tilespmem:v25+s21+$0x0] =	vst.idx.add.f32.msk $0xffff, v3;
	v21 =	vor.u32 v0, v21;
	v25 =	vshll.u32 v53, $0x4;
	v30 =	vadd.s32 v60, v30  }
0x2cd: {  	[tilespmem:v26+s21+$0x0] =	vst.idx.add.f32.msk $0xffff, v3;
	v53 =	vor.u32 v0, v25;
	v25 =	vshll.u32 v30, $0x4;
	v26 =	vadd.s32 v61, v56  }
0x2ce: {  	[tilespmem:v27+s21+$0x0] =	vst.idx.add.f32.msk $0xffff, v3;
	v54 =	vor.u32 v0, v25;
	v25 =	vshll.u32 v26, $0x4;
	v26 =	vadd.s32 v62, v57  }
.Ltmp6:
0x2cf: {  	[tilespmem:v28+s21+$0x0] =	vst.idx.add.f32.msk $0xffff, v3;
	v55 =	vor.u32 v0, v25;
	v25 =	vshll.u32 v26, $0x4;
	(pc) =	sbr.rel @p2 .LBB2_10-.Ltmp6, $4  }
0x2d0: {  	[tilespmem:v24+s21+$0x0] =	vst.idx.add.f32.msk $0xffff, v3;
	v56 =	vor.u32 v0, v25  }
0x2d1: {  	[tilespmem:v29+s21+$0x0] =	vst.idx.add.f32.msk $0xffff, v3  }
0x2d2: {  	[tilespmem:v22+s21+$0x0] =	vst.idx.add.f32.msk $0xffff, v3  }
0x2d3: {  	[tilespmem:v23+s21+$0x0] =	vst.idx.add.f32.msk $0xffff, v3  }
0x2d4: {  	_ =	sdelay $0x2  }
0x2d5: {  	v22 =	vor.u32 s29, v1  }
0x2d6: {  	[tilespmem:v21+s21+$0x0] =	vst.idx.add.f32.msk $0xffff, v3;
	v21 =	vand.u32 v4, v22  }
0x2d7: {  	[tilespmem:v53+s21+$0x0] =	vst.idx.add.f32.msk $0xffff, v3  }
0x2d8: {  	[tilespmem:v54+s21+$0x0] =	vst.idx.add.f32.msk $0xffff, v3;
	v22 =	vor.u32 s29, v5  }
0x2d9: {  	[tilespmem:v55+s21+$0x0] =	vst.idx.add.f32.msk $0xffff, v3  }
0x2da: {  	[tilespmem:v56+s21+$0x0] =	vst.idx.add.f32.msk $0xffff, v3;
	v23 =	vor.u32 s29, v6  }
0x2db: {  	v21 =	vld.idx.msk [tilespmem:v21+s21+$0x0], $0xffff  }
0x2dc: {  	v24 =	vor.u32 s29, v7  }
0x2dd: {  	v22 =	vld.idx.msk [tilespmem:v22+s21+$0x0], $0xffff  }
0x2de: {  	v25 =	vor.u32 s29, v8  }
0x2df: {  	v26 =	vor.u32 s29, v9;
	v23 =	vld.idx.msk [tilespmem:v23+s21+$0x0], $0xffff  }
0x2e0: {  	v28 =	vor.u32 s29, v11;
	v21 =	vadd.f32 $0.0e+00, v21  }
0x2e1: {  	v29 =	vor.u32 s29, v12;
	v24 =	vld.idx.msk [tilespmem:v24+s21+$0x0], $0xffff  }
0x2e2: {  	v27 =	vor.u32 s29, v10;
	s12 =	simm.s32 $0x100;
	v21 =	vadd.f32 v22, v21  }
0x2e3: {  	v57 =	vor.u32 s29, v13;
	v30 =	vor.u32 s12, v1;
	v22 =	vld.idx.msk [tilespmem:v25+s21+$0x0], $0xffff  }
0x2e4: {  	v56 =	vand.u32 v4, v30;
	v26 =	vld.idx.msk [tilespmem:v26+s21+$0x0], $0xffff;
	v21 =	vadd.f32 v23, v21  }
0x2e5: {  	v62 =	vor.u32 s29, v16;
	v28 =	vld.idx.msk [tilespmem:v28+s21+$0x0], $0xffff  }
0x2e6: {  	v58 =	vor.u32 s12, v5;
	v29 =	vld.idx.msk [tilespmem:v29+s21+$0x0], $0xffff;
	v21 =	vadd.f32 v24, v21  }
0x2e7: {  	v59 =	vor.u32 s29, v14;
	v23 =	vld.idx.msk [tilespmem:v27+s21+$0x0], $0xffff  }
0x2e8: {  	v60 =	vor.u32 s12, v6;
	v30 =	vld.idx.msk [tilespmem:v57+s21+$0x0], $0xffff;
	v21 =	vadd.f32 v22, v21  }
0x2e9: {  	v61 =	vor.u32 s29, v15;
	v25 =	vld.idx.msk [tilespmem:v56+s21+$0x0], $0xffff  }
0x2ea: {  	v55 =	vld.idx.msk [tilespmem:v62+s21+$0x0], $0xffff;
	v22 =	vor.u32 s12, v7;
	v21 =	vadd.f32 v26, v21  }
0x2eb: {  	v62 =	vor.u32 s29, v20;
	v27 =	vld.idx.msk [tilespmem:v58+s21+$0x0], $0xffff  }
0x2ec: {  	v63 =	vor.u32 s12, v8;
	v53 =	vld.idx.msk [tilespmem:v59+s21+$0x0], $0xffff;
	v21 =	vadd.f32 v23, v21  }
0x2ed: {  	v58 =	vor.u32 s12, v12;
	v24 =	vld.idx.msk [tilespmem:v60+s21+$0x0], $0xffff  }
0x2ee: {  	v54 =	vld.idx.msk [tilespmem:v61+s21+$0x0], $0xffff;
	v25 =	vadd.f32 $0.0e+00, v25;
	v23 =	vor.u32 s12, v9;
	v21 =	vadd.f32 v28, v21  }
0x2ef: {  	v57 =	vor.u32 s29, v19;
	v60 =	vor.u32 s29, v17;
	v22 =	vld.idx.msk [tilespmem:v22+s21+$0x0], $0xffff  }
0x2f0: {  	v61 =	vor.u32 s12, v10;
	s29 =	simm.s32 $0x200;
	v25 =	vadd.f32 v27, v25;
	v27 =	vld.idx.msk [tilespmem:v62+s21+$0x0], $0xffff;
	v21 =	vadd.f32 v29, v21  }
0x2f1: {  	v59 =	vor.u32 s29, v1;
	v26 =	vld.idx.msk [tilespmem:v63+s21+$0x0], $0xffff  }
0x2f2: {  	v58 =	vld.idx.msk [tilespmem:v58+s21+$0x0], $0xffff;
	v63 =	vor.u32 s12, v11;
	v24 =	vadd.f32 v24, v25;
	v21 =	vadd.f32 v30, v21  }
0x2f3: {  	v25 =	vand.u32 v4, v59;
	v23 =	vld.idx.msk [tilespmem:v23+s21+$0x0], $0xffff  }
0x2f4: {  	v56 =	vld.idx.msk [tilespmem:v60+s21+$0x0], $0xffff;
	v60 =	vor.u32 s12, v13;
	v22 =	vadd.f32 v22, v24;
	v21 =	vadd.f32 v53, v21  }
0x2f5: {  	v62 =	vor.u32 s12, v14;
	v24 =	vld.idx.msk [tilespmem:v61+s21+$0x0], $0xffff  }
0x2f6: {  	v30 =	vld.idx.msk [tilespmem:v57+s21+$0x0], $0xffff;
	v61 =	vor.u32 s29, v5;
	v22 =	vadd.f32 v26, v22;
	v21 =	vadd.f32 v54, v21  }
0x2f7: {  	v26 =	vld.idx.msk [tilespmem:v63+s21+$0x0], $0xffff;
	v63 =	vor.u32 s29, v6  }
0x2f8: {  	v25 =	vld.idx.msk [tilespmem:v25+s21+$0x0], $0xffff;
	v22 =	vadd.f32 v23, v22;
	v23 =	vor.u32 s12, v15;
	v21 =	vadd.f32 v55, v21  }
0x2f9: {  	v28 =	vld.idx.msk [tilespmem:v60+s21+$0x0], $0xffff;
	v55 =	vor.u32 s29, v7  }
0x2fa: {  	v29 =	vld.idx.msk [tilespmem:v62+s21+$0x0], $0xffff;
	v22 =	vadd.f32 v24, v22;
	v24 =	vor.u32 s12, v16;
	v21 =	vadd.f32 v56, v21  }
0x2fb: {  	v59 =	vld.idx.msk [tilespmem:v61+s21+$0x0], $0xffff;
	v56 =	vor.u32 s29, v8  }
0x2fc: {  	v62 =	vld.idx.msk [tilespmem:v63+s21+$0x0], $0xffff;
	v22 =	vadd.f32 v26, v22;
	v26 =	vor.u32 s12, v17;
	v21 =	vadd.f32 v30, v21  }
0x2fd: {  	v53 =	vld.idx.msk [tilespmem:v23+s21+$0x0], $0xffff;
	v23 =	vadd.f32 $0.0e+00, v25;
	v30 =	vor.u32 s29, v9  }
0x2fe: {  	v22 =	vadd.f32 v58, v22;
	v57 =	vld.idx.msk [tilespmem:v55+s21+$0x0], $0xffff;
	v25 =	vadd.f32 v27, v21;
	v21 =	vor.u32 s12, v19  }
0x2ff: {  	v61 =	vor.u32 s29, v10;
	v54 =	vld.idx.msk [tilespmem:v24+s21+$0x0], $0xffff  }
0x300: {  	v63 =	vor.u32 s12, v20;
	v24 =	vadd.f32 v59, v23;
	v31 =	vadd.f32 v28, v22;
	v59 =	vld.idx.msk [tilespmem:v56+s21+$0x0], $0xffff  }
0x301: {  	s1 =	simm.s32 $0x300;
	v60 =	vor.u32 s29, v11;
	v58 =	vor.u32 s29, v12;
	v55 =	vld.idx.msk [tilespmem:v26+s21+$0x0], $0xffff  }
0x302: {  	v23 =	vor.u32 s1, v1;
	s12 =	simm.s32 $0x400;
	v22 =	vadd.f32 v62, v24;
	[tilespmem:s0+$0x0] =	vst v25;
	v56 =	vadd.f32 v29, v31;
	v62 =	vld.idx.msk [tilespmem:v30+s21+$0x0], $0xffff  }
.LBB2_12:
0x303: {  	p2 =	sne.s32 s12, $0x1600;
	v23 =	vand.u32 v4, v23;
	v21 =	vld.idx.msk [tilespmem:v21+s21+$0x0], $0xffff  }
0x304: {  	v25 =	vor.u32 s29, v13;
	v22 =	vadd.f32 v57, v22;
	v24 =	vld.idx.msk [tilespmem:v61+s21+$0x0], $0xffff;
	v26 =	vadd.f32 v53, v56  }
0x305: {  	v27 =	vor.u32 s1, v5;
	v28 =	vld.idx.msk [tilespmem:v63+s21+$0x0], $0xffff  }
0x306: {  	v30 =	vor.u32 s29, v14;
	v22 =	vadd.f32 v59, v22;
	v29 =	vld.idx.msk [tilespmem:v60+s21+$0x0], $0xffff;
	v26 =	vadd.f32 v54, v26  }
0x307: {  	v53 =	vor.u32 s1, v6;
	v54 =	vld.idx.msk [tilespmem:v58+s21+$0x0], $0xffff  }
0x308: {  	v56 =	vor.u32 s29, v15;
	v23 =	vld.idx.msk [tilespmem:v23+s21+$0x0], $0xffff;
	v22 =	vadd.f32 v62, v22;
	v26 =	vadd.f32 v55, v26  }
0x309: {  	v55 =	vor.u32 s1, v7;
	v25 =	vld.idx.msk [tilespmem:v25+s21+$0x0], $0xffff  }
0x30a: {  	v27 =	vld.idx.msk [tilespmem:v27+s21+$0x0], $0xffff;
	v22 =	vadd.f32 v24, v22;
	v24 =	vor.u32 s29, v16;
	v21 =	vadd.f32 v21, v26  }
0x30b: {  	v26 =	vor.u32 s1, v8;
	v30 =	vld.idx.msk [tilespmem:v30+s21+$0x0], $0xffff  }
0x30c: {  	v62 =	vld.idx.msk [tilespmem:v53+s21+$0x0], $0xffff;
	v22 =	vadd.f32 v29, v22;
	v29 =	vor.u32 s29, v17;
	v28 =	vadd.f32 v28, v21  }
0x30d: {  	v31 =	vor.u32 s1, v9;
	s0 =	sadd.s32 $0x10, s0;
	v53 =	vld.idx.msk [tilespmem:v56+s21+$0x0], $0xffff  }
.Ltmp7:
0x30e: {  	v21 =	vor.u32 s29, v19;
	v23 =	vadd.f32 $0.0e+00, v23;
	v57 =	vld.idx.msk [tilespmem:v55+s21+$0x0], $0xffff;
	v22 =	vadd.f32 v54, v22;
	[tilespmem:s0+$0x0] =	vst v28;
	(pc) =	sbr.rel @p2 .LBB2_12-.Ltmp7, $4  }
0x30f: {  	v61 =	vor.u32 s1, v10;
	v54 =	vld.idx.msk [tilespmem:v24+s21+$0x0], $0xffff  }
0x310: {  	v63 =	vor.u32 s29, v20;
	s29 =	smov.u32 s1;
	s1 =	smov.u32 s12;
	v24 =	vadd.f32 v27, v23;
	v59 =	vld.idx.msk [tilespmem:v26+s21+$0x0], $0xffff;
	v25 =	vadd.f32 v25, v22  }
0x311: {  	v60 =	vor.u32 s29, v11;
	v58 =	vor.u32 s29, v12;
	v55 =	vld.idx.msk [tilespmem:v29+s21+$0x0], $0xffff  }
0x312: {  	s12 =	sadd.s32 $0x100, s12;
	v23 =	vor.u32 s1, v1;
	v22 =	vadd.f32 v62, v24;
	v62 =	vld.idx.msk [tilespmem:v31+s21+$0x0], $0xffff;
	v56 =	vadd.f32 v30, v25  }
0x313: {  	v23 =	vand.u32 v4, v23;
	_ =	sdelay $0x1  }
0x314: {  	v24 =	vor.u32 s1, v5;
	_ =	sdelay $0x1  }
0x315: {  	v25 =	vor.u32 s1, v6  }
0x316: {  	v23 =	vld.idx.msk [tilespmem:v23+s21+$0x0], $0xffff  }
0x317: {  	v26 =	vor.u32 s1, v7  }
0x318: {  	v24 =	vld.idx.msk [tilespmem:v24+s21+$0x0], $0xffff  }
0x319: {  	v27 =	vor.u32 s1, v8  }
0x31a: {  	v25 =	vld.idx.msk [tilespmem:v25+s21+$0x0], $0xffff  }
0x31b: {  	v28 =	vor.u32 s1, v9;
	v23 =	vadd.f32 $0.0e+00, v23  }
0x31c: {  	v26 =	vld.idx.msk [tilespmem:v26+s21+$0x0], $0xffff  }
0x31d: {  	v21 =	vld.idx.msk [tilespmem:v21+s21+$0x0], $0xffff;
	v23 =	vadd.f32 v24, v23;
	v24 =	vor.u32 s1, v10  }
0x31e: {  	v27 =	vld.idx.msk [tilespmem:v27+s21+$0x0], $0xffff  }
0x31f: {  	v29 =	vld.idx.msk [tilespmem:v61+s21+$0x0], $0xffff;
	v23 =	vadd.f32 v25, v23;
	v25 =	vor.u32 s1, v11  }
0x320: {  	v22 =	vadd.f32 v57, v22;
	v28 =	vld.idx.msk [tilespmem:v28+s21+$0x0], $0xffff  }
0x321: {  	v30 =	vld.idx.msk [tilespmem:v63+s21+$0x0], $0xffff;
	v61 =	vor.u32 s1, v12;
	v23 =	vadd.f32 v26, v23  }
0x322: {  	v31 =	vor.u32 s29, v13;
	v22 =	vadd.f32 v59, v22;
	v24 =	vld.idx.msk [tilespmem:v24+s21+$0x0], $0xffff  }
0x323: {  	v57 =	vld.idx.msk [tilespmem:v60+s21+$0x0], $0xffff;
	v23 =	vadd.f32 v27, v23;
	v27 =	vor.u32 s1, v13  }
0x324: {  	v63 =	vor.u32 s29, v14;
	v22 =	vadd.f32 v62, v22;
	v25 =	vld.idx.msk [tilespmem:v25+s21+$0x0], $0xffff  }
0x325: {  	v58 =	vld.idx.msk [tilespmem:v58+s21+$0x0], $0xffff;
	v23 =	vadd.f32 v28, v23;
	v28 =	vor.u32 s1, v14  }
0x326: {  	v60 =	vor.u32 s29, v15;
	v22 =	vadd.f32 v29, v22;
	v26 =	vld.idx.msk [tilespmem:v61+s21+$0x0], $0xffff  }
0x327: {  	v31 =	vld.idx.msk [tilespmem:v31+s21+$0x0], $0xffff;
	v61 =	vor.u32 s1, v15;
	v23 =	vadd.f32 v24, v23  }
0x328: {  	v62 =	vor.u32 s29, v16;
	v22 =	vadd.f32 v57, v22;
	v27 =	vld.idx.msk [tilespmem:v27+s21+$0x0], $0xffff  }
0x329: {  	v59 =	vld.idx.msk [tilespmem:v63+s21+$0x0], $0xffff;
	v23 =	vadd.f32 v25, v23;
	v25 =	vor.u32 s1, v16  }
0x32a: {  	v63 =	vor.u32 s29, v17;
	v22 =	vadd.f32 v58, v22;
	v28 =	vld.idx.msk [tilespmem:v28+s21+$0x0], $0xffff  }
0x32b: {  	v29 =	vld.idx.msk [tilespmem:v60+s21+$0x0], $0xffff;
	v23 =	vadd.f32 v26, v23;
	v26 =	vor.u32 s1, v17  }
0x32c: {  	v60 =	vor.u32 s29, v19;
	v22 =	vadd.f32 v31, v22;
	v24 =	vld.idx.msk [tilespmem:v61+s21+$0x0], $0xffff  }
0x32d: {  	v57 =	vld.idx.msk [tilespmem:v62+s21+$0x0], $0xffff;
	v61 =	vor.u32 s1, v19;
	v23 =	vadd.f32 v27, v23  }
0x32e: {  	v62 =	vor.u32 s29, v20;
	v22 =	vadd.f32 v59, v22;
	v25 =	vld.idx.msk [tilespmem:v25+s21+$0x0], $0xffff  }
0x32f: {  	v53 =	vadd.f32 v53, v56;
	v56 =	vld.idx.msk [tilespmem:v63+s21+$0x0], $0xffff;
	v63 =	vor.u32 s1, v20;
	v23 =	vadd.f32 v28, v23  }
0x330: {  	v22 =	vadd.f32 v29, v22;
	v26 =	vld.idx.msk [tilespmem:v26+s21+$0x0], $0xffff  }
0x331: {  	v58 =	vadd.f32 v54, v53;
	v31 =	vld.idx.msk [tilespmem:v60+s21+$0x0], $0xffff;
	v23 =	vadd.f32 v24, v23  }
0x332: {  	v22 =	vadd.f32 v57, v22;
	v60 =	vld.idx.msk [tilespmem:v61+s21+$0x0], $0xffff  }
0x333: {  	v62 =	vld.idx.msk [tilespmem:v62+s21+$0x0], $0xffff;
	v61 =	vadd.f32 v55, v58;
	v23 =	vadd.f32 v25, v23  }
0x334: {  	v63 =	vld.idx.msk [tilespmem:v63+s21+$0x0], $0xffff;
	v22 =	vadd.f32 v56, v22  }
0x335: {  	v21 =	vadd.f32 v21, v61;
	v23 =	vadd.f32 v26, v23  }
0x336: {  	v22 =	vadd.f32 v31, v22  }
0x337: {  	v21 =	vadd.f32 v30, v21;
	v23 =	vadd.f32 v60, v23  }
0x338: {  	s0 =	sadd.s32 $0x10, s0;
	v22 =	vadd.f32 v62, v22  }
0x339: {  	[tilespmem:s0+$0x0] =	vst v21;
	s0 =	sadd.s32 $0x10, s0;
	v21 =	vadd.f32 v63, v23  }
0x33a: {  	[tilespmem:s0+$0x0] =	vst v22;
	s0 =	sadd.s32 $0x10, s0  }
0x33b: {  	[tilespmem:s0+$0x0] =	vst v21  }
0x33c: {  	[spmem:s11] =	stream.strided.scatter [tilespmem:s26], [sflag:$0x5], $0x180, s25, s24, $0x38;
	[tilespmem:$0x124D0] =	vst v63  }
.Ltmp8:
0x33d: {  	_ =	swait.ge [sflag:s28], $0x180;
	(pc) =	sbr.rel @p1 .LBB2_17-.Ltmp8, $3  }
0x33e: {  	[sflag:s28] =	ssyncset.done $0x0  }
0x33f: {  	[sflag:s28] =	ssyncadd.s32 $0xFFFFFE80  }
0x340: {  	[bflag:$0x0] =	sbarrier.arrive $0xFFFF;
	_ =	sdelay $0x1  }
0x341: {  	s0 =	rddreg [dreg:$0x7];
	s1 =	simm.s32 $0x200;
	s3 =	simm.s32 $0x11880  }
0x342: {  	[tilespmem:s3], [sflag:$0x5] =	stream.strided.gather [spmem:s0], $0x600, s25, s1, $0x38;
	[tilespmem:$0x124D0] =	vst v63  }
0x343: {  	s0 =	simm.s32 $0x0;
	_ =	swait.ge [sflag:s28], $0x600  }
0x344: {  	s12 =	sand.u32 $0x70, s0;
	s30 =	sand.u32 $0x600, s0;
	[sflag:s28] =	ssyncset.done $0x0  }
0x345: {  	s29 =	sor.u32 s12, s30;
	[sflag:s28] =	ssyncadd.s32 $0xFFFFFA00  }
0x346: {  	v21 =	vld [tilespmem:s29+$0x11900]  }
0x347: {  	s1 =	simm.s32 $0x0;
	s12 =	simm.s32 $0x10;
	v22 =	vld [tilespmem:s29+$0x11880]  }
.LBB2_15:
0x348: {  	p2 =	sne.s32 s12, $0x160;
	v23 =	vld [tilespmem:s29+$0x11980]  }
0x349: {  	v24 =	vld [tilespmem:s29+$0x11A00];
	_ =	sdelay $0x4  }
0x34a: {  	v21 =	vadd.f32 v21, v22;
	v22 =	vadd.f32 v24, v23;
	_ =	sdelay $0x1  }
.Ltmp9:
0x34b: {  	s0 =	sadd.s32 $0x40, s0;
	v21 =	vadd.f32 v22, v21;
	(pc) =	sbr.rel @p2 .LBB2_15-.Ltmp9, $4  }
0x34c: {  	s3 =	sand.u32 $0x70, s12;
	s1 =	sshra.s32 s1, $0x2;
	s29 =	sand.u32 $0x600, s0  }
0x34d: {  	s29 =	sor.u32 s3, s29;
	[tilespmem:s1+$0x11E80] =	vst v21;
	s1 =	smov.u32 s0  }
0x34e: {  	v21 =	vld [tilespmem:s29+$0x11900]  }
0x34f: {  	s12 =	sadd.s32 $0x10, s12;
	v22 =	vld [tilespmem:s29+$0x11880]  }
.Ltmp10:
0x350: {  	_ = 	snop;
	(pc) =	sbr.rel .LBB2_16-.Ltmp10, $1  }
0x351: {  	_ =	sdelay $0x3  }
.LBB2_18:
0x352: {  	_ =	sfence.sel $0x180000  }
0x353: {  	[bflag:$0x0] =	sbarrier.arrive $0xFFFF  }
0x354: {  	_ =	strace $0x90000047  }
0x355: {  	[bflag:$0x2] =	sbarrier.arrive $0xFFFF  }
0x356: {  	s0 =	rddreg [dreg:$0x5]  }
0x357: {  	s0 =	sadd.s32 @!p0 $0x100000, s0  }
0x358: {  	[sflag:s0] =	ssyncadd.tile.s32 @!p0 $0x1;
	_ =	shalt  }
.Lfunc_end2:
_tile_overlayer_lowered:
.L_overlay_start_2:
0x359: {  	(tag) =	ssettag $0x2  }
0x35a: {  	s0 =	rddreg [dreg:$0x0];
	s2 =	stileid.u32  }
0x35b: {  	s1 =	rddreg [dreg:$0x1];
	p0 =	sne.s32 s2, $0x0  }
0x35c: {  	s3 =	rddreg [dreg:$0x2];
	[bflag:$0x3] =	sbarrier.arrive $0xFFFF;
	s2 =	simm.s32 @!p0 $0x1C05  }
0x35d: {  	[timem:s3], [sflag:s2] =	dma.local @!p0 [hbm:s0], s1  }
0x35e: {  	s0 =	simm.s32 @!p0 $0x5  }
0x35f: {  	_ =	swait.ge @!p0 [sflag:s0], s1  }
0x360: {  	s1 =	ssub.s32 @!p0 $0x0, s1;
	[sflag:s0] =	ssyncset.done @!p0 $0x0  }
0x361: {  	[sflag:s0] =	ssyncadd.s32 @!p0 s1  }
0x362: {  	[bflag:$0x3] =	sbarrier.arrive $0xFFFF  }
0x363: {  	_ =	shalt  }

</sc_bundles>
